<compile_context>
chip_gen: v7x
topology: tpu7x:2x2x1
jax: 0.10.2.dev20260603
libtpu: 0.0.44.dev20260713+nightly
codegen_flags: <defaults>
</compile_context>

<pallas_src>
import functools

import jax
import jax.numpy as jnp
from jax import lax
from jax.experimental import pallas as pl
from jax.experimental.pallas import tpu as pltpu
from jax.experimental.pallas import tpu_sc as plsc

N_ENT = 100000
NNZ = 6400000
LANES = 16
CH = 2048
NCHUNKS = NNZ // CH
NW = 32
WCHUNKS = NCHUNKS // NW + 1
EXTRA = NCHUNKS - (NCHUNKS // NW) * NW
ROUNDS = (WCHUNKS + 2) // 3
NP = 100352
NPR = NP // 128

_mesh = plsc.VectorSubcoreMesh(core_axis_name="c", subcore_axis_name="s")


@functools.partial(
    pl.kernel,
    out_type=jax.ShapeDtypeStruct((NW, NP), jnp.float32),
    mesh=_mesh,
    compiler_params=pltpu.CompilerParams(needs_layout_passes=False),
    scratch_types=[
        pltpu.VMEM((NP,), jnp.float32),
        [pltpu.VMEM((CH,), jnp.int32) for _ in range(3)],
        [pltpu.VMEM((CH,), jnp.int32) for _ in range(3)],
        [pltpu.VMEM((CH,), jnp.float32) for _ in range(3)],
        [pltpu.VMEM((CH,), jnp.float32) for _ in range(3)],
        [pltpu.SemaphoreType.DMA for _ in range(3)],
        [pltpu.SemaphoreType.DMA for _ in range(3)],
    ],
)
def _sc_scatter_max(emb, vals, idx, out, acc, srcb, dstb, valb, gatb,
                    semL, semG):
    cid = lax.axis_index("c")
    sid = lax.axis_index("s")
    wid = cid * 16 + sid

    zeros = jnp.zeros((LANES,), jnp.float32)

    def zbody(i, _):
        acc[pl.ds(i * LANES, LANES)] = zeros
        return 0

    lax.fori_loop(0, NP // LANES, zbody, 0)

    nchunks_w = jnp.where(wid < EXTRA, NCHUNKS // NW + 1, NCHUNKS // NW)

    def fire_lin(c, b):
        e0 = (c * NW + wid) * CH
        pltpu.async_copy(idx.at[0, pl.ds(e0, CH)], srcb[b], semL[b])
        pltpu.async_copy(idx.at[1, pl.ds(e0, CH)], dstb[b], semL[b])
        pltpu.async_copy(vals.at[pl.ds(e0, CH)], valb[b], semL[b])

    def wait_lin(b):
        pltpu.make_async_copy(idx.at[0, pl.ds(0, CH)], srcb[b], semL[b]).wait()
        pltpu.make_async_copy(idx.at[1, pl.ds(0, CH)], dstb[b], semL[b]).wait()
        pltpu.make_async_copy(vals.at[pl.ds(0, CH)], valb[b], semL[b]).wait()

    def fire_gat(b):
        pltpu.async_copy(emb.at[srcb[b]], gatb[b], semG[b])

    def wait_gat(b):
        pltpu.make_async_copy(emb.at[srcb[b]], gatb[b], semG[b]).wait()

    def compute(b):
        K = 8

        def batch_body(t, _):
            base = t * K
            ds_ = []
            xs = []
            ys = []
            for g in range(K):
                sl = pl.ds((base + g) * LANES, LANES)
                d = dstb[b][sl]
                x = gatb[b][sl] * valb[b][sl]
                a = plsc.load_gather(acc, [d])
                ds_.append(d)
                xs.append(x)
                ys.append(jnp.maximum(a, x))
            for g in range(K):
                plsc.store_scatter(acc, [ds_[g]], ys[g])
            conf = None
            for g in range(K):
                a2 = plsc.load_gather(acc, [ds_[g]])
                c2 = xs[g] > a2
                conf = c2 if conf is None else jnp.logical_or(conf, c2)

            @pl.when(jnp.any(conf))
            def _():
                for g in range(K):
                    sl = pl.ds((base + g) * LANES, LANES)
                    d = dstb[b][sl]
                    x = gatb[b][sl] * valb[b][sl]
                    m = x > plsc.load_gather(acc, [d])

                    def wcond(mm):
                        return jnp.any(mm)

                    def wbody(mm):
                        plsc.store_scatter(acc, [d], x, mask=mm)
                        return jnp.logical_and(
                            mm, x > plsc.load_gather(acc, [d]))

                    lax.while_loop(wcond, wbody, m)
            return 0

        lax.fori_loop(0, CH // (LANES * K), batch_body, 0)

    fire_lin(0, 0)
    fire_lin(1, 1)
    wait_lin(0)
    fire_gat(0)

    def round_body(r, _):
        for b in range(3):
            c = 3 * r + b
            b1 = (b + 1) % 3
            b2 = (b + 2) % 3

            @pl.when(c < nchunks_w)
            def _():
                wait_gat(b)

            @pl.when(c + 2 < nchunks_w)
            def _():
                fire_lin(c + 2, b2)

            @pl.when(c + 1 < nchunks_w)
            def _():
                wait_lin(b1)
                fire_gat(b1)

            @pl.when(c < nchunks_w)
            def _():
                compute(b)
        return 0

    lax.fori_loop(0, ROUNDS, round_body, 0)

    pltpu.sync_copy(acc, out.at[wid])


def _tc_merge(p_ref, o_ref):
    o_ref[...] = jnp.max(p_ref[...], axis=0)


def kernel(emb_vec, rel_values, rel_indices, rel_id):
    del rel_id
    partials = _sc_scatter_max(emb_vec, rel_values, rel_indices)
    merged = pl.pallas_call(
        _tc_merge,
        grid=(7,),
        in_specs=[pl.BlockSpec((NW, NPR // 7, 128), lambda i: (0, i, 0))],
        out_specs=pl.BlockSpec((NPR // 7, 128), lambda i: (i, 0)),
        out_shape=jax.ShapeDtypeStruct((NPR, 128), jnp.float32),
    )(partials.reshape(NW, NPR, 128))
    return merged.reshape(NP)[:N_ENT]

# --- scband reference (transcript-rebuilt; emitter-appended) ---
"""Pipeline reference for scband-matrix-reasoner-11141145166220 (READ-ONLY COPY).

The authoritative reference and input builder live on the scoring server;
editing this copy changes nothing except your own understanding.
"""

import jax, jax.numpy as jnp
import numpy as np

N_ENTITIES = 100000
NNZ = 6400000  # 100000 nodes * avg_degree 64


def setup_inputs(seed: int = 0) -> dict:
    key = jax.random.key(seed)
    k1, k2, k3, k4 = jax.random.split(key, 4)
    # forward arg: fuzzy membership vector over entities in [0, 1]
    emb_vec = jax.random.uniform(k1, (N_ENTITIES,), dtype=jnp.float32)
    # learned/loaded parameter: sparse COO relation matrix P_0 of shape
    # [n_entities, n_entities] with NNZ nonzeros. row = src entity (a),
    # col = dst entity (b), value = transition weight rels[a, b].
    src = jax.random.randint(k2, (NNZ,), 0, N_ENTITIES, dtype=jnp.int32)
    dst = jax.random.randint(k3, (NNZ,), 0, N_ENTITIES, dtype=jnp.int32)
    rel_indices = jnp.stack([src, dst], axis=0)
    rel_values = jax.random.uniform(k4, (NNZ,), dtype=jnp.float32)
    rel_id = 0
    return {"emb_vec": emb_vec, "rel_values": rel_values, "rel_indices": rel_indices, "rel_id": rel_id}


def reference(emb_vec, rel_values, rel_indices, rel_id):
    # Original torch forward:
    #   supp = (emb_vec * rels[rel_id].T).T.coalesce()
    #   -> supp[a, b] = emb_vec[a] * rels[a, b] for each nonzero (a, b)
    #   res = scatter_max(supp.values(), supp.indices()[1], dim_size=n_entities)[0]
    # i.e. res[b] = max over incoming edges a->b of emb_vec[a] * rels[a, b],
    # with entries for empty segments left at 0 (torch_scatter zero init).
    del rel_id  # single relation materialized in this reference
    src = rel_indices[0]
    dst = rel_indices[1]
    vals = emb_vec[src] * rel_values  # gather + elementwise (memory-bound)
    res = jax.ops.segment_max(vals, dst, num_segments=emb_vec.shape[0])
    res = jnp.where(jnp.isneginf(res), jnp.float32(0.0), res)
    return res

if __name__ == "__main__":
    import jax
    _d = setup_inputs()
    print(jax.jit(kernel)(*tuple(_d.values())))

</pallas_src>

<mosaic_0001>
#map = affine_map<(d0, d1) -> (0)>
#map1 = affine_map<(d0, d1) -> (0, 0)>
module attributes {stable_mosaic.version = 14 : i64} {
  func.func @_sc_scatter_max(%arg0: i32, %arg1: i32, %arg2: memref<100000xf32, #tpu.memory_space<hbm>>, %arg3: memref<6400000xf32, #tpu.memory_space<hbm>>, %arg4: memref<2x6400000xi32, #tpu.memory_space<hbm>>, %arg5: memref<32x100352xf32, #tpu.memory_space<hbm>>, %arg6: memref<100352xf32, #tpu.memory_space<vmem>>, %arg7: memref<2048xi32, #tpu.memory_space<vmem>>, %arg8: memref<2048xi32, #tpu.memory_space<vmem>>, %arg9: memref<2048xi32, #tpu.memory_space<vmem>>, %arg10: memref<2048xi32, #tpu.memory_space<vmem>>, %arg11: memref<2048xi32, #tpu.memory_space<vmem>>, %arg12: memref<2048xi32, #tpu.memory_space<vmem>>, %arg13: memref<2048xf32, #tpu.memory_space<vmem>>, %arg14: memref<2048xf32, #tpu.memory_space<vmem>>, %arg15: memref<2048xf32, #tpu.memory_space<vmem>>, %arg16: memref<2048xf32, #tpu.memory_space<vmem>>, %arg17: memref<2048xf32, #tpu.memory_space<vmem>>, %arg18: memref<2048xf32, #tpu.memory_space<vmem>>, %arg19: memref<!tpu.dma_semaphore, #tpu.memory_space<semaphore_mem>>, %arg20: memref<!tpu.dma_semaphore, #tpu.memory_space<semaphore_mem>>, %arg21: memref<!tpu.dma_semaphore, #tpu.memory_space<semaphore_mem>>, %arg22: memref<!tpu.dma_semaphore, #tpu.memory_space<semaphore_mem>>, %arg23: memref<!tpu.dma_semaphore, #tpu.memory_space<semaphore_mem>>, %arg24: memref<!tpu.dma_semaphore, #tpu.memory_space<semaphore_mem>>) attributes {dimension_semantics = [#tpu.dimension_semantics<core_parallel>, #tpu.dimension_semantics<subcore_parallel>], iteration_bounds = array<i64: 2, 16>, scalar_prefetch = 0 : i64, scratch_operands = 19 : i64, tpu.core_type = #tpu.core_type<sc_vector_subcore>, window_params = [{transform_indices = #map}, {transform_indices = #map}, {transform_indices = #map1}, {transform_indices = #map1}]} {
    %mul3A = arith.constant 16 : i32
    %mul3A_0 = arith.muli %arg0, %mul3A : i32
    %add3A = arith.addi %mul3A_0, %arg1 : i32
    %broadcast_in_dim3A = arith.constant 0.000000e+00 : f32
    %broadcast_in_dim3A_1 = vector.broadcast %broadcast_in_dim3A : f32 to vector<16xf32>
    %scan3A = arith.constant 0 : i32
    %scan3A_2 = arith.constant 0 : i32
    %scan3A_3 = arith.constant 6272 : i32
    %scan3A_4 = arith.addi %scan3A_2, %scan3A_3 : i32
    %scan3A_5 = arith.constant 1 : i32
    %scan3A_6 = scf.for %scan3A_67 = %scan3A_2 to %scan3A_4 step %scan3A_5 iter_args(%scan3A_68 = %scan3A) -> (i32)  : i32 {
      %mul3A_69 = arith.constant 16 : i32
      %mul3A_70 = arith.muli %scan3A_67, %mul3A_69 : i32
      %swap3A = arith.index_cast %mul3A_70 : i32 to index
      %swap3A_71 = tpu.vector_load %arg6[%swap3A] {strides = array<i32>} : memref<100352xf32, #tpu.memory_space<vmem>>, vector<16xf32>,
      tpu.vector_store %arg6[%swap3A], %broadcast_in_dim3A_1 {strides = array<i32>} : memref<100352xf32, #tpu.memory_space<vmem>>, vector<16xf32>,
      %scan3A_72 = arith.constant 0 : i32
      scf.yield %scan3A_72 : i32
    }
    %scan3A_7 = arith.constant 6272 : i32
    %lt3A = arith.constant 21 : i32
    %lt3A_8 = arith.cmpi slt, %add3A, %lt3A : i32
    %jit3A = arith.constant 98 : i32
    %jit3A_9 = arith.constant 97 : i32
    %select_n3A = arith.select %lt3A_8, %jit3A, %jit3A_9 : i32
    %add3A_10 = arith.constant 0 : i32
    %add3A_11 = arith.addi %add3A_10, %add3A : i32
    %mul3A_12 = arith.constant 2048 : i32
    %mul3A_13 = arith.muli %add3A_11, %mul3A_12 : i32
    %dma_start3A = arith.constant 0 : i32
    %dma_start3A_14 = tpu.memref_slice %arg4[%dma_start3A, %mul3A_13] : memref<2x6400000xi32, #tpu.memory_space<hbm>> -> memref<1x2048xi32, #tpu.memory_space<hbm>>
    %dma_start3A_15 = tpu.memref_squeeze %dma_start3A_14 : memref<1x2048xi32, #tpu.memory_space<hbm>> -> memref<2048xi32, #tpu.memory_space<hbm>>
    %dma_start3A_16 = tpu.memref_slice %arg4[%dma_start3A, %mul3A_13] : memref<2x6400000xi32, #tpu.memory_space<hbm>> -> memref<1x2048xi32, #tpu.memory_space<hbm>>
    %dma_start3A_17 = tpu.memref_squeeze %dma_start3A_16 : memref<1x2048xi32, #tpu.memory_space<hbm>> -> memref<2048xi32, #tpu.memory_space<hbm>>
    tpu.enqueue_dma source(%dma_start3A_17 : memref<2048xi32, #tpu.memory_space<hbm>>) target(%arg7 : memref<2048xi32, #tpu.memory_space<vmem>>) target_semaphore(%arg19 : memref<!tpu.dma_semaphore, #tpu.memory_space<semaphore_mem>>)
    %dma_start3A_18 = arith.constant 1 : i32
    %dma_start3A_19 = tpu.memref_slice %arg4[%dma_start3A_18, %mul3A_13] : memref<2x6400000xi32, #tpu.memory_space<hbm>> -> memref<1x2048xi32, #tpu.memory_space<hbm>>
    %dma_start3A_20 = tpu.memref_squeeze %dma_start3A_19 : memref<1x2048xi32, #tpu.memory_space<hbm>> -> memref<2048xi32, #tpu.memory_space<hbm>>
    %dma_start3A_21 = tpu.memref_slice %arg4[%dma_start3A_18, %mul3A_13] : memref<2x6400000xi32, #tpu.memory_space<hbm>> -> memref<1x2048xi32, #tpu.memory_space<hbm>>
    %dma_start3A_22 = tpu.memref_squeeze %dma_start3A_21 : memref<1x2048xi32, #tpu.memory_space<hbm>> -> memref<2048xi32, #tpu.memory_space<hbm>>
    tpu.enqueue_dma source(%dma_start3A_22 : memref<2048xi32, #tpu.memory_space<hbm>>) target(%arg10 : memref<2048xi32, #tpu.memory_space<vmem>>) target_semaphore(%arg19 : memref<!tpu.dma_semaphore, #tpu.memory_space<semaphore_mem>>)
    %dma_start3A_23 = tpu.memref_slice %arg3[%mul3A_13] : memref<6400000xf32, #tpu.memory_space<hbm>> -> memref<2048xf32, #tpu.memory_space<hbm>>
    %dma_start3A_24 = tpu.memref_slice %arg3[%mul3A_13] : memref<6400000xf32, #tpu.memory_space<hbm>> -> memref<2048xf32, #tpu.memory_space<hbm>>
    tpu.enqueue_dma source(%dma_start3A_24 : memref<2048xf32, #tpu.memory_space<hbm>>) target(%arg13 : memref<2048xf32, #tpu.memory_space<vmem>>) target_semaphore(%arg19 : memref<!tpu.dma_semaphore, #tpu.memory_space<semaphore_mem>>)
    %add3A_25 = arith.constant 32 : i32
    %add3A_26 = arith.addi %add3A_25, %add3A : i32
    %mul3A_27 = arith.constant 2048 : i32
    %mul3A_28 = arith.muli %add3A_26, %mul3A_27 : i32
    %dma_start3A_29 = arith.constant 0 : i32
    %dma_start3A_30 = tpu.memref_slice %arg4[%dma_start3A_29, %mul3A_28] : memref<2x6400000xi32, #tpu.memory_space<hbm>> -> memref<1x2048xi32, #tpu.memory_space<hbm>>
    %dma_start3A_31 = tpu.memref_squeeze %dma_start3A_30 : memref<1x2048xi32, #tpu.memory_space<hbm>> -> memref<2048xi32, #tpu.memory_space<hbm>>
    %dma_start3A_32 = tpu.memref_slice %arg4[%dma_start3A_29, %mul3A_28] : memref<2x6400000xi32, #tpu.memory_space<hbm>> -> memref<1x2048xi32, #tpu.memory_space<hbm>>
    %dma_start3A_33 = tpu.memref_squeeze %dma_start3A_32 : memref<1x2048xi32, #tpu.memory_space<hbm>> -> memref<2048xi32, #tpu.memory_space<hbm>>
    tpu.enqueue_dma source(%dma_start3A_33 : memref<2048xi32, #tpu.memory_space<hbm>>) target(%arg8 : memref<2048xi32, #tpu.memory_space<vmem>>) target_semaphore(%arg20 : memref<!tpu.dma_semaphore, #tpu.memory_space<semaphore_mem>>)
    %dma_start3A_34 = arith.constant 1 : i32
    %dma_start3A_35 = tpu.memref_slice %arg4[%dma_start3A_34, %mul3A_28] : memref<2x6400000xi32, #tpu.memory_space<hbm>> -> memref<1x2048xi32, #tpu.memory_space<hbm>>
    %dma_start3A_36 = tpu.memref_squeeze %dma_start3A_35 : memref<1x2048xi32, #tpu.memory_space<hbm>> -> memref<2048xi32, #tpu.memory_space<hbm>>
    %dma_start3A_37 = tpu.memref_slice %arg4[%dma_start3A_34, %mul3A_28] : memref<2x6400000xi32, #tpu.memory_space<hbm>> -> memref<1x2048xi32, #tpu.memory_space<hbm>>
    %dma_start3A_38 = tpu.memref_squeeze %dma_start3A_37 : memref<1x2048xi32, #tpu.memory_space<hbm>> -> memref<2048xi32, #tpu.memory_space<hbm>>
    tpu.enqueue_dma source(%dma_start3A_38 : memref<2048xi32, #tpu.memory_space<hbm>>) target(%arg11 : memref<2048xi32, #tpu.memory_space<vmem>>) target_semaphore(%arg20 : memref<!tpu.dma_semaphore, #tpu.memory_space<semaphore_mem>>)
    %dma_start3A_39 = tpu.memref_slice %arg3[%mul3A_28] : memref<6400000xf32, #tpu.memory_space<hbm>> -> memref<2048xf32, #tpu.memory_space<hbm>>
    %dma_start3A_40 = tpu.memref_slice %arg3[%mul3A_28] : memref<6400000xf32, #tpu.memory_space<hbm>> -> memref<2048xf32, #tpu.memory_space<hbm>>
    tpu.enqueue_dma source(%dma_start3A_40 : memref<2048xf32, #tpu.memory_space<hbm>>) target(%arg14 : memref<2048xf32, #tpu.memory_space<vmem>>) target_semaphore(%arg20 : memref<!tpu.dma_semaphore, #tpu.memory_space<semaphore_mem>>)
    %dma_wait3A = arith.constant 0 : i32
    %dma_wait3A_41 = arith.constant 0 : i32
    %dma_wait3A_42 = tpu.memref_slice %arg4[%dma_wait3A, %dma_wait3A_41] : memref<2x6400000xi32, #tpu.memory_space<hbm>> -> memref<1x2048xi32, #tpu.memory_space<hbm>>
    %dma_wait3A_43 = tpu.memref_squeeze %dma_wait3A_42 : memref<1x2048xi32, #tpu.memory_space<hbm>> -> memref<2048xi32, #tpu.memory_space<hbm>>
    %dma_wait3A_44 = arith.constant 0 : i32
    %dma_wait3A_45 = tpu.memref_slice %arg4[%dma_wait3A, %dma_wait3A_44] : memref<2x6400000xi32, #tpu.memory_space<hbm>> -> memref<1x2048xi32, #tpu.memory_space<hbm>>
    %dma_wait3A_46 = tpu.memref_squeeze %dma_wait3A_45 : memref<1x2048xi32, #tpu.memory_space<hbm>> -> memref<2048xi32, #tpu.memory_space<hbm>>
    tpu.wait_dma2 semaphore(%arg19 : memref<!tpu.dma_semaphore, #tpu.memory_space<semaphore_mem>>) src(%dma_wait3A_46 : memref<2048xi32, #tpu.memory_space<hbm>>) dst(%arg7 : memref<2048xi32, #tpu.memory_space<vmem>>)
    %dma_wait3A_47 = arith.constant 1 : i32
    %dma_wait3A_48 = arith.constant 0 : i32
    %dma_wait3A_49 = tpu.memref_slice %arg4[%dma_wait3A_47, %dma_wait3A_48] : memref<2x6400000xi32, #tpu.memory_space<hbm>> -> memref<1x2048xi32, #tpu.memory_space<hbm>>
    %dma_wait3A_50 = tpu.memref_squeeze %dma_wait3A_49 : memref<1x2048xi32, #tpu.memory_space<hbm>> -> memref<2048xi32, #tpu.memory_space<hbm>>
    %dma_wait3A_51 = arith.constant 0 : i32
    %dma_wait3A_52 = tpu.memref_slice %arg4[%dma_wait3A_47, %dma_wait3A_51] : memref<2x6400000xi32, #tpu.memory_space<hbm>> -> memref<1x2048xi32, #tpu.memory_space<hbm>>
    %dma_wait3A_53 = tpu.memref_squeeze %dma_wait3A_52 : memref<1x2048xi32, #tpu.memory_space<hbm>> -> memref<2048xi32, #tpu.memory_space<hbm>>
    tpu.wait_dma2 semaphore(%arg19 : memref<!tpu.dma_semaphore, #tpu.memory_space<semaphore_mem>>) src(%dma_wait3A_53 : memref<2048xi32, #tpu.memory_space<hbm>>) dst(%arg10 : memref<2048xi32, #tpu.memory_space<vmem>>)
    %dma_wait3A_54 = arith.constant 0 : i32
    %dma_wait3A_55 = tpu.memref_slice %arg3[%dma_wait3A_54] : memref<6400000xf32, #tpu.memory_space<hbm>> -> memref<2048xf32, #tpu.memory_space<hbm>>
    %dma_wait3A_56 = arith.constant 0 : i32
    %dma_wait3A_57 = tpu.memref_slice %arg3[%dma_wait3A_56] : memref<6400000xf32, #tpu.memory_space<hbm>> -> memref<2048xf32, #tpu.memory_space<hbm>>
    tpu.wait_dma2 semaphore(%arg19 : memref<!tpu.dma_semaphore, #tpu.memory_space<semaphore_mem>>) src(%dma_wait3A_57 : memref<2048xf32, #tpu.memory_space<hbm>>) dst(%arg13 : memref<2048xf32, #tpu.memory_space<vmem>>)
    %dma_start3A_58 = arith.constant 0 : i32
    %dma_start3A_59 = tpu.memref_slice %arg2[%dma_start3A_58] : memref<100000xf32, #tpu.memory_space<hbm>> -> memref<100000xf32, #tpu.memory_space<hbm>>
    tpu.enqueue_indirect_dma source(%dma_start3A_59 : memref<100000xf32, #tpu.memory_space<hbm>>) target(%arg16 : memref<2048xf32, #tpu.memory_space<vmem>>) offsets(%arg7 : memref<2048xi32, #tpu.memory_space<vmem>>) semaphore(%arg22 : memref<!tpu.dma_semaphore, #tpu.memory_space<semaphore_mem>>)
    %scan3A_60 = arith.constant 0 : i32
    %scan3A_61 = arith.constant 0 : i32
    %scan3A_62 = arith.constant 33 : i32
    %scan3A_63 = arith.addi %scan3A_61, %scan3A_62 : i32
    %scan3A_64 = arith.constant 1 : i32
    %scan3A_65 = scf.for %scan3A_67 = %scan3A_61 to %scan3A_63 step %scan3A_64 iter_args(%scan3A_68 = %scan3A_60) -> (i32)  : i32 {
      %mul3A_69 = arith.constant 3 : i32
      %mul3A_70 = arith.muli %mul3A_69, %scan3A_67 : i32
      %add3A_71 = arith.constant 0 : i32
      %add3A_72 = arith.addi %mul3A_70, %add3A_71 : i32
      %lt3A_73 = arith.cmpi slt, %add3A_72, %select_n3A : i32
      %convert_element_type3A = arith.extui %lt3A_73 : i1 to i32
      %cond3A = arith.constant 0 : i32
      %cond3A_74 = arith.cmpi ne, %convert_element_type3A, %cond3A : i32
      scf.if %cond3A_74 {
        %dma_wait3A_140 = arith.constant 0 : i32
        %dma_wait3A_141 = tpu.memref_slice %arg2[%dma_wait3A_140] : memref<100000xf32, #tpu.memory_space<hbm>> -> memref<100000xf32, #tpu.memory_space<hbm>>
        tpu.wait_indirect_dma semaphore(%arg22 : memref<!tpu.dma_semaphore, #tpu.memory_space<semaphore_mem>>) src(%dma_wait3A_141 : memref<100000xf32, #tpu.memory_space<hbm>>) dst(%arg16 : memref<2048xf32, #tpu.memory_space<vmem>>)
      } else {
      }
      %add3A_75 = arith.constant 2 : i32
      %add3A_76 = arith.addi %add3A_72, %add3A_75 : i32
      %lt3A_77 = arith.cmpi slt, %add3A_76, %select_n3A : i32
      %convert_element_type3A_78 = arith.extui %lt3A_77 : i1 to i32
      %cond3A_79 = arith.constant 0 : i32
      %cond3A_80 = arith.cmpi ne, %convert_element_type3A_78, %cond3A_79 : i32
      scf.if %cond3A_80 {
        %add3A_140 = arith.constant 2 : i32
        %add3A_141 = arith.addi %add3A_72, %add3A_140 : i32
        %mul3A_142 = arith.constant 32 : i32
        %mul3A_143 = arith.muli %add3A_141, %mul3A_142 : i32
        %add3A_144 = arith.addi %mul3A_143, %add3A : i32
        %mul3A_145 = arith.constant 2048 : i32
        %mul3A_146 = arith.muli %add3A_144, %mul3A_145 : i32
        %dma_start3A_147 = arith.constant 0 : i32
        %dma_start3A_148 = tpu.memref_slice %arg4[%dma_start3A_147, %mul3A_146] : memref<2x6400000xi32, #tpu.memory_space<hbm>> -> memref<1x2048xi32, #tpu.memory_space<hbm>>
        %dma_start3A_149 = tpu.memref_squeeze %dma_start3A_148 : memref<1x2048xi32, #tpu.memory_space<hbm>> -> memref<2048xi32, #tpu.memory_space<hbm>>
        %dma_start3A_150 = tpu.memref_slice %arg4[%dma_start3A_147, %mul3A_146] : memref<2x6400000xi32, #tpu.memory_space<hbm>> -> memref<1x2048xi32, #tpu.memory_space<hbm>>
        %dma_start3A_151 = tpu.memref_squeeze %dma_start3A_150 : memref<1x2048xi32, #tpu.memory_space<hbm>> -> memref<2048xi32, #tpu.memory_space<hbm>>
        tpu.enqueue_dma source(%dma_start3A_151 : memref<2048xi32, #tpu.memory_space<hbm>>) target(%arg9 : memref<2048xi32, #tpu.memory_space<vmem>>) target_semaphore(%arg21 : memref<!tpu.dma_semaphore, #tpu.memory_space<semaphore_mem>>)
        %dma_start3A_152 = arith.constant 1 : i32
        %dma_start3A_153 = tpu.memref_slice %arg4[%dma_start3A_152, %mul3A_146] : memref<2x6400000xi32, #tpu.memory_space<hbm>> -> memref<1x2048xi32, #tpu.memory_space<hbm>>
        %dma_start3A_154 = tpu.memref_squeeze %dma_start3A_153 : memref<1x2048xi32, #tpu.memory_space<hbm>> -> memref<2048xi32, #tpu.memory_space<hbm>>
        %dma_start3A_155 = tpu.memref_slice %arg4[%dma_start3A_152, %mul3A_146] : memref<2x6400000xi32, #tpu.memory_space<hbm>> -> memref<1x2048xi32, #tpu.memory_space<hbm>>
        %dma_start3A_156 = tpu.memref_squeeze %dma_start3A_155 : memref<1x2048xi32, #tpu.memory_space<hbm>> -> memref<2048xi32, #tpu.memory_space<hbm>>
        tpu.enqueue_dma source(%dma_start3A_156 : memref<2048xi32, #tpu.memory_space<hbm>>) target(%arg12 : memref<2048xi32, #tpu.memory_space<vmem>>) target_semaphore(%arg21 : memref<!tpu.dma_semaphore, #tpu.memory_space<semaphore_mem>>)
        %dma_start3A_157 = tpu.memref_slice %arg3[%mul3A_146] : memref<6400000xf32, #tpu.memory_space<hbm>> -> memref<2048xf32, #tpu.memory_space<hbm>>
        %dma_start3A_158 = tpu.memref_slice %arg3[%mul3A_146] : memref<6400000xf32, #tpu.memory_space<hbm>> -> memref<2048xf32, #tpu.memory_space<hbm>>
        tpu.enqueue_dma source(%dma_start3A_158 : memref<2048xf32, #tpu.memory_space<hbm>>) target(%arg15 : memref<2048xf32, #tpu.memory_space<vmem>>) target_semaphore(%arg21 : memref<!tpu.dma_semaphore, #tpu.memory_space<semaphore_mem>>)
      } else {
      }
      %add3A_81 = arith.constant 1 : i32
      %add3A_82 = arith.addi %add3A_72, %add3A_81 : i32
      %lt3A_83 = arith.cmpi slt, %add3A_82, %select_n3A : i32
      %convert_element_type3A_84 = arith.extui %lt3A_83 : i1 to i32
      %cond3A_85 = arith.constant 0 : i32
      %cond3A_86 = arith.cmpi ne, %convert_element_type3A_84, %cond3A_85 : i32
      scf.if %cond3A_86 {
        %dma_wait3A_140 = arith.constant 0 : i32
        %dma_wait3A_141 = arith.constant 0 : i32
        %dma_wait3A_142 = tpu.memref_slice %arg4[%dma_wait3A_140, %dma_wait3A_141] : memref<2x6400000xi32, #tpu.memory_space<hbm>> -> memref<1x2048xi32, #tpu.memory_space<hbm>>
        %dma_wait3A_143 = tpu.memref_squeeze %dma_wait3A_142 : memref<1x2048xi32, #tpu.memory_space<hbm>> -> memref<2048xi32, #tpu.memory_space<hbm>>
        %dma_wait3A_144 = arith.constant 0 : i32
        %dma_wait3A_145 = tpu.memref_slice %arg4[%dma_wait3A_140, %dma_wait3A_144] : memref<2x6400000xi32, #tpu.memory_space<hbm>> -> memref<1x2048xi32, #tpu.memory_space<hbm>>
        %dma_wait3A_146 = tpu.memref_squeeze %dma_wait3A_145 : memref<1x2048xi32, #tpu.memory_space<hbm>> -> memref<2048xi32, #tpu.memory_space<hbm>>
        tpu.wait_dma2 semaphore(%arg20 : memref<!tpu.dma_semaphore, #tpu.memory_space<semaphore_mem>>) src(%dma_wait3A_146 : memref<2048xi32, #tpu.memory_space<hbm>>) dst(%arg8 : memref<2048xi32, #tpu.memory_space<vmem>>)
        %dma_wait3A_147 = arith.constant 1 : i32
        %dma_wait3A_148 = arith.constant 0 : i32
        %dma_wait3A_149 = tpu.memref_slice %arg4[%dma_wait3A_147, %dma_wait3A_148] : memref<2x6400000xi32, #tpu.memory_space<hbm>> -> memref<1x2048xi32, #tpu.memory_space<hbm>>
        %dma_wait3A_150 = tpu.memref_squeeze %dma_wait3A_149 : memref<1x2048xi32, #tpu.memory_space<hbm>> -> memref<2048xi32, #tpu.memory_space<hbm>>
        %dma_wait3A_151 = arith.constant 0 : i32
        %dma_wait3A_152 = tpu.memref_slice %arg4[%dma_wait3A_147, %dma_wait3A_151] : memref<2x6400000xi32, #tpu.memory_space<hbm>> -> memref<1x2048xi32, #tpu.memory_space<hbm>>
        %dma_wait3A_153 = tpu.memref_squeeze %dma_wait3A_152 : memref<1x2048xi32, #tpu.memory_space<hbm>> -> memref<2048xi32, #tpu.memory_space<hbm>>
        tpu.wait_dma2 semaphore(%arg20 : memref<!tpu.dma_semaphore, #tpu.memory_space<semaphore_mem>>) src(%dma_wait3A_153 : memref<2048xi32, #tpu.memory_space<hbm>>) dst(%arg11 : memref<2048xi32, #tpu.memory_space<vmem>>)
        %dma_wait3A_154 = arith.constant 0 : i32
        %dma_wait3A_155 = tpu.memref_slice %arg3[%dma_wait3A_154] : memref<6400000xf32, #tpu.memory_space<hbm>> -> memref<2048xf32, #tpu.memory_space<hbm>>
        %dma_wait3A_156 = arith.constant 0 : i32
        %dma_wait3A_157 = tpu.memref_slice %arg3[%dma_wait3A_156] : memref<6400000xf32, #tpu.memory_space<hbm>> -> memref<2048xf32, #tpu.memory_space<hbm>>
        tpu.wait_dma2 semaphore(%arg20 : memref<!tpu.dma_semaphore, #tpu.memory_space<semaphore_mem>>) src(%dma_wait3A_157 : memref<2048xf32, #tpu.memory_space<hbm>>) dst(%arg14 : memref<2048xf32, #tpu.memory_space<vmem>>)
        %dma_start3A_158 = arith.constant 0 : i32
        %dma_start3A_159 = tpu.memref_slice %arg2[%dma_start3A_158] : memref<100000xf32, #tpu.memory_space<hbm>> -> memref<100000xf32, #tpu.memory_space<hbm>>
        tpu.enqueue_indirect_dma source(%dma_start3A_159 : memref<100000xf32, #tpu.memory_space<hbm>>) target(%arg17 : memref<2048xf32, #tpu.memory_space<vmem>>) offsets(%arg8 : memref<2048xi32, #tpu.memory_space<vmem>>) semaphore(%arg23 : memref<!tpu.dma_semaphore, #tpu.memory_space<semaphore_mem>>)
      } else {
      }
      %lt3A_87 = arith.cmpi slt, %add3A_72, %select_n3A : i32
      %convert_element_type3A_88 = arith.extui %lt3A_87 : i1 to i32
      %cond3A_89 = arith.constant 0 : i32
      %cond3A_90 = arith.cmpi ne, %convert_element_type3A_88, %cond3A_89 : i32
      scf.if %cond3A_90 {
        %scan3A_140 = arith.constant 0 : i32
        %scan3A_141 = arith.constant 0 : i32
        %scan3A_142 = arith.constant 16 : i32
        %scan3A_143 = arith.addi %scan3A_141, %scan3A_142 : i32
        %scan3A_144 = arith.constant 1 : i32
        %scan3A_145 = scf.for %scan3A_147 = %scan3A_141 to %scan3A_143 step %scan3A_144 iter_args(%scan3A_148 = %scan3A_140) -> (i32)  : i32 {
          %mul3A_149 = arith.constant 8 : i32
          %mul3A_150 = arith.muli %scan3A_147, %mul3A_149 : i32
          %add3A_151 = arith.constant 0 : i32
          %add3A_152 = arith.addi %mul3A_150, %add3A_151 : i32
          %mul3A_153 = arith.constant 16 : i32
          %mul3A_154 = arith.muli %add3A_152, %mul3A_153 : i32
          %get3A = arith.index_cast %mul3A_154 : i32 to index
          %get3A_155 = tpu.vector_load %arg10[%get3A] {strides = array<i32>} : memref<2048xi32, #tpu.memory_space<vmem>>, vector<16xi32>,
          %get3A_156 = arith.index_cast %mul3A_154 : i32 to index
          %get3A_157 = tpu.vector_load %arg16[%get3A_156] {strides = array<i32>} : memref<2048xf32, #tpu.memory_space<vmem>>, vector<16xf32>,
          %get3A_158 = arith.index_cast %mul3A_154 : i32 to index
          %get3A_159 = tpu.vector_load %arg13[%get3A_158] {strides = array<i32>} : memref<2048xf32, #tpu.memory_space<vmem>>, vector<16xf32>,
          %mul3A_160 = arith.mulf %get3A_157, %get3A_159 : vector<16xf32>
          %gather3A = tpu.vector_load_idx %arg6[%get3A_155] : memref<100352xf32, #tpu.memory_space<vmem>>[vector<16xi32>], vector<16xf32>,
          %max3A = arith.maximumf %gather3A, %mul3A_160 : vector<16xf32>
          %add3A_161 = arith.constant 1 : i32
          %add3A_162 = arith.addi %mul3A_150, %add3A_161 : i32
          %mul3A_163 = arith.constant 16 : i32
          %mul3A_164 = arith.muli %add3A_162, %mul3A_163 : i32
          %get3A_165 = arith.index_cast %mul3A_164 : i32 to index
          %get3A_166 = tpu.vector_load %arg10[%get3A_165] {strides = array<i32>} : memref<2048xi32, #tpu.memory_space<vmem>>, vector<16xi32>,
          %get3A_167 = arith.index_cast %mul3A_164 : i32 to index
          %get3A_168 = tpu.vector_load %arg16[%get3A_167] {strides = array<i32>} : memref<2048xf32, #tpu.memory_space<vmem>>, vector<16xf32>,
          %get3A_169 = arith.index_cast %mul3A_164 : i32 to index
          %get3A_170 = tpu.vector_load %arg13[%get3A_169] {strides = array<i32>} : memref<2048xf32, #tpu.memory_space<vmem>>, vector<16xf32>,
          %mul3A_171 = arith.mulf %get3A_168, %get3A_170 : vector<16xf32>
          %gather3A_172 = tpu.vector_load_idx %arg6[%get3A_166] : memref<100352xf32, #tpu.memory_space<vmem>>[vector<16xi32>], vector<16xf32>,
          %max3A_173 = arith.maximumf %gather3A_172, %mul3A_171 : vector<16xf32>
          %add3A_174 = arith.constant 2 : i32
          %add3A_175 = arith.addi %mul3A_150, %add3A_174 : i32
          %mul3A_176 = arith.constant 16 : i32
          %mul3A_177 = arith.muli %add3A_175, %mul3A_176 : i32
          %get3A_178 = arith.index_cast %mul3A_177 : i32 to index
          %get3A_179 = tpu.vector_load %arg10[%get3A_178] {strides = array<i32>} : memref<2048xi32, #tpu.memory_space<vmem>>, vector<16xi32>,
          %get3A_180 = arith.index_cast %mul3A_177 : i32 to index
          %get3A_181 = tpu.vector_load %arg16[%get3A_180] {strides = array<i32>} : memref<2048xf32, #tpu.memory_space<vmem>>, vector<16xf32>,
          %get3A_182 = arith.index_cast %mul3A_177 : i32 to index
          %get3A_183 = tpu.vector_load %arg13[%get3A_182] {strides = array<i32>} : memref<2048xf32, #tpu.memory_space<vmem>>, vector<16xf32>,
          %mul3A_184 = arith.mulf %get3A_181, %get3A_183 : vector<16xf32>
          %gather3A_185 = tpu.vector_load_idx %arg6[%get3A_179] : memref<100352xf32, #tpu.memory_space<vmem>>[vector<16xi32>], vector<16xf32>,
          %max3A_186 = arith.maximumf %gather3A_185, %mul3A_184 : vector<16xf32>
          %add3A_187 = arith.constant 3 : i32
          %add3A_188 = arith.addi %mul3A_150, %add3A_187 : i32
          %mul3A_189 = arith.constant 16 : i32
          %mul3A_190 = arith.muli %add3A_188, %mul3A_189 : i32
          %get3A_191 = arith.index_cast %mul3A_190 : i32 to index
          %get3A_192 = tpu.vector_load %arg10[%get3A_191] {strides = array<i32>} : memref<2048xi32, #tpu.memory_space<vmem>>, vector<16xi32>,
          %get3A_193 = arith.index_cast %mul3A_190 : i32 to index
          %get3A_194 = tpu.vector_load %arg16[%get3A_193] {strides = array<i32>} : memref<2048xf32, #tpu.memory_space<vmem>>, vector<16xf32>,
          %get3A_195 = arith.index_cast %mul3A_190 : i32 to index
          %get3A_196 = tpu.vector_load %arg13[%get3A_195] {strides = array<i32>} : memref<2048xf32, #tpu.memory_space<vmem>>, vector<16xf32>,
          %mul3A_197 = arith.mulf %get3A_194, %get3A_196 : vector<16xf32>
          %gather3A_198 = tpu.vector_load_idx %arg6[%get3A_192] : memref<100352xf32, #tpu.memory_space<vmem>>[vector<16xi32>], vector<16xf32>,
          %max3A_199 = arith.maximumf %gather3A_198, %mul3A_197 : vector<16xf32>
          %add3A_200 = arith.constant 4 : i32
          %add3A_201 = arith.addi %mul3A_150, %add3A_200 : i32
          %mul3A_202 = arith.constant 16 : i32
          %mul3A_203 = arith.muli %add3A_201, %mul3A_202 : i32
          %get3A_204 = arith.index_cast %mul3A_203 : i32 to index
          %get3A_205 = tpu.vector_load %arg10[%get3A_204] {strides = array<i32>} : memref<2048xi32, #tpu.memory_space<vmem>>, vector<16xi32>,
          %get3A_206 = arith.index_cast %mul3A_203 : i32 to index
          %get3A_207 = tpu.vector_load %arg16[%get3A_206] {strides = array<i32>} : memref<2048xf32, #tpu.memory_space<vmem>>, vector<16xf32>,
          %get3A_208 = arith.index_cast %mul3A_203 : i32 to index
          %get3A_209 = tpu.vector_load %arg13[%get3A_208] {strides = array<i32>} : memref<2048xf32, #tpu.memory_space<vmem>>, vector<16xf32>,
          %mul3A_210 = arith.mulf %get3A_207, %get3A_209 : vector<16xf32>
          %gather3A_211 = tpu.vector_load_idx %arg6[%get3A_205] : memref<100352xf32, #tpu.memory_space<vmem>>[vector<16xi32>], vector<16xf32>,
          %max3A_212 = arith.maximumf %gather3A_211, %mul3A_210 : vector<16xf32>
          %add3A_213 = arith.constant 5 : i32
          %add3A_214 = arith.addi %mul3A_150, %add3A_213 : i32
          %mul3A_215 = arith.constant 16 : i32
          %mul3A_216 = arith.muli %add3A_214, %mul3A_215 : i32
          %get3A_217 = arith.index_cast %mul3A_216 : i32 to index
          %get3A_218 = tpu.vector_load %arg10[%get3A_217] {strides = array<i32>} : memref<2048xi32, #tpu.memory_space<vmem>>, vector<16xi32>,
          %get3A_219 = arith.index_cast %mul3A_216 : i32 to index
          %get3A_220 = tpu.vector_load %arg16[%get3A_219] {strides = array<i32>} : memref<2048xf32, #tpu.memory_space<vmem>>, vector<16xf32>,
          %get3A_221 = arith.index_cast %mul3A_216 : i32 to index
          %get3A_222 = tpu.vector_load %arg13[%get3A_221] {strides = array<i32>} : memref<2048xf32, #tpu.memory_space<vmem>>, vector<16xf32>,
          %mul3A_223 = arith.mulf %get3A_220, %get3A_222 : vector<16xf32>
          %gather3A_224 = tpu.vector_load_idx %arg6[%get3A_218] : memref<100352xf32, #tpu.memory_space<vmem>>[vector<16xi32>], vector<16xf32>,
          %max3A_225 = arith.maximumf %gather3A_224, %mul3A_223 : vector<16xf32>
          %add3A_226 = arith.constant 6 : i32
          %add3A_227 = arith.addi %mul3A_150, %add3A_226 : i32
          %mul3A_228 = arith.constant 16 : i32
          %mul3A_229 = arith.muli %add3A_227, %mul3A_228 : i32
          %get3A_230 = arith.index_cast %mul3A_229 : i32 to index
          %get3A_231 = tpu.vector_load %arg10[%get3A_230] {strides = array<i32>} : memref<2048xi32, #tpu.memory_space<vmem>>, vector<16xi32>,
          %get3A_232 = arith.index_cast %mul3A_229 : i32 to index
          %get3A_233 = tpu.vector_load %arg16[%get3A_232] {strides = array<i32>} : memref<2048xf32, #tpu.memory_space<vmem>>, vector<16xf32>,
          %get3A_234 = arith.index_cast %mul3A_229 : i32 to index
          %get3A_235 = tpu.vector_load %arg13[%get3A_234] {strides = array<i32>} : memref<2048xf32, #tpu.memory_space<vmem>>, vector<16xf32>,
          %mul3A_236 = arith.mulf %get3A_233, %get3A_235 : vector<16xf32>
          %gather3A_237 = tpu.vector_load_idx %arg6[%get3A_231] : memref<100352xf32, #tpu.memory_space<vmem>>[vector<16xi32>], vector<16xf32>,
          %max3A_238 = arith.maximumf %gather3A_237, %mul3A_236 : vector<16xf32>
          %add3A_239 = arith.constant 7 : i32
          %add3A_240 = arith.addi %mul3A_150, %add3A_239 : i32
          %mul3A_241 = arith.constant 16 : i32
          %mul3A_242 = arith.muli %add3A_240, %mul3A_241 : i32
          %get3A_243 = arith.index_cast %mul3A_242 : i32 to index
          %get3A_244 = tpu.vector_load %arg10[%get3A_243] {strides = array<i32>} : memref<2048xi32, #tpu.memory_space<vmem>>, vector<16xi32>,
          %get3A_245 = arith.index_cast %mul3A_242 : i32 to index
          %get3A_246 = tpu.vector_load %arg16[%get3A_245] {strides = array<i32>} : memref<2048xf32, #tpu.memory_space<vmem>>, vector<16xf32>,
          %get3A_247 = arith.index_cast %mul3A_242 : i32 to index
          %get3A_248 = tpu.vector_load %arg13[%get3A_247] {strides = array<i32>} : memref<2048xf32, #tpu.memory_space<vmem>>, vector<16xf32>,
          %mul3A_249 = arith.mulf %get3A_246, %get3A_248 : vector<16xf32>
          %gather3A_250 = tpu.vector_load_idx %arg6[%get3A_244] : memref<100352xf32, #tpu.memory_space<vmem>>[vector<16xi32>], vector<16xf32>,
          %max3A_251 = arith.maximumf %gather3A_250, %mul3A_249 : vector<16xf32>
          tpu.vector_store_idx %arg6[%get3A_155], %max3A : memref<100352xf32, #tpu.memory_space<vmem>>[vector<16xi32>], vector<16xf32>,
          tpu.vector_store_idx %arg6[%get3A_166], %max3A_173 : memref<100352xf32, #tpu.memory_space<vmem>>[vector<16xi32>], vector<16xf32>,
          tpu.vector_store_idx %arg6[%get3A_179], %max3A_186 : memref<100352xf32, #tpu.memory_space<vmem>>[vector<16xi32>], vector<16xf32>,
          tpu.vector_store_idx %arg6[%get3A_192], %max3A_199 : memref<100352xf32, #tpu.memory_space<vmem>>[vector<16xi32>], vector<16xf32>,
          tpu.vector_store_idx %arg6[%get3A_205], %max3A_212 : memref<100352xf32, #tpu.memory_space<vmem>>[vector<16xi32>], vector<16xf32>,
          tpu.vector_store_idx %arg6[%get3A_218], %max3A_225 : memref<100352xf32, #tpu.memory_space<vmem>>[vector<16xi32>], vector<16xf32>,
          tpu.vector_store_idx %arg6[%get3A_231], %max3A_238 : memref<100352xf32, #tpu.memory_space<vmem>>[vector<16xi32>], vector<16xf32>,
          tpu.vector_store_idx %arg6[%get3A_244], %max3A_251 : memref<100352xf32, #tpu.memory_space<vmem>>[vector<16xi32>], vector<16xf32>,
          %gather3A_252 = tpu.vector_load_idx %arg6[%get3A_155] : memref<100352xf32, #tpu.memory_space<vmem>>[vector<16xi32>], vector<16xf32>,
          %gt3A = arith.cmpf ogt, %mul3A_160, %gather3A_252 : vector<16xf32>
          %gather3A_253 = tpu.vector_load_idx %arg6[%get3A_166] : memref<100352xf32, #tpu.memory_space<vmem>>[vector<16xi32>], vector<16xf32>,
          %gt3A_254 = arith.cmpf ogt, %mul3A_171, %gather3A_253 : vector<16xf32>
          %or3A = arith.ori %gt3A, %gt3A_254 : vector<16xi1>
          %gather3A_255 = tpu.vector_load_idx %arg6[%get3A_179] : memref<100352xf32, #tpu.memory_space<vmem>>[vector<16xi32>], vector<16xf32>,
          %gt3A_256 = arith.cmpf ogt, %mul3A_184, %gather3A_255 : vector<16xf32>
          %or3A_257 = arith.ori %or3A, %gt3A_256 : vector<16xi1>
          %gather3A_258 = tpu.vector_load_idx %arg6[%get3A_192] : memref<100352xf32, #tpu.memory_space<vmem>>[vector<16xi32>], vector<16xf32>,
          %gt3A_259 = arith.cmpf ogt, %mul3A_197, %gather3A_258 : vector<16xf32>
          %or3A_260 = arith.ori %or3A_257, %gt3A_259 : vector<16xi1>
          %gather3A_261 = tpu.vector_load_idx %arg6[%get3A_205] : memref<100352xf32, #tpu.memory_space<vmem>>[vector<16xi32>], vector<16xf32>,
          %gt3A_262 = arith.cmpf ogt, %mul3A_210, %gather3A_261 : vector<16xf32>
          %or3A_263 = arith.ori %or3A_260, %gt3A_262 : vector<16xi1>
          %gather3A_264 = tpu.vector_load_idx %arg6[%get3A_218] : memref<100352xf32, #tpu.memory_space<vmem>>[vector<16xi32>], vector<16xf32>,
          %gt3A_265 = arith.cmpf ogt, %mul3A_223, %gather3A_264 : vector<16xf32>
          %or3A_266 = arith.ori %or3A_263, %gt3A_265 : vector<16xi1>
          %gather3A_267 = tpu.vector_load_idx %arg6[%get3A_231] : memref<100352xf32, #tpu.memory_space<vmem>>[vector<16xi32>], vector<16xf32>,
          %gt3A_268 = arith.cmpf ogt, %mul3A_236, %gather3A_267 : vector<16xf32>
          %or3A_269 = arith.ori %or3A_266, %gt3A_268 : vector<16xi1>
          %gather3A_270 = tpu.vector_load_idx %arg6[%get3A_244] : memref<100352xf32, #tpu.memory_space<vmem>>[vector<16xi32>], vector<16xf32>,
          %gt3A_271 = arith.cmpf ogt, %mul3A_249, %gather3A_270 : vector<16xf32>
          %or3A_272 = arith.ori %or3A_269, %gt3A_271 : vector<16xi1>
          %reduce_or3A = arith.constant 1.000000e+00 : f32
          %reduce_or3A_273 = arith.constant 0.000000e+00 : f32
          %reduce_or3A_274 = vector.broadcast %reduce_or3A : f32 to vector<16xf32>
          %reduce_or3A_275 = vector.broadcast %reduce_or3A_273 : f32 to vector<16xf32>
          %reduce_or3A_276 = arith.select %or3A_272, %reduce_or3A_274, %reduce_or3A_275 : vector<16xi1>, vector<16xf32>
          %reduce_or3A_277 = arith.constant true
          %reduce_or3A_278 = vector.broadcast %reduce_or3A_277 : i1 to vector<16xi1>
          %reduce_or3A_279 = tpu.scan <max>, %reduce_or3A_276 masked %reduce_or3A_278 : vector<16xf32>, vector<16xi1> -> vector<16xf32>
          %reduce_or3A_280 = vector.extract %reduce_or3A_279[15] : f32 from vector<16xf32>
          %reduce_or3A_281 = arith.constant 0.000000e+00 : f32
          %reduce_or3A_282 = arith.cmpf ogt, %reduce_or3A_280, %reduce_or3A_281 : f32
          %convert_element_type3A_283 = arith.extui %reduce_or3A_282 : i1 to i32
          %cond3A_284 = arith.constant 0 : i32
          %cond3A_285 = arith.cmpi ne, %convert_element_type3A_283, %cond3A_284 : i32
          scf.if %cond3A_285 {
            %add3A_287 = arith.constant 0 : i32
            %add3A_288 = arith.addi %mul3A_150, %add3A_287 : i32
            %mul3A_289 = arith.constant 16 : i32
            %mul3A_290 = arith.muli %add3A_288, %mul3A_289 : i32
            %get3A_291 = arith.index_cast %mul3A_290 : i32 to index
            %get3A_292 = tpu.vector_load %arg10[%get3A_291] {strides = array<i32>} : memref<2048xi32, #tpu.memory_space<vmem>>, vector<16xi32>,
            %get3A_293 = arith.index_cast %mul3A_290 : i32 to index
            %get3A_294 = tpu.vector_load %arg16[%get3A_293] {strides = array<i32>} : memref<2048xf32, #tpu.memory_space<vmem>>, vector<16xf32>,
            %get3A_295 = arith.index_cast %mul3A_290 : i32 to index
            %get3A_296 = tpu.vector_load %arg13[%get3A_295] {strides = array<i32>} : memref<2048xf32, #tpu.memory_space<vmem>>, vector<16xf32>,
            %mul3A_297 = arith.mulf %get3A_294, %get3A_296 : vector<16xf32>
            %gather3A_298 = tpu.vector_load_idx %arg6[%get3A_292] : memref<100352xf32, #tpu.memory_space<vmem>>[vector<16xi32>], vector<16xf32>,
            %gt3A_299 = arith.cmpf ogt, %mul3A_297, %gather3A_298 : vector<16xf32>
            %while3A = scf.while (%while3A_398 = %gt3A_299) : (vector<16xi1>) -> vector<16xi1> {
              %reduce_or3A_399 = arith.constant 1.000000e+00 : f32
              %reduce_or3A_400 = arith.constant 0.000000e+00 : f32
              %reduce_or3A_401 = vector.broadcast %reduce_or3A_399 : f32 to vector<16xf32>
              %reduce_or3A_402 = vector.broadcast %reduce_or3A_400 : f32 to vector<16xf32>
              %reduce_or3A_403 = arith.select %while3A_398, %reduce_or3A_401, %reduce_or3A_402 : vector<16xi1>, vector<16xf32>
              %reduce_or3A_404 = arith.constant true
              %reduce_or3A_405 = vector.broadcast %reduce_or3A_404 : i1 to vector<16xi1>
              %reduce_or3A_406 = tpu.scan <max>, %reduce_or3A_403 masked %reduce_or3A_405 : vector<16xf32>, vector<16xi1> -> vector<16xf32>
              %reduce_or3A_407 = vector.extract %reduce_or3A_406[15] : f32 from vector<16xf32>
              %reduce_or3A_408 = arith.constant 0.000000e+00 : f32
              %reduce_or3A_409 = arith.cmpf ogt, %reduce_or3A_407, %reduce_or3A_408 : f32
              scf.condition(%reduce_or3A_409) %while3A_398 : vector<16xi1>
            } do {
            ^bb0(%while3A_398: vector<16xi1>):
              tpu.vector_store_idx %arg6[%get3A_292], %mul3A_297 masked %while3A_398 : memref<100352xf32, #tpu.memory_space<vmem>>[vector<16xi32>], vector<16xf32>, vector<16xi1>
              %gather3A_399 = tpu.vector_load_idx %arg6[%get3A_292] : memref<100352xf32, #tpu.memory_space<vmem>>[vector<16xi32>], vector<16xf32>,
              %gt3A_400 = arith.cmpf ogt, %mul3A_297, %gather3A_399 : vector<16xf32>
              %and3A = arith.andi %while3A_398, %gt3A_400 : vector<16xi1>
              scf.yield %and3A : vector<16xi1>
            }
            %add3A_300 = arith.constant 1 : i32
            %add3A_301 = arith.addi %mul3A_150, %add3A_300 : i32
            %mul3A_302 = arith.constant 16 : i32
            %mul3A_303 = arith.muli %add3A_301, %mul3A_302 : i32
            %get3A_304 = arith.index_cast %mul3A_303 : i32 to index
            %get3A_305 = tpu.vector_load %arg10[%get3A_304] {strides = array<i32>} : memref<2048xi32, #tpu.memory_space<vmem>>, vector<16xi32>,
            %get3A_306 = arith.index_cast %mul3A_303 : i32 to index
            %get3A_307 = tpu.vector_load %arg16[%get3A_306] {strides = array<i32>} : memref<2048xf32, #tpu.memory_space<vmem>>, vector<16xf32>,
            %get3A_308 = arith.index_cast %mul3A_303 : i32 to index
            %get3A_309 = tpu.vector_load %arg13[%get3A_308] {strides = array<i32>} : memref<2048xf32, #tpu.memory_space<vmem>>, vector<16xf32>,
            %mul3A_310 = arith.mulf %get3A_307, %get3A_309 : vector<16xf32>
            %gather3A_311 = tpu.vector_load_idx %arg6[%get3A_305] : memref<100352xf32, #tpu.memory_space<vmem>>[vector<16xi32>], vector<16xf32>,
            %gt3A_312 = arith.cmpf ogt, %mul3A_310, %gather3A_311 : vector<16xf32>
            %while3A_313 = scf.while (%while3A_398 = %gt3A_312) : (vector<16xi1>) -> vector<16xi1> {
              %reduce_or3A_399 = arith.constant 1.000000e+00 : f32
              %reduce_or3A_400 = arith.constant 0.000000e+00 : f32
              %reduce_or3A_401 = vector.broadcast %reduce_or3A_399 : f32 to vector<16xf32>
              %reduce_or3A_402 = vector.broadcast %reduce_or3A_400 : f32 to vector<16xf32>
              %reduce_or3A_403 = arith.select %while3A_398, %reduce_or3A_401, %reduce_or3A_402 : vector<16xi1>, vector<16xf32>
              %reduce_or3A_404 = arith.constant true
              %reduce_or3A_405 = vector.broadcast %reduce_or3A_404 : i1 to vector<16xi1>
              %reduce_or3A_406 = tpu.scan <max>, %reduce_or3A_403 masked %reduce_or3A_405 : vector<16xf32>, vector<16xi1> -> vector<16xf32>
              %reduce_or3A_407 = vector.extract %reduce_or3A_406[15] : f32 from vector<16xf32>
              %reduce_or3A_408 = arith.constant 0.000000e+00 : f32
              %reduce_or3A_409 = arith.cmpf ogt, %reduce_or3A_407, %reduce_or3A_408 : f32
              scf.condition(%reduce_or3A_409) %while3A_398 : vector<16xi1>
            } do {
            ^bb0(%while3A_398: vector<16xi1>):
              tpu.vector_store_idx %arg6[%get3A_305], %mul3A_310 masked %while3A_398 : memref<100352xf32, #tpu.memory_space<vmem>>[vector<16xi32>], vector<16xf32>, vector<16xi1>
              %gather3A_399 = tpu.vector_load_idx %arg6[%get3A_305] : memref<100352xf32, #tpu.memory_space<vmem>>[vector<16xi32>], vector<16xf32>,
              %gt3A_400 = arith.cmpf ogt, %mul3A_310, %gather3A_399 : vector<16xf32>
              %and3A = arith.andi %while3A_398, %gt3A_400 : vector<16xi1>
              scf.yield %and3A : vector<16xi1>
            }
            %add3A_314 = arith.constant 2 : i32
            %add3A_315 = arith.addi %mul3A_150, %add3A_314 : i32
            %mul3A_316 = arith.constant 16 : i32
            %mul3A_317 = arith.muli %add3A_315, %mul3A_316 : i32
            %get3A_318 = arith.index_cast %mul3A_317 : i32 to index
            %get3A_319 = tpu.vector_load %arg10[%get3A_318] {strides = array<i32>} : memref<2048xi32, #tpu.memory_space<vmem>>, vector<16xi32>,
            %get3A_320 = arith.index_cast %mul3A_317 : i32 to index
            %get3A_321 = tpu.vector_load %arg16[%get3A_320] {strides = array<i32>} : memref<2048xf32, #tpu.memory_space<vmem>>, vector<16xf32>,
            %get3A_322 = arith.index_cast %mul3A_317 : i32 to index
            %get3A_323 = tpu.vector_load %arg13[%get3A_322] {strides = array<i32>} : memref<2048xf32, #tpu.memory_space<vmem>>, vector<16xf32>,
            %mul3A_324 = arith.mulf %get3A_321, %get3A_323 : vector<16xf32>
            %gather3A_325 = tpu.vector_load_idx %arg6[%get3A_319] : memref<100352xf32, #tpu.memory_space<vmem>>[vector<16xi32>], vector<16xf32>,
            %gt3A_326 = arith.cmpf ogt, %mul3A_324, %gather3A_325 : vector<16xf32>
            %while3A_327 = scf.while (%while3A_398 = %gt3A_326) : (vector<16xi1>) -> vector<16xi1> {
              %reduce_or3A_399 = arith.constant 1.000000e+00 : f32
              %reduce_or3A_400 = arith.constant 0.000000e+00 : f32
              %reduce_or3A_401 = vector.broadcast %reduce_or3A_399 : f32 to vector<16xf32>
              %reduce_or3A_402 = vector.broadcast %reduce_or3A_400 : f32 to vector<16xf32>
              %reduce_or3A_403 = arith.select %while3A_398, %reduce_or3A_401, %reduce_or3A_402 : vector<16xi1>, vector<16xf32>
              %reduce_or3A_404 = arith.constant true
              %reduce_or3A_405 = vector.broadcast %reduce_or3A_404 : i1 to vector<16xi1>
              %reduce_or3A_406 = tpu.scan <max>, %reduce_or3A_403 masked %reduce_or3A_405 : vector<16xf32>, vector<16xi1> -> vector<16xf32>
              %reduce_or3A_407 = vector.extract %reduce_or3A_406[15] : f32 from vector<16xf32>
              %reduce_or3A_408 = arith.constant 0.000000e+00 : f32
              %reduce_or3A_409 = arith.cmpf ogt, %reduce_or3A_407, %reduce_or3A_408 : f32
              scf.condition(%reduce_or3A_409) %while3A_398 : vector<16xi1>
            } do {
            ^bb0(%while3A_398: vector<16xi1>):
              tpu.vector_store_idx %arg6[%get3A_319], %mul3A_324 masked %while3A_398 : memref<100352xf32, #tpu.memory_space<vmem>>[vector<16xi32>], vector<16xf32>, vector<16xi1>
              %gather3A_399 = tpu.vector_load_idx %arg6[%get3A_319] : memref<100352xf32, #tpu.memory_space<vmem>>[vector<16xi32>], vector<16xf32>,
              %gt3A_400 = arith.cmpf ogt, %mul3A_324, %gather3A_399 : vector<16xf32>
              %and3A = arith.andi %while3A_398, %gt3A_400 : vector<16xi1>
              scf.yield %and3A : vector<16xi1>
            }
            %add3A_328 = arith.constant 3 : i32
            %add3A_329 = arith.addi %mul3A_150, %add3A_328 : i32
            %mul3A_330 = arith.constant 16 : i32
            %mul3A_331 = arith.muli %add3A_329, %mul3A_330 : i32
            %get3A_332 = arith.index_cast %mul3A_331 : i32 to index
            %get3A_333 = tpu.vector_load %arg10[%get3A_332] {strides = array<i32>} : memref<2048xi32, #tpu.memory_space<vmem>>, vector<16xi32>,
            %get3A_334 = arith.index_cast %mul3A_331 : i32 to index
            %get3A_335 = tpu.vector_load %arg16[%get3A_334] {strides = array<i32>} : memref<2048xf32, #tpu.memory_space<vmem>>, vector<16xf32>,
            %get3A_336 = arith.index_cast %mul3A_331 : i32 to index
            %get3A_337 = tpu.vector_load %arg13[%get3A_336] {strides = array<i32>} : memref<2048xf32, #tpu.memory_space<vmem>>, vector<16xf32>,
            %mul3A_338 = arith.mulf %get3A_335, %get3A_337 : vector<16xf32>
            %gather3A_339 = tpu.vector_load_idx %arg6[%get3A_333] : memref<100352xf32, #tpu.memory_space<vmem>>[vector<16xi32>], vector<16xf32>,
            %gt3A_340 = arith.cmpf ogt, %mul3A_338, %gather3A_339 : vector<16xf32>
            %while3A_341 = scf.while (%while3A_398 = %gt3A_340) : (vector<16xi1>) -> vector<16xi1> {
              %reduce_or3A_399 = arith.constant 1.000000e+00 : f32
              %reduce_or3A_400 = arith.constant 0.000000e+00 : f32
              %reduce_or3A_401 = vector.broadcast %reduce_or3A_399 : f32 to vector<16xf32>
              %reduce_or3A_402 = vector.broadcast %reduce_or3A_400 : f32 to vector<16xf32>
              %reduce_or3A_403 = arith.select %while3A_398, %reduce_or3A_401, %reduce_or3A_402 : vector<16xi1>, vector<16xf32>
              %reduce_or3A_404 = arith.constant true
              %reduce_or3A_405 = vector.broadcast %reduce_or3A_404 : i1 to vector<16xi1>
              %reduce_or3A_406 = tpu.scan <max>, %reduce_or3A_403 masked %reduce_or3A_405 : vector<16xf32>, vector<16xi1> -> vector<16xf32>
              %reduce_or3A_407 = vector.extract %reduce_or3A_406[15] : f32 from vector<16xf32>
              %reduce_or3A_408 = arith.constant 0.000000e+00 : f32
              %reduce_or3A_409 = arith.cmpf ogt, %reduce_or3A_407, %reduce_or3A_408 : f32
              scf.condition(%reduce_or3A_409) %while3A_398 : vector<16xi1>
            } do {
            ^bb0(%while3A_398: vector<16xi1>):
              tpu.vector_store_idx %arg6[%get3A_333], %mul3A_338 masked %while3A_398 : memref<100352xf32, #tpu.memory_space<vmem>>[vector<16xi32>], vector<16xf32>, vector<16xi1>
              %gather3A_399 = tpu.vector_load_idx %arg6[%get3A_333] : memref<100352xf32, #tpu.memory_space<vmem>>[vector<16xi32>], vector<16xf32>,
              %gt3A_400 = arith.cmpf ogt, %mul3A_338, %gather3A_399 : vector<16xf32>
              %and3A = arith.andi %while3A_398, %gt3A_400 : vector<16xi1>
              scf.yield %and3A : vector<16xi1>
            }
            %add3A_342 = arith.constant 4 : i32
            %add3A_343 = arith.addi %mul3A_150, %add3A_342 : i32
            %mul3A_344 = arith.constant 16 : i32
            %mul3A_345 = arith.muli %add3A_343, %mul3A_344 : i32
            %get3A_346 = arith.index_cast %mul3A_345 : i32 to index
            %get3A_347 = tpu.vector_load %arg10[%get3A_346] {strides = array<i32>} : memref<2048xi32, #tpu.memory_space<vmem>>, vector<16xi32>,
            %get3A_348 = arith.index_cast %mul3A_345 : i32 to index
            %get3A_349 = tpu.vector_load %arg16[%get3A_348] {strides = array<i32>} : memref<2048xf32, #tpu.memory_space<vmem>>, vector<16xf32>,
            %get3A_350 = arith.index_cast %mul3A_345 : i32 to index
            %get3A_351 = tpu.vector_load %arg13[%get3A_350] {strides = array<i32>} : memref<2048xf32, #tpu.memory_space<vmem>>, vector<16xf32>,
            %mul3A_352 = arith.mulf %get3A_349, %get3A_351 : vector<16xf32>
            %gather3A_353 = tpu.vector_load_idx %arg6[%get3A_347] : memref<100352xf32, #tpu.memory_space<vmem>>[vector<16xi32>], vector<16xf32>,
            %gt3A_354 = arith.cmpf ogt, %mul3A_352, %gather3A_353 : vector<16xf32>
            %while3A_355 = scf.while (%while3A_398 = %gt3A_354) : (vector<16xi1>) -> vector<16xi1> {
              %reduce_or3A_399 = arith.constant 1.000000e+00 : f32
              %reduce_or3A_400 = arith.constant 0.000000e+00 : f32
              %reduce_or3A_401 = vector.broadcast %reduce_or3A_399 : f32 to vector<16xf32>
              %reduce_or3A_402 = vector.broadcast %reduce_or3A_400 : f32 to vector<16xf32>
              %reduce_or3A_403 = arith.select %while3A_398, %reduce_or3A_401, %reduce_or3A_402 : vector<16xi1>, vector<16xf32>
              %reduce_or3A_404 = arith.constant true
              %reduce_or3A_405 = vector.broadcast %reduce_or3A_404 : i1 to vector<16xi1>
              %reduce_or3A_406 = tpu.scan <max>, %reduce_or3A_403 masked %reduce_or3A_405 : vector<16xf32>, vector<16xi1> -> vector<16xf32>
              %reduce_or3A_407 = vector.extract %reduce_or3A_406[15] : f32 from vector<16xf32>
              %reduce_or3A_408 = arith.constant 0.000000e+00 : f32
              %reduce_or3A_409 = arith.cmpf ogt, %reduce_or3A_407, %reduce_or3A_408 : f32
              scf.condition(%reduce_or3A_409) %while3A_398 : vector<16xi1>
            } do {
            ^bb0(%while3A_398: vector<16xi1>):
              tpu.vector_store_idx %arg6[%get3A_347], %mul3A_352 masked %while3A_398 : memref<100352xf32, #tpu.memory_space<vmem>>[vector<16xi32>], vector<16xf32>, vector<16xi1>
              %gather3A_399 = tpu.vector_load_idx %arg6[%get3A_347] : memref<100352xf32, #tpu.memory_space<vmem>>[vector<16xi32>], vector<16xf32>,
              %gt3A_400 = arith.cmpf ogt, %mul3A_352, %gather3A_399 : vector<16xf32>
              %and3A = arith.andi %while3A_398, %gt3A_400 : vector<16xi1>
              scf.yield %and3A : vector<16xi1>
            }
            %add3A_356 = arith.constant 5 : i32
            %add3A_357 = arith.addi %mul3A_150, %add3A_356 : i32
            %mul3A_358 = arith.constant 16 : i32
            %mul3A_359 = arith.muli %add3A_357, %mul3A_358 : i32
            %get3A_360 = arith.index_cast %mul3A_359 : i32 to index
            %get3A_361 = tpu.vector_load %arg10[%get3A_360] {strides = array<i32>} : memref<2048xi32, #tpu.memory_space<vmem>>, vector<16xi32>,
            %get3A_362 = arith.index_cast %mul3A_359 : i32 to index
            %get3A_363 = tpu.vector_load %arg16[%get3A_362] {strides = array<i32>} : memref<2048xf32, #tpu.memory_space<vmem>>, vector<16xf32>,
            %get3A_364 = arith.index_cast %mul3A_359 : i32 to index
            %get3A_365 = tpu.vector_load %arg13[%get3A_364] {strides = array<i32>} : memref<2048xf32, #tpu.memory_space<vmem>>, vector<16xf32>,
            %mul3A_366 = arith.mulf %get3A_363, %get3A_365 : vector<16xf32>
            %gather3A_367 = tpu.vector_load_idx %arg6[%get3A_361] : memref<100352xf32, #tpu.memory_space<vmem>>[vector<16xi32>], vector<16xf32>,
            %gt3A_368 = arith.cmpf ogt, %mul3A_366, %gather3A_367 : vector<16xf32>
            %while3A_369 = scf.while (%while3A_398 = %gt3A_368) : (vector<16xi1>) -> vector<16xi1> {
              %reduce_or3A_399 = arith.constant 1.000000e+00 : f32
              %reduce_or3A_400 = arith.constant 0.000000e+00 : f32
              %reduce_or3A_401 = vector.broadcast %reduce_or3A_399 : f32 to vector<16xf32>
              %reduce_or3A_402 = vector.broadcast %reduce_or3A_400 : f32 to vector<16xf32>
              %reduce_or3A_403 = arith.select %while3A_398, %reduce_or3A_401, %reduce_or3A_402 : vector<16xi1>, vector<16xf32>
              %reduce_or3A_404 = arith.constant true
              %reduce_or3A_405 = vector.broadcast %reduce_or3A_404 : i1 to vector<16xi1>
              %reduce_or3A_406 = tpu.scan <max>, %reduce_or3A_403 masked %reduce_or3A_405 : vector<16xf32>, vector<16xi1> -> vector<16xf32>
              %reduce_or3A_407 = vector.extract %reduce_or3A_406[15] : f32 from vector<16xf32>
              %reduce_or3A_408 = arith.constant 0.000000e+00 : f32
              %reduce_or3A_409 = arith.cmpf ogt, %reduce_or3A_407, %reduce_or3A_408 : f32
              scf.condition(%reduce_or3A_409) %while3A_398 : vector<16xi1>
            } do {
            ^bb0(%while3A_398: vector<16xi1>):
              tpu.vector_store_idx %arg6[%get3A_361], %mul3A_366 masked %while3A_398 : memref<100352xf32, #tpu.memory_space<vmem>>[vector<16xi32>], vector<16xf32>, vector<16xi1>
              %gather3A_399 = tpu.vector_load_idx %arg6[%get3A_361] : memref<100352xf32, #tpu.memory_space<vmem>>[vector<16xi32>], vector<16xf32>,
              %gt3A_400 = arith.cmpf ogt, %mul3A_366, %gather3A_399 : vector<16xf32>
              %and3A = arith.andi %while3A_398, %gt3A_400 : vector<16xi1>
              scf.yield %and3A : vector<16xi1>
            }
            %add3A_370 = arith.constant 6 : i32
            %add3A_371 = arith.addi %mul3A_150, %add3A_370 : i32
            %mul3A_372 = arith.constant 16 : i32
            %mul3A_373 = arith.muli %add3A_371, %mul3A_372 : i32
            %get3A_374 = arith.index_cast %mul3A_373 : i32 to index
            %get3A_375 = tpu.vector_load %arg10[%get3A_374] {strides = array<i32>} : memref<2048xi32, #tpu.memory_space<vmem>>, vector<16xi32>,
            %get3A_376 = arith.index_cast %mul3A_373 : i32 to index
            %get3A_377 = tpu.vector_load %arg16[%get3A_376] {strides = array<i32>} : memref<2048xf32, #tpu.memory_space<vmem>>, vector<16xf32>,
            %get3A_378 = arith.index_cast %mul3A_373 : i32 to index
            %get3A_379 = tpu.vector_load %arg13[%get3A_378] {strides = array<i32>} : memref<2048xf32, #tpu.memory_space<vmem>>, vector<16xf32>,
            %mul3A_380 = arith.mulf %get3A_377, %get3A_379 : vector<16xf32>
            %gather3A_381 = tpu.vector_load_idx %arg6[%get3A_375] : memref<100352xf32, #tpu.memory_space<vmem>>[vector<16xi32>], vector<16xf32>,
            %gt3A_382 = arith.cmpf ogt, %mul3A_380, %gather3A_381 : vector<16xf32>
            %while3A_383 = scf.while (%while3A_398 = %gt3A_382) : (vector<16xi1>) -> vector<16xi1> {
              %reduce_or3A_399 = arith.constant 1.000000e+00 : f32
              %reduce_or3A_400 = arith.constant 0.000000e+00 : f32
              %reduce_or3A_401 = vector.broadcast %reduce_or3A_399 : f32 to vector<16xf32>
              %reduce_or3A_402 = vector.broadcast %reduce_or3A_400 : f32 to vector<16xf32>
              %reduce_or3A_403 = arith.select %while3A_398, %reduce_or3A_401, %reduce_or3A_402 : vector<16xi1>, vector<16xf32>
              %reduce_or3A_404 = arith.constant true
              %reduce_or3A_405 = vector.broadcast %reduce_or3A_404 : i1 to vector<16xi1>
              %reduce_or3A_406 = tpu.scan <max>, %reduce_or3A_403 masked %reduce_or3A_405 : vector<16xf32>, vector<16xi1> -> vector<16xf32>
              %reduce_or3A_407 = vector.extract %reduce_or3A_406[15] : f32 from vector<16xf32>
              %reduce_or3A_408 = arith.constant 0.000000e+00 : f32
              %reduce_or3A_409 = arith.cmpf ogt, %reduce_or3A_407, %reduce_or3A_408 : f32
              scf.condition(%reduce_or3A_409) %while3A_398 : vector<16xi1>
            } do {
            ^bb0(%while3A_398: vector<16xi1>):
              tpu.vector_store_idx %arg6[%get3A_375], %mul3A_380 masked %while3A_398 : memref<100352xf32, #tpu.memory_space<vmem>>[vector<16xi32>], vector<16xf32>, vector<16xi1>
              %gather3A_399 = tpu.vector_load_idx %arg6[%get3A_375] : memref<100352xf32, #tpu.memory_space<vmem>>[vector<16xi32>], vector<16xf32>,
              %gt3A_400 = arith.cmpf ogt, %mul3A_380, %gather3A_399 : vector<16xf32>
              %and3A = arith.andi %while3A_398, %gt3A_400 : vector<16xi1>
              scf.yield %and3A : vector<16xi1>
            }
            %add3A_384 = arith.constant 7 : i32
            %add3A_385 = arith.addi %mul3A_150, %add3A_384 : i32
            %mul3A_386 = arith.constant 16 : i32
            %mul3A_387 = arith.muli %add3A_385, %mul3A_386 : i32
            %get3A_388 = arith.index_cast %mul3A_387 : i32 to index
            %get3A_389 = tpu.vector_load %arg10[%get3A_388] {strides = array<i32>} : memref<2048xi32, #tpu.memory_space<vmem>>, vector<16xi32>,
            %get3A_390 = arith.index_cast %mul3A_387 : i32 to index
            %get3A_391 = tpu.vector_load %arg16[%get3A_390] {strides = array<i32>} : memref<2048xf32, #tpu.memory_space<vmem>>, vector<16xf32>,
            %get3A_392 = arith.index_cast %mul3A_387 : i32 to index
            %get3A_393 = tpu.vector_load %arg13[%get3A_392] {strides = array<i32>} : memref<2048xf32, #tpu.memory_space<vmem>>, vector<16xf32>,
            %mul3A_394 = arith.mulf %get3A_391, %get3A_393 : vector<16xf32>
            %gather3A_395 = tpu.vector_load_idx %arg6[%get3A_389] : memref<100352xf32, #tpu.memory_space<vmem>>[vector<16xi32>], vector<16xf32>,
            %gt3A_396 = arith.cmpf ogt, %mul3A_394, %gather3A_395 : vector<16xf32>
            %while3A_397 = scf.while (%while3A_398 = %gt3A_396) : (vector<16xi1>) -> vector<16xi1> {
              %reduce_or3A_399 = arith.constant 1.000000e+00 : f32
              %reduce_or3A_400 = arith.constant 0.000000e+00 : f32
              %reduce_or3A_401 = vector.broadcast %reduce_or3A_399 : f32 to vector<16xf32>
              %reduce_or3A_402 = vector.broadcast %reduce_or3A_400 : f32 to vector<16xf32>
              %reduce_or3A_403 = arith.select %while3A_398, %reduce_or3A_401, %reduce_or3A_402 : vector<16xi1>, vector<16xf32>
              %reduce_or3A_404 = arith.constant true
              %reduce_or3A_405 = vector.broadcast %reduce_or3A_404 : i1 to vector<16xi1>
              %reduce_or3A_406 = tpu.scan <max>, %reduce_or3A_403 masked %reduce_or3A_405 : vector<16xf32>, vector<16xi1> -> vector<16xf32>
              %reduce_or3A_407 = vector.extract %reduce_or3A_406[15] : f32 from vector<16xf32>
              %reduce_or3A_408 = arith.constant 0.000000e+00 : f32
              %reduce_or3A_409 = arith.cmpf ogt, %reduce_or3A_407, %reduce_or3A_408 : f32
              scf.condition(%reduce_or3A_409) %while3A_398 : vector<16xi1>
            } do {
            ^bb0(%while3A_398: vector<16xi1>):
              tpu.vector_store_idx %arg6[%get3A_389], %mul3A_394 masked %while3A_398 : memref<100352xf32, #tpu.memory_space<vmem>>[vector<16xi32>], vector<16xf32>, vector<16xi1>
              %gather3A_399 = tpu.vector_load_idx %arg6[%get3A_389] : memref<100352xf32, #tpu.memory_space<vmem>>[vector<16xi32>], vector<16xf32>,
              %gt3A_400 = arith.cmpf ogt, %mul3A_394, %gather3A_399 : vector<16xf32>
              %and3A = arith.andi %while3A_398, %gt3A_400 : vector<16xi1>
              scf.yield %and3A : vector<16xi1>
            }
          } else {
          }
          %scan3A_286 = arith.constant 0 : i32
          scf.yield %scan3A_286 : i32
        }
        %scan3A_146 = arith.constant 16 : i32
      } else {
      }
      %mul3A_91 = arith.constant 3 : i32
      %mul3A_92 = arith.muli %mul3A_91, %scan3A_67 : i32
      %add3A_93 = arith.constant 1 : i32
      %add3A_94 = arith.addi %mul3A_92, %add3A_93 : i32
      %lt3A_95 = arith.cmpi slt, %add3A_94, %select_n3A : i32
      %convert_element_type3A_96 = arith.extui %lt3A_95 : i1 to i32
      %cond3A_97 = arith.constant 0 : i32
      %cond3A_98 = arith.cmpi ne, %convert_element_type3A_96, %cond3A_97 : i32
      scf.if %cond3A_98 {
        %dma_wait3A_140 = arith.constant 0 : i32
        %dma_wait3A_141 = tpu.memref_slice %arg2[%dma_wait3A_140] : memref<100000xf32, #tpu.memory_space<hbm>> -> memref<100000xf32, #tpu.memory_space<hbm>>
        tpu.wait_indirect_dma semaphore(%arg23 : memref<!tpu.dma_semaphore, #tpu.memory_space<semaphore_mem>>) src(%dma_wait3A_141 : memref<100000xf32, #tpu.memory_space<hbm>>) dst(%arg17 : memref<2048xf32, #tpu.memory_space<vmem>>)
      } else {
      }
      %add3A_99 = arith.constant 2 : i32
      %add3A_100 = arith.addi %add3A_94, %add3A_99 : i32
      %lt3A_101 = arith.cmpi slt, %add3A_100, %select_n3A : i32
      %convert_element_type3A_102 = arith.extui %lt3A_101 : i1 to i32
      %cond3A_103 = arith.constant 0 : i32
      %cond3A_104 = arith.cmpi ne, %convert_element_type3A_102, %cond3A_103 : i32
      scf.if %cond3A_104 {
        %add3A_140 = arith.constant 2 : i32
        %add3A_141 = arith.addi %add3A_94, %add3A_140 : i32
        %mul3A_142 = arith.constant 32 : i32
        %mul3A_143 = arith.muli %add3A_141, %mul3A_142 : i32
        %add3A_144 = arith.addi %mul3A_143, %add3A : i32
        %mul3A_145 = arith.constant 2048 : i32
        %mul3A_146 = arith.muli %add3A_144, %mul3A_145 : i32
        %dma_start3A_147 = arith.constant 0 : i32
        %dma_start3A_148 = tpu.memref_slice %arg4[%dma_start3A_147, %mul3A_146] : memref<2x6400000xi32, #tpu.memory_space<hbm>> -> memref<1x2048xi32, #tpu.memory_space<hbm>>
        %dma_start3A_149 = tpu.memref_squeeze %dma_start3A_148 : memref<1x2048xi32, #tpu.memory_space<hbm>> -> memref<2048xi32, #tpu.memory_space<hbm>>
        %dma_start3A_150 = tpu.memref_slice %arg4[%dma_start3A_147, %mul3A_146] : memref<2x6400000xi32, #tpu.memory_space<hbm>> -> memref<1x2048xi32, #tpu.memory_space<hbm>>
        %dma_start3A_151 = tpu.memref_squeeze %dma_start3A_150 : memref<1x2048xi32, #tpu.memory_space<hbm>> -> memref<2048xi32, #tpu.memory_space<hbm>>
        tpu.enqueue_dma source(%dma_start3A_151 : memref<2048xi32, #tpu.memory_space<hbm>>) target(%arg7 : memref<2048xi32, #tpu.memory_space<vmem>>) target_semaphore(%arg19 : memref<!tpu.dma_semaphore, #tpu.memory_space<semaphore_mem>>)
        %dma_start3A_152 = arith.constant 1 : i32
        %dma_start3A_153 = tpu.memref_slice %arg4[%dma_start3A_152, %mul3A_146] : memref<2x6400000xi32, #tpu.memory_space<hbm>> -> memref<1x2048xi32, #tpu.memory_space<hbm>>
        %dma_start3A_154 = tpu.memref_squeeze %dma_start3A_153 : memref<1x2048xi32, #tpu.memory_space<hbm>> -> memref<2048xi32, #tpu.memory_space<hbm>>
        %dma_start3A_155 = tpu.memref_slice %arg4[%dma_start3A_152, %mul3A_146] : memref<2x6400000xi32, #tpu.memory_space<hbm>> -> memref<1x2048xi32, #tpu.memory_space<hbm>>
        %dma_start3A_156 = tpu.memref_squeeze %dma_start3A_155 : memref<1x2048xi32, #tpu.memory_space<hbm>> -> memref<2048xi32, #tpu.memory_space<hbm>>
        tpu.enqueue_dma source(%dma_start3A_156 : memref<2048xi32, #tpu.memory_space<hbm>>) target(%arg10 : memref<2048xi32, #tpu.memory_space<vmem>>) target_semaphore(%arg19 : memref<!tpu.dma_semaphore, #tpu.memory_space<semaphore_mem>>)
        %dma_start3A_157 = tpu.memref_slice %arg3[%mul3A_146] : memref<6400000xf32, #tpu.memory_space<hbm>> -> memref<2048xf32, #tpu.memory_space<hbm>>
        %dma_start3A_158 = tpu.memref_slice %arg3[%mul3A_146] : memref<6400000xf32, #tpu.memory_space<hbm>> -> memref<2048xf32, #tpu.memory_space<hbm>>
        tpu.enqueue_dma source(%dma_start3A_158 : memref<2048xf32, #tpu.memory_space<hbm>>) target(%arg13 : memref<2048xf32, #tpu.memory_space<vmem>>) target_semaphore(%arg19 : memref<!tpu.dma_semaphore, #tpu.memory_space<semaphore_mem>>)
      } else {
      }
      %add3A_105 = arith.constant 1 : i32
      %add3A_106 = arith.addi %add3A_94, %add3A_105 : i32
      %lt3A_107 = arith.cmpi slt, %add3A_106, %select_n3A : i32
      %convert_element_type3A_108 = arith.extui %lt3A_107 : i1 to i32
      %cond3A_109 = arith.constant 0 : i32
      %cond3A_110 = arith.cmpi ne, %convert_element_type3A_108, %cond3A_109 : i32
      scf.if %cond3A_110 {
        %dma_wait3A_140 = arith.constant 0 : i32
        %dma_wait3A_141 = arith.constant 0 : i32
        %dma_wait3A_142 = tpu.memref_slice %arg4[%dma_wait3A_140, %dma_wait3A_141] : memref<2x6400000xi32, #tpu.memory_space<hbm>> -> memref<1x2048xi32, #tpu.memory_space<hbm>>
        %dma_wait3A_143 = tpu.memref_squeeze %dma_wait3A_142 : memref<1x2048xi32, #tpu.memory_space<hbm>> -> memref<2048xi32, #tpu.memory_space<hbm>>
        %dma_wait3A_144 = arith.constant 0 : i32
        %dma_wait3A_145 = tpu.memref_slice %arg4[%dma_wait3A_140, %dma_wait3A_144] : memref<2x6400000xi32, #tpu.memory_space<hbm>> -> memref<1x2048xi32, #tpu.memory_space<hbm>>
        %dma_wait3A_146 = tpu.memref_squeeze %dma_wait3A_145 : memref<1x2048xi32, #tpu.memory_space<hbm>> -> memref<2048xi32, #tpu.memory_space<hbm>>
        tpu.wait_dma2 semaphore(%arg21 : memref<!tpu.dma_semaphore, #tpu.memory_space<semaphore_mem>>) src(%dma_wait3A_146 : memref<2048xi32, #tpu.memory_space<hbm>>) dst(%arg9 : memref<2048xi32, #tpu.memory_space<vmem>>)
        %dma_wait3A_147 = arith.constant 1 : i32
        %dma_wait3A_148 = arith.constant 0 : i32
        %dma_wait3A_149 = tpu.memref_slice %arg4[%dma_wait3A_147, %dma_wait3A_148] : memref<2x6400000xi32, #tpu.memory_space<hbm>> -> memref<1x2048xi32, #tpu.memory_space<hbm>>
        %dma_wait3A_150 = tpu.memref_squeeze %dma_wait3A_149 : memref<1x2048xi32, #tpu.memory_space<hbm>> -> memref<2048xi32, #tpu.memory_space<hbm>>
        %dma_wait3A_151 = arith.constant 0 : i32
        %dma_wait3A_152 = tpu.memref_slice %arg4[%dma_wait3A_147, %dma_wait3A_151] : memref<2x6400000xi32, #tpu.memory_space<hbm>> -> memref<1x2048xi32, #tpu.memory_space<hbm>>
        %dma_wait3A_153 = tpu.memref_squeeze %dma_wait3A_152 : memref<1x2048xi32, #tpu.memory_space<hbm>> -> memref<2048xi32, #tpu.memory_space<hbm>>
        tpu.wait_dma2 semaphore(%arg21 : memref<!tpu.dma_semaphore, #tpu.memory_space<semaphore_mem>>) src(%dma_wait3A_153 : memref<2048xi32, #tpu.memory_space<hbm>>) dst(%arg12 : memref<2048xi32, #tpu.memory_space<vmem>>)
        %dma_wait3A_154 = arith.constant 0 : i32
        %dma_wait3A_155 = tpu.memref_slice %arg3[%dma_wait3A_154] : memref<6400000xf32, #tpu.memory_space<hbm>> -> memref<2048xf32, #tpu.memory_space<hbm>>
        %dma_wait3A_156 = arith.constant 0 : i32
        %dma_wait3A_157 = tpu.memref_slice %arg3[%dma_wait3A_156] : memref<6400000xf32, #tpu.memory_space<hbm>> -> memref<2048xf32, #tpu.memory_space<hbm>>
        tpu.wait_dma2 semaphore(%arg21 : memref<!tpu.dma_semaphore, #tpu.memory_space<semaphore_mem>>) src(%dma_wait3A_157 : memref<2048xf32, #tpu.memory_space<hbm>>) dst(%arg15 : memref<2048xf32, #tpu.memory_space<vmem>>)
        %dma_start3A_158 = arith.constant 0 : i32
        %dma_start3A_159 = tpu.memref_slice %arg2[%dma_start3A_158] : memref<100000xf32, #tpu.memory_space<hbm>> -> memref<100000xf32, #tpu.memory_space<hbm>>
        tpu.enqueue_indirect_dma source(%dma_start3A_159 : memref<100000xf32, #tpu.memory_space<hbm>>) target(%arg18 : memref<2048xf32, #tpu.memory_space<vmem>>) offsets(%arg9 : memref<2048xi32, #tpu.memory_space<vmem>>) semaphore(%arg24 : memref<!tpu.dma_semaphore, #tpu.memory_space<semaphore_mem>>)
      } else {
      }
      %lt3A_111 = arith.cmpi slt, %add3A_94, %select_n3A : i32
      %convert_element_type3A_112 = arith.extui %lt3A_111 : i1 to i32
      %cond3A_113 = arith.constant 0 : i32
      %cond3A_114 = arith.cmpi ne, %convert_element_type3A_112, %cond3A_113 : i32
      scf.if %cond3A_114 {
        %scan3A_140 = arith.constant 0 : i32
        %scan3A_141 = arith.constant 0 : i32
        %scan3A_142 = arith.constant 16 : i32
        %scan3A_143 = arith.addi %scan3A_141, %scan3A_142 : i32
        %scan3A_144 = arith.constant 1 : i32
        %scan3A_145 = scf.for %scan3A_147 = %scan3A_141 to %scan3A_143 step %scan3A_144 iter_args(%scan3A_148 = %scan3A_140) -> (i32)  : i32 {
          %mul3A_149 = arith.constant 8 : i32
          %mul3A_150 = arith.muli %scan3A_147, %mul3A_149 : i32
          %add3A_151 = arith.constant 0 : i32
          %add3A_152 = arith.addi %mul3A_150, %add3A_151 : i32
          %mul3A_153 = arith.constant 16 : i32
          %mul3A_154 = arith.muli %add3A_152, %mul3A_153 : i32
          %get3A = arith.index_cast %mul3A_154 : i32 to index
          %get3A_155 = tpu.vector_load %arg11[%get3A] {strides = array<i32>} : memref<2048xi32, #tpu.memory_space<vmem>>, vector<16xi32>,
          %get3A_156 = arith.index_cast %mul3A_154 : i32 to index
          %get3A_157 = tpu.vector_load %arg17[%get3A_156] {strides = array<i32>} : memref<2048xf32, #tpu.memory_space<vmem>>, vector<16xf32>,
          %get3A_158 = arith.index_cast %mul3A_154 : i32 to index
          %get3A_159 = tpu.vector_load %arg14[%get3A_158] {strides = array<i32>} : memref<2048xf32, #tpu.memory_space<vmem>>, vector<16xf32>,
          %mul3A_160 = arith.mulf %get3A_157, %get3A_159 : vector<16xf32>
          %gather3A = tpu.vector_load_idx %arg6[%get3A_155] : memref<100352xf32, #tpu.memory_space<vmem>>[vector<16xi32>], vector<16xf32>,
          %max3A = arith.maximumf %gather3A, %mul3A_160 : vector<16xf32>
          %add3A_161 = arith.constant 1 : i32
          %add3A_162 = arith.addi %mul3A_150, %add3A_161 : i32
          %mul3A_163 = arith.constant 16 : i32
          %mul3A_164 = arith.muli %add3A_162, %mul3A_163 : i32
          %get3A_165 = arith.index_cast %mul3A_164 : i32 to index
          %get3A_166 = tpu.vector_load %arg11[%get3A_165] {strides = array<i32>} : memref<2048xi32, #tpu.memory_space<vmem>>, vector<16xi32>,
          %get3A_167 = arith.index_cast %mul3A_164 : i32 to index
          %get3A_168 = tpu.vector_load %arg17[%get3A_167] {strides = array<i32>} : memref<2048xf32, #tpu.memory_space<vmem>>, vector<16xf32>,
          %get3A_169 = arith.index_cast %mul3A_164 : i32 to index
          %get3A_170 = tpu.vector_load %arg14[%get3A_169] {strides = array<i32>} : memref<2048xf32, #tpu.memory_space<vmem>>, vector<16xf32>,
          %mul3A_171 = arith.mulf %get3A_168, %get3A_170 : vector<16xf32>
          %gather3A_172 = tpu.vector_load_idx %arg6[%get3A_166] : memref<100352xf32, #tpu.memory_space<vmem>>[vector<16xi32>], vector<16xf32>,
          %max3A_173 = arith.maximumf %gather3A_172, %mul3A_171 : vector<16xf32>
          %add3A_174 = arith.constant 2 : i32
          %add3A_175 = arith.addi %mul3A_150, %add3A_174 : i32
          %mul3A_176 = arith.constant 16 : i32
          %mul3A_177 = arith.muli %add3A_175, %mul3A_176 : i32
          %get3A_178 = arith.index_cast %mul3A_177 : i32 to index
          %get3A_179 = tpu.vector_load %arg11[%get3A_178] {strides = array<i32>} : memref<2048xi32, #tpu.memory_space<vmem>>, vector<16xi32>,
          %get3A_180 = arith.index_cast %mul3A_177 : i32 to index
          %get3A_181 = tpu.vector_load %arg17[%get3A_180] {strides = array<i32>} : memref<2048xf32, #tpu.memory_space<vmem>>, vector<16xf32>,
          %get3A_182 = arith.index_cast %mul3A_177 : i32 to index
          %get3A_183 = tpu.vector_load %arg14[%get3A_182] {strides = array<i32>} : memref<2048xf32, #tpu.memory_space<vmem>>, vector<16xf32>,
          %mul3A_184 = arith.mulf %get3A_181, %get3A_183 : vector<16xf32>
          %gather3A_185 = tpu.vector_load_idx %arg6[%get3A_179] : memref<100352xf32, #tpu.memory_space<vmem>>[vector<16xi32>], vector<16xf32>,
          %max3A_186 = arith.maximumf %gather3A_185, %mul3A_184 : vector<16xf32>
          %add3A_187 = arith.constant 3 : i32
          %add3A_188 = arith.addi %mul3A_150, %add3A_187 : i32
          %mul3A_189 = arith.constant 16 : i32
          %mul3A_190 = arith.muli %add3A_188, %mul3A_189 : i32
          %get3A_191 = arith.index_cast %mul3A_190 : i32 to index
          %get3A_192 = tpu.vector_load %arg11[%get3A_191] {strides = array<i32>} : memref<2048xi32, #tpu.memory_space<vmem>>, vector<16xi32>,
          %get3A_193 = arith.index_cast %mul3A_190 : i32 to index
          %get3A_194 = tpu.vector_load %arg17[%get3A_193] {strides = array<i32>} : memref<2048xf32, #tpu.memory_space<vmem>>, vector<16xf32>,
          %get3A_195 = arith.index_cast %mul3A_190 : i32 to index
          %get3A_196 = tpu.vector_load %arg14[%get3A_195] {strides = array<i32>} : memref<2048xf32, #tpu.memory_space<vmem>>, vector<16xf32>,
          %mul3A_197 = arith.mulf %get3A_194, %get3A_196 : vector<16xf32>
          %gather3A_198 = tpu.vector_load_idx %arg6[%get3A_192] : memref<100352xf32, #tpu.memory_space<vmem>>[vector<16xi32>], vector<16xf32>,
          %max3A_199 = arith.maximumf %gather3A_198, %mul3A_197 : vector<16xf32>
          %add3A_200 = arith.constant 4 : i32
          %add3A_201 = arith.addi %mul3A_150, %add3A_200 : i32
          %mul3A_202 = arith.constant 16 : i32
          %mul3A_203 = arith.muli %add3A_201, %mul3A_202 : i32
          %get3A_204 = arith.index_cast %mul3A_203 : i32 to index
          %get3A_205 = tpu.vector_load %arg11[%get3A_204] {strides = array<i32>} : memref<2048xi32, #tpu.memory_space<vmem>>, vector<16xi32>,
          %get3A_206 = arith.index_cast %mul3A_203 : i32 to index
          %get3A_207 = tpu.vector_load %arg17[%get3A_206] {strides = array<i32>} : memref<2048xf32, #tpu.memory_space<vmem>>, vector<16xf32>,
          %get3A_208 = arith.index_cast %mul3A_203 : i32 to index
          %get3A_209 = tpu.vector_load %arg14[%get3A_208] {strides = array<i32>} : memref<2048xf32, #tpu.memory_space<vmem>>, vector<16xf32>,
          %mul3A_210 = arith.mulf %get3A_207, %get3A_209 : vector<16xf32>
          %gather3A_211 = tpu.vector_load_idx %arg6[%get3A_205] : memref<100352xf32, #tpu.memory_space<vmem>>[vector<16xi32>], vector<16xf32>,
          %max3A_212 = arith.maximumf %gather3A_211, %mul3A_210 : vector<16xf32>
          %add3A_213 = arith.constant 5 : i32
          %add3A_214 = arith.addi %mul3A_150, %add3A_213 : i32
          %mul3A_215 = arith.constant 16 : i32
          %mul3A_216 = arith.muli %add3A_214, %mul3A_215 : i32
          %get3A_217 = arith.index_cast %mul3A_216 : i32 to index
          %get3A_218 = tpu.vector_load %arg11[%get3A_217] {strides = array<i32>} : memref<2048xi32, #tpu.memory_space<vmem>>, vector<16xi32>,
          %get3A_219 = arith.index_cast %mul3A_216 : i32 to index
          %get3A_220 = tpu.vector_load %arg17[%get3A_219] {strides = array<i32>} : memref<2048xf32, #tpu.memory_space<vmem>>, vector<16xf32>,
          %get3A_221 = arith.index_cast %mul3A_216 : i32 to index
          %get3A_222 = tpu.vector_load %arg14[%get3A_221] {strides = array<i32>} : memref<2048xf32, #tpu.memory_space<vmem>>, vector<16xf32>,
          %mul3A_223 = arith.mulf %get3A_220, %get3A_222 : vector<16xf32>
          %gather3A_224 = tpu.vector_load_idx %arg6[%get3A_218] : memref<100352xf32, #tpu.memory_space<vmem>>[vector<16xi32>], vector<16xf32>,
          %max3A_225 = arith.maximumf %gather3A_224, %mul3A_223 : vector<16xf32>
          %add3A_226 = arith.constant 6 : i32
          %add3A_227 = arith.addi %mul3A_150, %add3A_226 : i32
          %mul3A_228 = arith.constant 16 : i32
          %mul3A_229 = arith.muli %add3A_227, %mul3A_228 : i32
          %get3A_230 = arith.index_cast %mul3A_229 : i32 to index
          %get3A_231 = tpu.vector_load %arg11[%get3A_230] {strides = array<i32>} : memref<2048xi32, #tpu.memory_space<vmem>>, vector<16xi32>,
          %get3A_232 = arith.index_cast %mul3A_229 : i32 to index
          %get3A_233 = tpu.vector_load %arg17[%get3A_232] {strides = array<i32>} : memref<2048xf32, #tpu.memory_space<vmem>>, vector<16xf32>,
          %get3A_234 = arith.index_cast %mul3A_229 : i32 to index
          %get3A_235 = tpu.vector_load %arg14[%get3A_234] {strides = array<i32>} : memref<2048xf32, #tpu.memory_space<vmem>>, vector<16xf32>,
          %mul3A_236 = arith.mulf %get3A_233, %get3A_235 : vector<16xf32>
          %gather3A_237 = tpu.vector_load_idx %arg6[%get3A_231] : memref<100352xf32, #tpu.memory_space<vmem>>[vector<16xi32>], vector<16xf32>,
          %max3A_238 = arith.maximumf %gather3A_237, %mul3A_236 : vector<16xf32>
          %add3A_239 = arith.constant 7 : i32
          %add3A_240 = arith.addi %mul3A_150, %add3A_239 : i32
          %mul3A_241 = arith.constant 16 : i32
          %mul3A_242 = arith.muli %add3A_240, %mul3A_241 : i32
          %get3A_243 = arith.index_cast %mul3A_242 : i32 to index
          %get3A_244 = tpu.vector_load %arg11[%get3A_243] {strides = array<i32>} : memref<2048xi32, #tpu.memory_space<vmem>>, vector<16xi32>,
          %get3A_245 = arith.index_cast %mul3A_242 : i32 to index
          %get3A_246 = tpu.vector_load %arg17[%get3A_245] {strides = array<i32>} : memref<2048xf32, #tpu.memory_space<vmem>>, vector<16xf32>,
          %get3A_247 = arith.index_cast %mul3A_242 : i32 to index
          %get3A_248 = tpu.vector_load %arg14[%get3A_247] {strides = array<i32>} : memref<2048xf32, #tpu.memory_space<vmem>>, vector<16xf32>,
          %mul3A_249 = arith.mulf %get3A_246, %get3A_248 : vector<16xf32>
          %gather3A_250 = tpu.vector_load_idx %arg6[%get3A_244] : memref<100352xf32, #tpu.memory_space<vmem>>[vector<16xi32>], vector<16xf32>,
          %max3A_251 = arith.maximumf %gather3A_250, %mul3A_249 : vector<16xf32>
          tpu.vector_store_idx %arg6[%get3A_155], %max3A : memref<100352xf32, #tpu.memory_space<vmem>>[vector<16xi32>], vector<16xf32>,
          tpu.vector_store_idx %arg6[%get3A_166], %max3A_173 : memref<100352xf32, #tpu.memory_space<vmem>>[vector<16xi32>], vector<16xf32>,
          tpu.vector_store_idx %arg6[%get3A_179], %max3A_186 : memref<100352xf32, #tpu.memory_space<vmem>>[vector<16xi32>], vector<16xf32>,
          tpu.vector_store_idx %arg6[%get3A_192], %max3A_199 : memref<100352xf32, #tpu.memory_space<vmem>>[vector<16xi32>], vector<16xf32>,
          tpu.vector_store_idx %arg6[%get3A_205], %max3A_212 : memref<100352xf32, #tpu.memory_space<vmem>>[vector<16xi32>], vector<16xf32>,
          tpu.vector_store_idx %arg6[%get3A_218], %max3A_225 : memref<100352xf32, #tpu.memory_space<vmem>>[vector<16xi32>], vector<16xf32>,
          tpu.vector_store_idx %arg6[%get3A_231], %max3A_238 : memref<100352xf32, #tpu.memory_space<vmem>>[vector<16xi32>], vector<16xf32>,
          tpu.vector_store_idx %arg6[%get3A_244], %max3A_251 : memref<100352xf32, #tpu.memory_space<vmem>>[vector<16xi32>], vector<16xf32>,
          %gather3A_252 = tpu.vector_load_idx %arg6[%get3A_155] : memref<100352xf32, #tpu.memory_space<vmem>>[vector<16xi32>], vector<16xf32>,
          %gt3A = arith.cmpf ogt, %mul3A_160, %gather3A_252 : vector<16xf32>
          %gather3A_253 = tpu.vector_load_idx %arg6[%get3A_166] : memref<100352xf32, #tpu.memory_space<vmem>>[vector<16xi32>], vector<16xf32>,
          %gt3A_254 = arith.cmpf ogt, %mul3A_171, %gather3A_253 : vector<16xf32>
          %or3A = arith.ori %gt3A, %gt3A_254 : vector<16xi1>
          %gather3A_255 = tpu.vector_load_idx %arg6[%get3A_179] : memref<100352xf32, #tpu.memory_space<vmem>>[vector<16xi32>], vector<16xf32>,
          %gt3A_256 = arith.cmpf ogt, %mul3A_184, %gather3A_255 : vector<16xf32>
          %or3A_257 = arith.ori %or3A, %gt3A_256 : vector<16xi1>
          %gather3A_258 = tpu.vector_load_idx %arg6[%get3A_192] : memref<100352xf32, #tpu.memory_space<vmem>>[vector<16xi32>], vector<16xf32>,
          %gt3A_259 = arith.cmpf ogt, %mul3A_197, %gather3A_258 : vector<16xf32>
          %or3A_260 = arith.ori %or3A_257, %gt3A_259 : vector<16xi1>
          %gather3A_261 = tpu.vector_load_idx %arg6[%get3A_205] : memref<100352xf32, #tpu.memory_space<vmem>>[vector<16xi32>], vector<16xf32>,
          %gt3A_262 = arith.cmpf ogt, %mul3A_210, %gather3A_261 : vector<16xf32>
          %or3A_263 = arith.ori %or3A_260, %gt3A_262 : vector<16xi1>
          %gather3A_264 = tpu.vector_load_idx %arg6[%get3A_218] : memref<100352xf32, #tpu.memory_space<vmem>>[vector<16xi32>], vector<16xf32>,
          %gt3A_265 = arith.cmpf ogt, %mul3A_223, %gather3A_264 : vector<16xf32>
          %or3A_266 = arith.ori %or3A_263, %gt3A_265 : vector<16xi1>
          %gather3A_267 = tpu.vector_load_idx %arg6[%get3A_231] : memref<100352xf32, #tpu.memory_space<vmem>>[vector<16xi32>], vector<16xf32>,
          %gt3A_268 = arith.cmpf ogt, %mul3A_236, %gather3A_267 : vector<16xf32>
          %or3A_269 = arith.ori %or3A_266, %gt3A_268 : vector<16xi1>
          %gather3A_270 = tpu.vector_load_idx %arg6[%get3A_244] : memref<100352xf32, #tpu.memory_space<vmem>>[vector<16xi32>], vector<16xf32>,
          %gt3A_271 = arith.cmpf ogt, %mul3A_249, %gather3A_270 : vector<16xf32>
          %or3A_272 = arith.ori %or3A_269, %gt3A_271 : vector<16xi1>
          %reduce_or3A = arith.constant 1.000000e+00 : f32
          %reduce_or3A_273 = arith.constant 0.000000e+00 : f32
          %reduce_or3A_274 = vector.broadcast %reduce_or3A : f32 to vector<16xf32>
          %reduce_or3A_275 = vector.broadcast %reduce_or3A_273 : f32 to vector<16xf32>
          %reduce_or3A_276 = arith.select %or3A_272, %reduce_or3A_274, %reduce_or3A_275 : vector<16xi1>, vector<16xf32>
          %reduce_or3A_277 = arith.constant true
          %reduce_or3A_278 = vector.broadcast %reduce_or3A_277 : i1 to vector<16xi1>
          %reduce_or3A_279 = tpu.scan <max>, %reduce_or3A_276 masked %reduce_or3A_278 : vector<16xf32>, vector<16xi1> -> vector<16xf32>
          %reduce_or3A_280 = vector.extract %reduce_or3A_279[15] : f32 from vector<16xf32>
          %reduce_or3A_281 = arith.constant 0.000000e+00 : f32
          %reduce_or3A_282 = arith.cmpf ogt, %reduce_or3A_280, %reduce_or3A_281 : f32
          %convert_element_type3A_283 = arith.extui %reduce_or3A_282 : i1 to i32
          %cond3A_284 = arith.constant 0 : i32
          %cond3A_285 = arith.cmpi ne, %convert_element_type3A_283, %cond3A_284 : i32
          scf.if %cond3A_285 {
            %add3A_287 = arith.constant 0 : i32
            %add3A_288 = arith.addi %mul3A_150, %add3A_287 : i32
            %mul3A_289 = arith.constant 16 : i32
            %mul3A_290 = arith.muli %add3A_288, %mul3A_289 : i32
            %get3A_291 = arith.index_cast %mul3A_290 : i32 to index
            %get3A_292 = tpu.vector_load %arg11[%get3A_291] {strides = array<i32>} : memref<2048xi32, #tpu.memory_space<vmem>>, vector<16xi32>,
            %get3A_293 = arith.index_cast %mul3A_290 : i32 to index
            %get3A_294 = tpu.vector_load %arg17[%get3A_293] {strides = array<i32>} : memref<2048xf32, #tpu.memory_space<vmem>>, vector<16xf32>,
            %get3A_295 = arith.index_cast %mul3A_290 : i32 to index
            %get3A_296 = tpu.vector_load %arg14[%get3A_295] {strides = array<i32>} : memref<2048xf32, #tpu.memory_space<vmem>>, vector<16xf32>,
            %mul3A_297 = arith.mulf %get3A_294, %get3A_296 : vector<16xf32>
            %gather3A_298 = tpu.vector_load_idx %arg6[%get3A_292] : memref<100352xf32, #tpu.memory_space<vmem>>[vector<16xi32>], vector<16xf32>,
            %gt3A_299 = arith.cmpf ogt, %mul3A_297, %gather3A_298 : vector<16xf32>
            %while3A = scf.while (%while3A_398 = %gt3A_299) : (vector<16xi1>) -> vector<16xi1> {
              %reduce_or3A_399 = arith.constant 1.000000e+00 : f32
              %reduce_or3A_400 = arith.constant 0.000000e+00 : f32
              %reduce_or3A_401 = vector.broadcast %reduce_or3A_399 : f32 to vector<16xf32>
              %reduce_or3A_402 = vector.broadcast %reduce_or3A_400 : f32 to vector<16xf32>
              %reduce_or3A_403 = arith.select %while3A_398, %reduce_or3A_401, %reduce_or3A_402 : vector<16xi1>, vector<16xf32>
              %reduce_or3A_404 = arith.constant true
              %reduce_or3A_405 = vector.broadcast %reduce_or3A_404 : i1 to vector<16xi1>
              %reduce_or3A_406 = tpu.scan <max>, %reduce_or3A_403 masked %reduce_or3A_405 : vector<16xf32>, vector<16xi1> -> vector<16xf32>
              %reduce_or3A_407 = vector.extract %reduce_or3A_406[15] : f32 from vector<16xf32>
              %reduce_or3A_408 = arith.constant 0.000000e+00 : f32
              %reduce_or3A_409 = arith.cmpf ogt, %reduce_or3A_407, %reduce_or3A_408 : f32
              scf.condition(%reduce_or3A_409) %while3A_398 : vector<16xi1>
            } do {
            ^bb0(%while3A_398: vector<16xi1>):
              tpu.vector_store_idx %arg6[%get3A_292], %mul3A_297 masked %while3A_398 : memref<100352xf32, #tpu.memory_space<vmem>>[vector<16xi32>], vector<16xf32>, vector<16xi1>
              %gather3A_399 = tpu.vector_load_idx %arg6[%get3A_292] : memref<100352xf32, #tpu.memory_space<vmem>>[vector<16xi32>], vector<16xf32>,
              %gt3A_400 = arith.cmpf ogt, %mul3A_297, %gather3A_399 : vector<16xf32>
              %and3A = arith.andi %while3A_398, %gt3A_400 : vector<16xi1>
              scf.yield %and3A : vector<16xi1>
            }
            %add3A_300 = arith.constant 1 : i32
            %add3A_301 = arith.addi %mul3A_150, %add3A_300 : i32
            %mul3A_302 = arith.constant 16 : i32
            %mul3A_303 = arith.muli %add3A_301, %mul3A_302 : i32
            %get3A_304 = arith.index_cast %mul3A_303 : i32 to index
            %get3A_305 = tpu.vector_load %arg11[%get3A_304] {strides = array<i32>} : memref<2048xi32, #tpu.memory_space<vmem>>, vector<16xi32>,
            %get3A_306 = arith.index_cast %mul3A_303 : i32 to index
            %get3A_307 = tpu.vector_load %arg17[%get3A_306] {strides = array<i32>} : memref<2048xf32, #tpu.memory_space<vmem>>, vector<16xf32>,
            %get3A_308 = arith.index_cast %mul3A_303 : i32 to index
            %get3A_309 = tpu.vector_load %arg14[%get3A_308] {strides = array<i32>} : memref<2048xf32, #tpu.memory_space<vmem>>, vector<16xf32>,
            %mul3A_310 = arith.mulf %get3A_307, %get3A_309 : vector<16xf32>
            %gather3A_311 = tpu.vector_load_idx %arg6[%get3A_305] : memref<100352xf32, #tpu.memory_space<vmem>>[vector<16xi32>], vector<16xf32>,
            %gt3A_312 = arith.cmpf ogt, %mul3A_310, %gather3A_311 : vector<16xf32>
            %while3A_313 = scf.while (%while3A_398 = %gt3A_312) : (vector<16xi1>) -> vector<16xi1> {
              %reduce_or3A_399 = arith.constant 1.000000e+00 : f32
              %reduce_or3A_400 = arith.constant 0.000000e+00 : f32
              %reduce_or3A_401 = vector.broadcast %reduce_or3A_399 : f32 to vector<16xf32>
              %reduce_or3A_402 = vector.broadcast %reduce_or3A_400 : f32 to vector<16xf32>
              %reduce_or3A_403 = arith.select %while3A_398, %reduce_or3A_401, %reduce_or3A_402 : vector<16xi1>, vector<16xf32>
              %reduce_or3A_404 = arith.constant true
              %reduce_or3A_405 = vector.broadcast %reduce_or3A_404 : i1 to vector<16xi1>
              %reduce_or3A_406 = tpu.scan <max>, %reduce_or3A_403 masked %reduce_or3A_405 : vector<16xf32>, vector<16xi1> -> vector<16xf32>
              %reduce_or3A_407 = vector.extract %reduce_or3A_406[15] : f32 from vector<16xf32>
              %reduce_or3A_408 = arith.constant 0.000000e+00 : f32
              %reduce_or3A_409 = arith.cmpf ogt, %reduce_or3A_407, %reduce_or3A_408 : f32
              scf.condition(%reduce_or3A_409) %while3A_398 : vector<16xi1>
            } do {
            ^bb0(%while3A_398: vector<16xi1>):
              tpu.vector_store_idx %arg6[%get3A_305], %mul3A_310 masked %while3A_398 : memref<100352xf32, #tpu.memory_space<vmem>>[vector<16xi32>], vector<16xf32>, vector<16xi1>
              %gather3A_399 = tpu.vector_load_idx %arg6[%get3A_305] : memref<100352xf32, #tpu.memory_space<vmem>>[vector<16xi32>], vector<16xf32>,
              %gt3A_400 = arith.cmpf ogt, %mul3A_310, %gather3A_399 : vector<16xf32>
              %and3A = arith.andi %while3A_398, %gt3A_400 : vector<16xi1>
              scf.yield %and3A : vector<16xi1>
            }
            %add3A_314 = arith.constant 2 : i32
            %add3A_315 = arith.addi %mul3A_150, %add3A_314 : i32
            %mul3A_316 = arith.constant 16 : i32
            %mul3A_317 = arith.muli %add3A_315, %mul3A_316 : i32
            %get3A_318 = arith.index_cast %mul3A_317 : i32 to index
            %get3A_319 = tpu.vector_load %arg11[%get3A_318] {strides = array<i32>} : memref<2048xi32, #tpu.memory_space<vmem>>, vector<16xi32>,
            %get3A_320 = arith.index_cast %mul3A_317 : i32 to index
            %get3A_321 = tpu.vector_load %arg17[%get3A_320] {strides = array<i32>} : memref<2048xf32, #tpu.memory_space<vmem>>, vector<16xf32>,
            %get3A_322 = arith.index_cast %mul3A_317 : i32 to index
            %get3A_323 = tpu.vector_load %arg14[%get3A_322] {strides = array<i32>} : memref<2048xf32, #tpu.memory_space<vmem>>, vector<16xf32>,
            %mul3A_324 = arith.mulf %get3A_321, %get3A_323 : vector<16xf32>
            %gather3A_325 = tpu.vector_load_idx %arg6[%get3A_319] : memref<100352xf32, #tpu.memory_space<vmem>>[vector<16xi32>], vector<16xf32>,
            %gt3A_326 = arith.cmpf ogt, %mul3A_324, %gather3A_325 : vector<16xf32>
            %while3A_327 = scf.while (%while3A_398 = %gt3A_326) : (vector<16xi1>) -> vector<16xi1> {
              %reduce_or3A_399 = arith.constant 1.000000e+00 : f32
              %reduce_or3A_400 = arith.constant 0.000000e+00 : f32
              %reduce_or3A_401 = vector.broadcast %reduce_or3A_399 : f32 to vector<16xf32>
              %reduce_or3A_402 = vector.broadcast %reduce_or3A_400 : f32 to vector<16xf32>
              %reduce_or3A_403 = arith.select %while3A_398, %reduce_or3A_401, %reduce_or3A_402 : vector<16xi1>, vector<16xf32>
              %reduce_or3A_404 = arith.constant true
              %reduce_or3A_405 = vector.broadcast %reduce_or3A_404 : i1 to vector<16xi1>
              %reduce_or3A_406 = tpu.scan <max>, %reduce_or3A_403 masked %reduce_or3A_405 : vector<16xf32>, vector<16xi1> -> vector<16xf32>
              %reduce_or3A_407 = vector.extract %reduce_or3A_406[15] : f32 from vector<16xf32>
              %reduce_or3A_408 = arith.constant 0.000000e+00 : f32
              %reduce_or3A_409 = arith.cmpf ogt, %reduce_or3A_407, %reduce_or3A_408 : f32
              scf.condition(%reduce_or3A_409) %while3A_398 : vector<16xi1>
            } do {
            ^bb0(%while3A_398: vector<16xi1>):
              tpu.vector_store_idx %arg6[%get3A_319], %mul3A_324 masked %while3A_398 : memref<100352xf32, #tpu.memory_space<vmem>>[vector<16xi32>], vector<16xf32>, vector<16xi1>
              %gather3A_399 = tpu.vector_load_idx %arg6[%get3A_319] : memref<100352xf32, #tpu.memory_space<vmem>>[vector<16xi32>], vector<16xf32>,
              %gt3A_400 = arith.cmpf ogt, %mul3A_324, %gather3A_399 : vector<16xf32>
              %and3A = arith.andi %while3A_398, %gt3A_400 : vector<16xi1>
              scf.yield %and3A : vector<16xi1>
            }
            %add3A_328 = arith.constant 3 : i32
            %add3A_329 = arith.addi %mul3A_150, %add3A_328 : i32
            %mul3A_330 = arith.constant 16 : i32
            %mul3A_331 = arith.muli %add3A_329, %mul3A_330 : i32
            %get3A_332 = arith.index_cast %mul3A_331 : i32 to index
            %get3A_333 = tpu.vector_load %arg11[%get3A_332] {strides = array<i32>} : memref<2048xi32, #tpu.memory_space<vmem>>, vector<16xi32>,
            %get3A_334 = arith.index_cast %mul3A_331 : i32 to index
            %get3A_335 = tpu.vector_load %arg17[%get3A_334] {strides = array<i32>} : memref<2048xf32, #tpu.memory_space<vmem>>, vector<16xf32>,
            %get3A_336 = arith.index_cast %mul3A_331 : i32 to index
            %get3A_337 = tpu.vector_load %arg14[%get3A_336] {strides = array<i32>} : memref<2048xf32, #tpu.memory_space<vmem>>, vector<16xf32>,
            %mul3A_338 = arith.mulf %get3A_335, %get3A_337 : vector<16xf32>
            %gather3A_339 = tpu.vector_load_idx %arg6[%get3A_333] : memref<100352xf32, #tpu.memory_space<vmem>>[vector<16xi32>], vector<16xf32>,
            %gt3A_340 = arith.cmpf ogt, %mul3A_338, %gather3A_339 : vector<16xf32>
            %while3A_341 = scf.while (%while3A_398 = %gt3A_340) : (vector<16xi1>) -> vector<16xi1> {
              %reduce_or3A_399 = arith.constant 1.000000e+00 : f32
              %reduce_or3A_400 = arith.constant 0.000000e+00 : f32
              %reduce_or3A_401 = vector.broadcast %reduce_or3A_399 : f32 to vector<16xf32>
              %reduce_or3A_402 = vector.broadcast %reduce_or3A_400 : f32 to vector<16xf32>
              %reduce_or3A_403 = arith.select %while3A_398, %reduce_or3A_401, %reduce_or3A_402 : vector<16xi1>, vector<16xf32>
              %reduce_or3A_404 = arith.constant true
              %reduce_or3A_405 = vector.broadcast %reduce_or3A_404 : i1 to vector<16xi1>
              %reduce_or3A_406 = tpu.scan <max>, %reduce_or3A_403 masked %reduce_or3A_405 : vector<16xf32>, vector<16xi1> -> vector<16xf32>
              %reduce_or3A_407 = vector.extract %reduce_or3A_406[15] : f32 from vector<16xf32>
              %reduce_or3A_408 = arith.constant 0.000000e+00 : f32
              %reduce_or3A_409 = arith.cmpf ogt, %reduce_or3A_407, %reduce_or3A_408 : f32
              scf.condition(%reduce_or3A_409) %while3A_398 : vector<16xi1>
            } do {
            ^bb0(%while3A_398: vector<16xi1>):
              tpu.vector_store_idx %arg6[%get3A_333], %mul3A_338 masked %while3A_398 : memref<100352xf32, #tpu.memory_space<vmem>>[vector<16xi32>], vector<16xf32>, vector<16xi1>
              %gather3A_399 = tpu.vector_load_idx %arg6[%get3A_333] : memref<100352xf32, #tpu.memory_space<vmem>>[vector<16xi32>], vector<16xf32>,
              %gt3A_400 = arith.cmpf ogt, %mul3A_338, %gather3A_399 : vector<16xf32>
              %and3A = arith.andi %while3A_398, %gt3A_400 : vector<16xi1>
              scf.yield %and3A : vector<16xi1>
            }
            %add3A_342 = arith.constant 4 : i32
            %add3A_343 = arith.addi %mul3A_150, %add3A_342 : i32
            %mul3A_344 = arith.constant 16 : i32
            %mul3A_345 = arith.muli %add3A_343, %mul3A_344 : i32
            %get3A_346 = arith.index_cast %mul3A_345 : i32 to index
            %get3A_347 = tpu.vector_load %arg11[%get3A_346] {strides = array<i32>} : memref<2048xi32, #tpu.memory_space<vmem>>, vector<16xi32>,
            %get3A_348 = arith.index_cast %mul3A_345 : i32 to index
            %get3A_349 = tpu.vector_load %arg17[%get3A_348] {strides = array<i32>} : memref<2048xf32, #tpu.memory_space<vmem>>, vector<16xf32>,
            %get3A_350 = arith.index_cast %mul3A_345 : i32 to index
            %get3A_351 = tpu.vector_load %arg14[%get3A_350] {strides = array<i32>} : memref<2048xf32, #tpu.memory_space<vmem>>, vector<16xf32>,
            %mul3A_352 = arith.mulf %get3A_349, %get3A_351 : vector<16xf32>
            %gather3A_353 = tpu.vector_load_idx %arg6[%get3A_347] : memref<100352xf32, #tpu.memory_space<vmem>>[vector<16xi32>], vector<16xf32>,
            %gt3A_354 = arith.cmpf ogt, %mul3A_352, %gather3A_353 : vector<16xf32>
            %while3A_355 = scf.while (%while3A_398 = %gt3A_354) : (vector<16xi1>) -> vector<16xi1> {
              %reduce_or3A_399 = arith.constant 1.000000e+00 : f32
              %reduce_or3A_400 = arith.constant 0.000000e+00 : f32
              %reduce_or3A_401 = vector.broadcast %reduce_or3A_399 : f32 to vector<16xf32>
              %reduce_or3A_402 = vector.broadcast %reduce_or3A_400 : f32 to vector<16xf32>
              %reduce_or3A_403 = arith.select %while3A_398, %reduce_or3A_401, %reduce_or3A_402 : vector<16xi1>, vector<16xf32>
              %reduce_or3A_404 = arith.constant true
              %reduce_or3A_405 = vector.broadcast %reduce_or3A_404 : i1 to vector<16xi1>
              %reduce_or3A_406 = tpu.scan <max>, %reduce_or3A_403 masked %reduce_or3A_405 : vector<16xf32>, vector<16xi1> -> vector<16xf32>
              %reduce_or3A_407 = vector.extract %reduce_or3A_406[15] : f32 from vector<16xf32>
              %reduce_or3A_408 = arith.constant 0.000000e+00 : f32
              %reduce_or3A_409 = arith.cmpf ogt, %reduce_or3A_407, %reduce_or3A_408 : f32
              scf.condition(%reduce_or3A_409) %while3A_398 : vector<16xi1>
            } do {
            ^bb0(%while3A_398: vector<16xi1>):
              tpu.vector_store_idx %arg6[%get3A_347], %mul3A_352 masked %while3A_398 : memref<100352xf32, #tpu.memory_space<vmem>>[vector<16xi32>], vector<16xf32>, vector<16xi1>
              %gather3A_399 = tpu.vector_load_idx %arg6[%get3A_347] : memref<100352xf32, #tpu.memory_space<vmem>>[vector<16xi32>], vector<16xf32>,
              %gt3A_400 = arith.cmpf ogt, %mul3A_352, %gather3A_399 : vector<16xf32>
              %and3A = arith.andi %while3A_398, %gt3A_400 : vector<16xi1>
              scf.yield %and3A : vector<16xi1>
            }
            %add3A_356 = arith.constant 5 : i32
            %add3A_357 = arith.addi %mul3A_150, %add3A_356 : i32
            %mul3A_358 = arith.constant 16 : i32
            %mul3A_359 = arith.muli %add3A_357, %mul3A_358 : i32
            %get3A_360 = arith.index_cast %mul3A_359 : i32 to index
            %get3A_361 = tpu.vector_load %arg11[%get3A_360] {strides = array<i32>} : memref<2048xi32, #tpu.memory_space<vmem>>, vector<16xi32>,
            %get3A_362 = arith.index_cast %mul3A_359 : i32 to index
            %get3A_363 = tpu.vector_load %arg17[%get3A_362] {strides = array<i32>} : memref<2048xf32, #tpu.memory_space<vmem>>, vector<16xf32>,
            %get3A_364 = arith.index_cast %mul3A_359 : i32 to index
            %get3A_365 = tpu.vector_load %arg14[%get3A_364] {strides = array<i32>} : memref<2048xf32, #tpu.memory_space<vmem>>, vector<16xf32>,
            %mul3A_366 = arith.mulf %get3A_363, %get3A_365 : vector<16xf32>
            %gather3A_367 = tpu.vector_load_idx %arg6[%get3A_361] : memref<100352xf32, #tpu.memory_space<vmem>>[vector<16xi32>], vector<16xf32>,
            %gt3A_368 = arith.cmpf ogt, %mul3A_366, %gather3A_367 : vector<16xf32>
            %while3A_369 = scf.while (%while3A_398 = %gt3A_368) : (vector<16xi1>) -> vector<16xi1> {
              %reduce_or3A_399 = arith.constant 1.000000e+00 : f32
              %reduce_or3A_400 = arith.constant 0.000000e+00 : f32
              %reduce_or3A_401 = vector.broadcast %reduce_or3A_399 : f32 to vector<16xf32>
              %reduce_or3A_402 = vector.broadcast %reduce_or3A_400 : f32 to vector<16xf32>
              %reduce_or3A_403 = arith.select %while3A_398, %reduce_or3A_401, %reduce_or3A_402 : vector<16xi1>, vector<16xf32>
              %reduce_or3A_404 = arith.constant true
              %reduce_or3A_405 = vector.broadcast %reduce_or3A_404 : i1 to vector<16xi1>
              %reduce_or3A_406 = tpu.scan <max>, %reduce_or3A_403 masked %reduce_or3A_405 : vector<16xf32>, vector<16xi1> -> vector<16xf32>
              %reduce_or3A_407 = vector.extract %reduce_or3A_406[15] : f32 from vector<16xf32>
              %reduce_or3A_408 = arith.constant 0.000000e+00 : f32
              %reduce_or3A_409 = arith.cmpf ogt, %reduce_or3A_407, %reduce_or3A_408 : f32
              scf.condition(%reduce_or3A_409) %while3A_398 : vector<16xi1>
            } do {
            ^bb0(%while3A_398: vector<16xi1>):
              tpu.vector_store_idx %arg6[%get3A_361], %mul3A_366 masked %while3A_398 : memref<100352xf32, #tpu.memory_space<vmem>>[vector<16xi32>], vector<16xf32>, vector<16xi1>
              %gather3A_399 = tpu.vector_load_idx %arg6[%get3A_361] : memref<100352xf32, #tpu.memory_space<vmem>>[vector<16xi32>], vector<16xf32>,
              %gt3A_400 = arith.cmpf ogt, %mul3A_366, %gather3A_399 : vector<16xf32>
              %and3A = arith.andi %while3A_398, %gt3A_400 : vector<16xi1>
              scf.yield %and3A : vector<16xi1>
            }
            %add3A_370 = arith.constant 6 : i32
            %add3A_371 = arith.addi %mul3A_150, %add3A_370 : i32
            %mul3A_372 = arith.constant 16 : i32
            %mul3A_373 = arith.muli %add3A_371, %mul3A_372 : i32
            %get3A_374 = arith.index_cast %mul3A_373 : i32 to index
            %get3A_375 = tpu.vector_load %arg11[%get3A_374] {strides = array<i32>} : memref<2048xi32, #tpu.memory_space<vmem>>, vector<16xi32>,
            %get3A_376 = arith.index_cast %mul3A_373 : i32 to index
            %get3A_377 = tpu.vector_load %arg17[%get3A_376] {strides = array<i32>} : memref<2048xf32, #tpu.memory_space<vmem>>, vector<16xf32>,
            %get3A_378 = arith.index_cast %mul3A_373 : i32 to index
            %get3A_379 = tpu.vector_load %arg14[%get3A_378] {strides = array<i32>} : memref<2048xf32, #tpu.memory_space<vmem>>, vector<16xf32>,
            %mul3A_380 = arith.mulf %get3A_377, %get3A_379 : vector<16xf32>
            %gather3A_381 = tpu.vector_load_idx %arg6[%get3A_375] : memref<100352xf32, #tpu.memory_space<vmem>>[vector<16xi32>], vector<16xf32>,
            %gt3A_382 = arith.cmpf ogt, %mul3A_380, %gather3A_381 : vector<16xf32>
            %while3A_383 = scf.while (%while3A_398 = %gt3A_382) : (vector<16xi1>) -> vector<16xi1> {
              %reduce_or3A_399 = arith.constant 1.000000e+00 : f32
              %reduce_or3A_400 = arith.constant 0.000000e+00 : f32
              %reduce_or3A_401 = vector.broadcast %reduce_or3A_399 : f32 to vector<16xf32>
              %reduce_or3A_402 = vector.broadcast %reduce_or3A_400 : f32 to vector<16xf32>
              %reduce_or3A_403 = arith.select %while3A_398, %reduce_or3A_401, %reduce_or3A_402 : vector<16xi1>, vector<16xf32>
              %reduce_or3A_404 = arith.constant true
              %reduce_or3A_405 = vector.broadcast %reduce_or3A_404 : i1 to vector<16xi1>
              %reduce_or3A_406 = tpu.scan <max>, %reduce_or3A_403 masked %reduce_or3A_405 : vector<16xf32>, vector<16xi1> -> vector<16xf32>
              %reduce_or3A_407 = vector.extract %reduce_or3A_406[15] : f32 from vector<16xf32>
              %reduce_or3A_408 = arith.constant 0.000000e+00 : f32
              %reduce_or3A_409 = arith.cmpf ogt, %reduce_or3A_407, %reduce_or3A_408 : f32
              scf.condition(%reduce_or3A_409) %while3A_398 : vector<16xi1>
            } do {
            ^bb0(%while3A_398: vector<16xi1>):
              tpu.vector_store_idx %arg6[%get3A_375], %mul3A_380 masked %while3A_398 : memref<100352xf32, #tpu.memory_space<vmem>>[vector<16xi32>], vector<16xf32>, vector<16xi1>
              %gather3A_399 = tpu.vector_load_idx %arg6[%get3A_375] : memref<100352xf32, #tpu.memory_space<vmem>>[vector<16xi32>], vector<16xf32>,
              %gt3A_400 = arith.cmpf ogt, %mul3A_380, %gather3A_399 : vector<16xf32>
              %and3A = arith.andi %while3A_398, %gt3A_400 : vector<16xi1>
              scf.yield %and3A : vector<16xi1>
            }
            %add3A_384 = arith.constant 7 : i32
            %add3A_385 = arith.addi %mul3A_150, %add3A_384 : i32
            %mul3A_386 = arith.constant 16 : i32
            %mul3A_387 = arith.muli %add3A_385, %mul3A_386 : i32
            %get3A_388 = arith.index_cast %mul3A_387 : i32 to index
            %get3A_389 = tpu.vector_load %arg11[%get3A_388] {strides = array<i32>} : memref<2048xi32, #tpu.memory_space<vmem>>, vector<16xi32>,
            %get3A_390 = arith.index_cast %mul3A_387 : i32 to index
            %get3A_391 = tpu.vector_load %arg17[%get3A_390] {strides = array<i32>} : memref<2048xf32, #tpu.memory_space<vmem>>, vector<16xf32>,
            %get3A_392 = arith.index_cast %mul3A_387 : i32 to index
            %get3A_393 = tpu.vector_load %arg14[%get3A_392] {strides = array<i32>} : memref<2048xf32, #tpu.memory_space<vmem>>, vector<16xf32>,
            %mul3A_394 = arith.mulf %get3A_391, %get3A_393 : vector<16xf32>
            %gather3A_395 = tpu.vector_load_idx %arg6[%get3A_389] : memref<100352xf32, #tpu.memory_space<vmem>>[vector<16xi32>], vector<16xf32>,
            %gt3A_396 = arith.cmpf ogt, %mul3A_394, %gather3A_395 : vector<16xf32>
            %while3A_397 = scf.while (%while3A_398 = %gt3A_396) : (vector<16xi1>) -> vector<16xi1> {
              %reduce_or3A_399 = arith.constant 1.000000e+00 : f32
              %reduce_or3A_400 = arith.constant 0.000000e+00 : f32
              %reduce_or3A_401 = vector.broadcast %reduce_or3A_399 : f32 to vector<16xf32>
              %reduce_or3A_402 = vector.broadcast %reduce_or3A_400 : f32 to vector<16xf32>
              %reduce_or3A_403 = arith.select %while3A_398, %reduce_or3A_401, %reduce_or3A_402 : vector<16xi1>, vector<16xf32>
              %reduce_or3A_404 = arith.constant true
              %reduce_or3A_405 = vector.broadcast %reduce_or3A_404 : i1 to vector<16xi1>
              %reduce_or3A_406 = tpu.scan <max>, %reduce_or3A_403 masked %reduce_or3A_405 : vector<16xf32>, vector<16xi1> -> vector<16xf32>
              %reduce_or3A_407 = vector.extract %reduce_or3A_406[15] : f32 from vector<16xf32>
              %reduce_or3A_408 = arith.constant 0.000000e+00 : f32
              %reduce_or3A_409 = arith.cmpf ogt, %reduce_or3A_407, %reduce_or3A_408 : f32
              scf.condition(%reduce_or3A_409) %while3A_398 : vector<16xi1>
            } do {
            ^bb0(%while3A_398: vector<16xi1>):
              tpu.vector_store_idx %arg6[%get3A_389], %mul3A_394 masked %while3A_398 : memref<100352xf32, #tpu.memory_space<vmem>>[vector<16xi32>], vector<16xf32>, vector<16xi1>
              %gather3A_399 = tpu.vector_load_idx %arg6[%get3A_389] : memref<100352xf32, #tpu.memory_space<vmem>>[vector<16xi32>], vector<16xf32>,
              %gt3A_400 = arith.cmpf ogt, %mul3A_394, %gather3A_399 : vector<16xf32>
              %and3A = arith.andi %while3A_398, %gt3A_400 : vector<16xi1>
              scf.yield %and3A : vector<16xi1>
            }
          } else {
          }
          %scan3A_286 = arith.constant 0 : i32
          scf.yield %scan3A_286 : i32
        }
        %scan3A_146 = arith.constant 16 : i32
      } else {
      }
      %mul3A_115 = arith.constant 3 : i32
      %mul3A_116 = arith.muli %mul3A_115, %scan3A_67 : i32
      %add3A_117 = arith.constant 2 : i32
      %add3A_118 = arith.addi %mul3A_116, %add3A_117 : i32
      %lt3A_119 = arith.cmpi slt, %add3A_118, %select_n3A : i32
      %convert_element_type3A_120 = arith.extui %lt3A_119 : i1 to i32
      %cond3A_121 = arith.constant 0 : i32
      %cond3A_122 = arith.cmpi ne, %convert_element_type3A_120, %cond3A_121 : i32
      scf.if %cond3A_122 {
        %dma_wait3A_140 = arith.constant 0 : i32
        %dma_wait3A_141 = tpu.memref_slice %arg2[%dma_wait3A_140] : memref<100000xf32, #tpu.memory_space<hbm>> -> memref<100000xf32, #tpu.memory_space<hbm>>
        tpu.wait_indirect_dma semaphore(%arg24 : memref<!tpu.dma_semaphore, #tpu.memory_space<semaphore_mem>>) src(%dma_wait3A_141 : memref<100000xf32, #tpu.memory_space<hbm>>) dst(%arg18 : memref<2048xf32, #tpu.memory_space<vmem>>)
      } else {
      }
      %add3A_123 = arith.constant 2 : i32
      %add3A_124 = arith.addi %add3A_118, %add3A_123 : i32
      %lt3A_125 = arith.cmpi slt, %add3A_124, %select_n3A : i32
      %convert_element_type3A_126 = arith.extui %lt3A_125 : i1 to i32
      %cond3A_127 = arith.constant 0 : i32
      %cond3A_128 = arith.cmpi ne, %convert_element_type3A_126, %cond3A_127 : i32
      scf.if %cond3A_128 {
        %add3A_140 = arith.constant 2 : i32
        %add3A_141 = arith.addi %add3A_118, %add3A_140 : i32
        %mul3A_142 = arith.constant 32 : i32
        %mul3A_143 = arith.muli %add3A_141, %mul3A_142 : i32
        %add3A_144 = arith.addi %mul3A_143, %add3A : i32
        %mul3A_145 = arith.constant 2048 : i32
        %mul3A_146 = arith.muli %add3A_144, %mul3A_145 : i32
        %dma_start3A_147 = arith.constant 0 : i32
        %dma_start3A_148 = tpu.memref_slice %arg4[%dma_start3A_147, %mul3A_146] : memref<2x6400000xi32, #tpu.memory_space<hbm>> -> memref<1x2048xi32, #tpu.memory_space<hbm>>
        %dma_start3A_149 = tpu.memref_squeeze %dma_start3A_148 : memref<1x2048xi32, #tpu.memory_space<hbm>> -> memref<2048xi32, #tpu.memory_space<hbm>>
        %dma_start3A_150 = tpu.memref_slice %arg4[%dma_start3A_147, %mul3A_146] : memref<2x6400000xi32, #tpu.memory_space<hbm>> -> memref<1x2048xi32, #tpu.memory_space<hbm>>
        %dma_start3A_151 = tpu.memref_squeeze %dma_start3A_150 : memref<1x2048xi32, #tpu.memory_space<hbm>> -> memref<2048xi32, #tpu.memory_space<hbm>>
        tpu.enqueue_dma source(%dma_start3A_151 : memref<2048xi32, #tpu.memory_space<hbm>>) target(%arg8 : memref<2048xi32, #tpu.memory_space<vmem>>) target_semaphore(%arg20 : memref<!tpu.dma_semaphore, #tpu.memory_space<semaphore_mem>>)
        %dma_start3A_152 = arith.constant 1 : i32
        %dma_start3A_153 = tpu.memref_slice %arg4[%dma_start3A_152, %mul3A_146] : memref<2x6400000xi32, #tpu.memory_space<hbm>> -> memref<1x2048xi32, #tpu.memory_space<hbm>>
        %dma_start3A_154 = tpu.memref_squeeze %dma_start3A_153 : memref<1x2048xi32, #tpu.memory_space<hbm>> -> memref<2048xi32, #tpu.memory_space<hbm>>
        %dma_start3A_155 = tpu.memref_slice %arg4[%dma_start3A_152, %mul3A_146] : memref<2x6400000xi32, #tpu.memory_space<hbm>> -> memref<1x2048xi32, #tpu.memory_space<hbm>>
        %dma_start3A_156 = tpu.memref_squeeze %dma_start3A_155 : memref<1x2048xi32, #tpu.memory_space<hbm>> -> memref<2048xi32, #tpu.memory_space<hbm>>
        tpu.enqueue_dma source(%dma_start3A_156 : memref<2048xi32, #tpu.memory_space<hbm>>) target(%arg11 : memref<2048xi32, #tpu.memory_space<vmem>>) target_semaphore(%arg20 : memref<!tpu.dma_semaphore, #tpu.memory_space<semaphore_mem>>)
        %dma_start3A_157 = tpu.memref_slice %arg3[%mul3A_146] : memref<6400000xf32, #tpu.memory_space<hbm>> -> memref<2048xf32, #tpu.memory_space<hbm>>
        %dma_start3A_158 = tpu.memref_slice %arg3[%mul3A_146] : memref<6400000xf32, #tpu.memory_space<hbm>> -> memref<2048xf32, #tpu.memory_space<hbm>>
        tpu.enqueue_dma source(%dma_start3A_158 : memref<2048xf32, #tpu.memory_space<hbm>>) target(%arg14 : memref<2048xf32, #tpu.memory_space<vmem>>) target_semaphore(%arg20 : memref<!tpu.dma_semaphore, #tpu.memory_space<semaphore_mem>>)
      } else {
      }
      %add3A_129 = arith.constant 1 : i32
      %add3A_130 = arith.addi %add3A_118, %add3A_129 : i32
      %lt3A_131 = arith.cmpi slt, %add3A_130, %select_n3A : i32
      %convert_element_type3A_132 = arith.extui %lt3A_131 : i1 to i32
      %cond3A_133 = arith.constant 0 : i32
      %cond3A_134 = arith.cmpi ne, %convert_element_type3A_132, %cond3A_133 : i32
      scf.if %cond3A_134 {
        %dma_wait3A_140 = arith.constant 0 : i32
        %dma_wait3A_141 = arith.constant 0 : i32
        %dma_wait3A_142 = tpu.memref_slice %arg4[%dma_wait3A_140, %dma_wait3A_141] : memref<2x6400000xi32, #tpu.memory_space<hbm>> -> memref<1x2048xi32, #tpu.memory_space<hbm>>
        %dma_wait3A_143 = tpu.memref_squeeze %dma_wait3A_142 : memref<1x2048xi32, #tpu.memory_space<hbm>> -> memref<2048xi32, #tpu.memory_space<hbm>>
        %dma_wait3A_144 = arith.constant 0 : i32
        %dma_wait3A_145 = tpu.memref_slice %arg4[%dma_wait3A_140, %dma_wait3A_144] : memref<2x6400000xi32, #tpu.memory_space<hbm>> -> memref<1x2048xi32, #tpu.memory_space<hbm>>
        %dma_wait3A_146 = tpu.memref_squeeze %dma_wait3A_145 : memref<1x2048xi32, #tpu.memory_space<hbm>> -> memref<2048xi32, #tpu.memory_space<hbm>>
        tpu.wait_dma2 semaphore(%arg19 : memref<!tpu.dma_semaphore, #tpu.memory_space<semaphore_mem>>) src(%dma_wait3A_146 : memref<2048xi32, #tpu.memory_space<hbm>>) dst(%arg7 : memref<2048xi32, #tpu.memory_space<vmem>>)
        %dma_wait3A_147 = arith.constant 1 : i32
        %dma_wait3A_148 = arith.constant 0 : i32
        %dma_wait3A_149 = tpu.memref_slice %arg4[%dma_wait3A_147, %dma_wait3A_148] : memref<2x6400000xi32, #tpu.memory_space<hbm>> -> memref<1x2048xi32, #tpu.memory_space<hbm>>
        %dma_wait3A_150 = tpu.memref_squeeze %dma_wait3A_149 : memref<1x2048xi32, #tpu.memory_space<hbm>> -> memref<2048xi32, #tpu.memory_space<hbm>>
        %dma_wait3A_151 = arith.constant 0 : i32
        %dma_wait3A_152 = tpu.memref_slice %arg4[%dma_wait3A_147, %dma_wait3A_151] : memref<2x6400000xi32, #tpu.memory_space<hbm>> -> memref<1x2048xi32, #tpu.memory_space<hbm>>
        %dma_wait3A_153 = tpu.memref_squeeze %dma_wait3A_152 : memref<1x2048xi32, #tpu.memory_space<hbm>> -> memref<2048xi32, #tpu.memory_space<hbm>>
        tpu.wait_dma2 semaphore(%arg19 : memref<!tpu.dma_semaphore, #tpu.memory_space<semaphore_mem>>) src(%dma_wait3A_153 : memref<2048xi32, #tpu.memory_space<hbm>>) dst(%arg10 : memref<2048xi32, #tpu.memory_space<vmem>>)
        %dma_wait3A_154 = arith.constant 0 : i32
        %dma_wait3A_155 = tpu.memref_slice %arg3[%dma_wait3A_154] : memref<6400000xf32, #tpu.memory_space<hbm>> -> memref<2048xf32, #tpu.memory_space<hbm>>
        %dma_wait3A_156 = arith.constant 0 : i32
        %dma_wait3A_157 = tpu.memref_slice %arg3[%dma_wait3A_156] : memref<6400000xf32, #tpu.memory_space<hbm>> -> memref<2048xf32, #tpu.memory_space<hbm>>
        tpu.wait_dma2 semaphore(%arg19 : memref<!tpu.dma_semaphore, #tpu.memory_space<semaphore_mem>>) src(%dma_wait3A_157 : memref<2048xf32, #tpu.memory_space<hbm>>) dst(%arg13 : memref<2048xf32, #tpu.memory_space<vmem>>)
        %dma_start3A_158 = arith.constant 0 : i32
        %dma_start3A_159 = tpu.memref_slice %arg2[%dma_start3A_158] : memref<100000xf32, #tpu.memory_space<hbm>> -> memref<100000xf32, #tpu.memory_space<hbm>>
        tpu.enqueue_indirect_dma source(%dma_start3A_159 : memref<100000xf32, #tpu.memory_space<hbm>>) target(%arg16 : memref<2048xf32, #tpu.memory_space<vmem>>) offsets(%arg7 : memref<2048xi32, #tpu.memory_space<vmem>>) semaphore(%arg22 : memref<!tpu.dma_semaphore, #tpu.memory_space<semaphore_mem>>)
      } else {
      }
      %lt3A_135 = arith.cmpi slt, %add3A_118, %select_n3A : i32
      %convert_element_type3A_136 = arith.extui %lt3A_135 : i1 to i32
      %cond3A_137 = arith.constant 0 : i32
      %cond3A_138 = arith.cmpi ne, %convert_element_type3A_136, %cond3A_137 : i32
      scf.if %cond3A_138 {
        %scan3A_140 = arith.constant 0 : i32
        %scan3A_141 = arith.constant 0 : i32
        %scan3A_142 = arith.constant 16 : i32
        %scan3A_143 = arith.addi %scan3A_141, %scan3A_142 : i32
        %scan3A_144 = arith.constant 1 : i32
        %scan3A_145 = scf.for %scan3A_147 = %scan3A_141 to %scan3A_143 step %scan3A_144 iter_args(%scan3A_148 = %scan3A_140) -> (i32)  : i32 {
          %mul3A_149 = arith.constant 8 : i32
          %mul3A_150 = arith.muli %scan3A_147, %mul3A_149 : i32
          %add3A_151 = arith.constant 0 : i32
          %add3A_152 = arith.addi %mul3A_150, %add3A_151 : i32
          %mul3A_153 = arith.constant 16 : i32
          %mul3A_154 = arith.muli %add3A_152, %mul3A_153 : i32
          %get3A = arith.index_cast %mul3A_154 : i32 to index
          %get3A_155 = tpu.vector_load %arg12[%get3A] {strides = array<i32>} : memref<2048xi32, #tpu.memory_space<vmem>>, vector<16xi32>,
          %get3A_156 = arith.index_cast %mul3A_154 : i32 to index
          %get3A_157 = tpu.vector_load %arg18[%get3A_156] {strides = array<i32>} : memref<2048xf32, #tpu.memory_space<vmem>>, vector<16xf32>,
          %get3A_158 = arith.index_cast %mul3A_154 : i32 to index
          %get3A_159 = tpu.vector_load %arg15[%get3A_158] {strides = array<i32>} : memref<2048xf32, #tpu.memory_space<vmem>>, vector<16xf32>,
          %mul3A_160 = arith.mulf %get3A_157, %get3A_159 : vector<16xf32>
          %gather3A = tpu.vector_load_idx %arg6[%get3A_155] : memref<100352xf32, #tpu.memory_space<vmem>>[vector<16xi32>], vector<16xf32>,
          %max3A = arith.maximumf %gather3A, %mul3A_160 : vector<16xf32>
          %add3A_161 = arith.constant 1 : i32
          %add3A_162 = arith.addi %mul3A_150, %add3A_161 : i32
          %mul3A_163 = arith.constant 16 : i32
          %mul3A_164 = arith.muli %add3A_162, %mul3A_163 : i32
          %get3A_165 = arith.index_cast %mul3A_164 : i32 to index
          %get3A_166 = tpu.vector_load %arg12[%get3A_165] {strides = array<i32>} : memref<2048xi32, #tpu.memory_space<vmem>>, vector<16xi32>,
          %get3A_167 = arith.index_cast %mul3A_164 : i32 to index
          %get3A_168 = tpu.vector_load %arg18[%get3A_167] {strides = array<i32>} : memref<2048xf32, #tpu.memory_space<vmem>>, vector<16xf32>,
          %get3A_169 = arith.index_cast %mul3A_164 : i32 to index
          %get3A_170 = tpu.vector_load %arg15[%get3A_169] {strides = array<i32>} : memref<2048xf32, #tpu.memory_space<vmem>>, vector<16xf32>,
          %mul3A_171 = arith.mulf %get3A_168, %get3A_170 : vector<16xf32>
          %gather3A_172 = tpu.vector_load_idx %arg6[%get3A_166] : memref<100352xf32, #tpu.memory_space<vmem>>[vector<16xi32>], vector<16xf32>,
          %max3A_173 = arith.maximumf %gather3A_172, %mul3A_171 : vector<16xf32>
          %add3A_174 = arith.constant 2 : i32
          %add3A_175 = arith.addi %mul3A_150, %add3A_174 : i32
          %mul3A_176 = arith.constant 16 : i32
          %mul3A_177 = arith.muli %add3A_175, %mul3A_176 : i32
          %get3A_178 = arith.index_cast %mul3A_177 : i32 to index
          %get3A_179 = tpu.vector_load %arg12[%get3A_178] {strides = array<i32>} : memref<2048xi32, #tpu.memory_space<vmem>>, vector<16xi32>,
          %get3A_180 = arith.index_cast %mul3A_177 : i32 to index
          %get3A_181 = tpu.vector_load %arg18[%get3A_180] {strides = array<i32>} : memref<2048xf32, #tpu.memory_space<vmem>>, vector<16xf32>,
          %get3A_182 = arith.index_cast %mul3A_177 : i32 to index
          %get3A_183 = tpu.vector_load %arg15[%get3A_182] {strides = array<i32>} : memref<2048xf32, #tpu.memory_space<vmem>>, vector<16xf32>,
          %mul3A_184 = arith.mulf %get3A_181, %get3A_183 : vector<16xf32>
          %gather3A_185 = tpu.vector_load_idx %arg6[%get3A_179] : memref<100352xf32, #tpu.memory_space<vmem>>[vector<16xi32>], vector<16xf32>,
          %max3A_186 = arith.maximumf %gather3A_185, %mul3A_184 : vector<16xf32>
          %add3A_187 = arith.constant 3 : i32
          %add3A_188 = arith.addi %mul3A_150, %add3A_187 : i32
          %mul3A_189 = arith.constant 16 : i32
          %mul3A_190 = arith.muli %add3A_188, %mul3A_189 : i32
          %get3A_191 = arith.index_cast %mul3A_190 : i32 to index
          %get3A_192 = tpu.vector_load %arg12[%get3A_191] {strides = array<i32>} : memref<2048xi32, #tpu.memory_space<vmem>>, vector<16xi32>,
          %get3A_193 = arith.index_cast %mul3A_190 : i32 to index
          %get3A_194 = tpu.vector_load %arg18[%get3A_193] {strides = array<i32>} : memref<2048xf32, #tpu.memory_space<vmem>>, vector<16xf32>,
          %get3A_195 = arith.index_cast %mul3A_190 : i32 to index
          %get3A_196 = tpu.vector_load %arg15[%get3A_195] {strides = array<i32>} : memref<2048xf32, #tpu.memory_space<vmem>>, vector<16xf32>,
          %mul3A_197 = arith.mulf %get3A_194, %get3A_196 : vector<16xf32>
          %gather3A_198 = tpu.vector_load_idx %arg6[%get3A_192] : memref<100352xf32, #tpu.memory_space<vmem>>[vector<16xi32>], vector<16xf32>,
          %max3A_199 = arith.maximumf %gather3A_198, %mul3A_197 : vector<16xf32>
          %add3A_200 = arith.constant 4 : i32
          %add3A_201 = arith.addi %mul3A_150, %add3A_200 : i32
          %mul3A_202 = arith.constant 16 : i32
          %mul3A_203 = arith.muli %add3A_201, %mul3A_202 : i32
          %get3A_204 = arith.index_cast %mul3A_203 : i32 to index
          %get3A_205 = tpu.vector_load %arg12[%get3A_204] {strides = array<i32>} : memref<2048xi32, #tpu.memory_space<vmem>>, vector<16xi32>,
          %get3A_206 = arith.index_cast %mul3A_203 : i32 to index
          %get3A_207 = tpu.vector_load %arg18[%get3A_206] {strides = array<i32>} : memref<2048xf32, #tpu.memory_space<vmem>>, vector<16xf32>,
          %get3A_208 = arith.index_cast %mul3A_203 : i32 to index
          %get3A_209 = tpu.vector_load %arg15[%get3A_208] {strides = array<i32>} : memref<2048xf32, #tpu.memory_space<vmem>>, vector<16xf32>,
          %mul3A_210 = arith.mulf %get3A_207, %get3A_209 : vector<16xf32>
          %gather3A_211 = tpu.vector_load_idx %arg6[%get3A_205] : memref<100352xf32, #tpu.memory_space<vmem>>[vector<16xi32>], vector<16xf32>,
          %max3A_212 = arith.maximumf %gather3A_211, %mul3A_210 : vector<16xf32>
          %add3A_213 = arith.constant 5 : i32
          %add3A_214 = arith.addi %mul3A_150, %add3A_213 : i32
          %mul3A_215 = arith.constant 16 : i32
          %mul3A_216 = arith.muli %add3A_214, %mul3A_215 : i32
          %get3A_217 = arith.index_cast %mul3A_216 : i32 to index
          %get3A_218 = tpu.vector_load %arg12[%get3A_217] {strides = array<i32>} : memref<2048xi32, #tpu.memory_space<vmem>>, vector<16xi32>,
          %get3A_219 = arith.index_cast %mul3A_216 : i32 to index
          %get3A_220 = tpu.vector_load %arg18[%get3A_219] {strides = array<i32>} : memref<2048xf32, #tpu.memory_space<vmem>>, vector<16xf32>,
          %get3A_221 = arith.index_cast %mul3A_216 : i32 to index
          %get3A_222 = tpu.vector_load %arg15[%get3A_221] {strides = array<i32>} : memref<2048xf32, #tpu.memory_space<vmem>>, vector<16xf32>,
          %mul3A_223 = arith.mulf %get3A_220, %get3A_222 : vector<16xf32>
          %gather3A_224 = tpu.vector_load_idx %arg6[%get3A_218] : memref<100352xf32, #tpu.memory_space<vmem>>[vector<16xi32>], vector<16xf32>,
          %max3A_225 = arith.maximumf %gather3A_224, %mul3A_223 : vector<16xf32>
          %add3A_226 = arith.constant 6 : i32
          %add3A_227 = arith.addi %mul3A_150, %add3A_226 : i32
          %mul3A_228 = arith.constant 16 : i32
          %mul3A_229 = arith.muli %add3A_227, %mul3A_228 : i32
          %get3A_230 = arith.index_cast %mul3A_229 : i32 to index
          %get3A_231 = tpu.vector_load %arg12[%get3A_230] {strides = array<i32>} : memref<2048xi32, #tpu.memory_space<vmem>>, vector<16xi32>,
          %get3A_232 = arith.index_cast %mul3A_229 : i32 to index
          %get3A_233 = tpu.vector_load %arg18[%get3A_232] {strides = array<i32>} : memref<2048xf32, #tpu.memory_space<vmem>>, vector<16xf32>,
          %get3A_234 = arith.index_cast %mul3A_229 : i32 to index
          %get3A_235 = tpu.vector_load %arg15[%get3A_234] {strides = array<i32>} : memref<2048xf32, #tpu.memory_space<vmem>>, vector<16xf32>,
          %mul3A_236 = arith.mulf %get3A_233, %get3A_235 : vector<16xf32>
          %gather3A_237 = tpu.vector_load_idx %arg6[%get3A_231] : memref<100352xf32, #tpu.memory_space<vmem>>[vector<16xi32>], vector<16xf32>,
          %max3A_238 = arith.maximumf %gather3A_237, %mul3A_236 : vector<16xf32>
          %add3A_239 = arith.constant 7 : i32
          %add3A_240 = arith.addi %mul3A_150, %add3A_239 : i32
          %mul3A_241 = arith.constant 16 : i32
          %mul3A_242 = arith.muli %add3A_240, %mul3A_241 : i32
          %get3A_243 = arith.index_cast %mul3A_242 : i32 to index
          %get3A_244 = tpu.vector_load %arg12[%get3A_243] {strides = array<i32>} : memref<2048xi32, #tpu.memory_space<vmem>>, vector<16xi32>,
          %get3A_245 = arith.index_cast %mul3A_242 : i32 to index
          %get3A_246 = tpu.vector_load %arg18[%get3A_245] {strides = array<i32>} : memref<2048xf32, #tpu.memory_space<vmem>>, vector<16xf32>,
          %get3A_247 = arith.index_cast %mul3A_242 : i32 to index
          %get3A_248 = tpu.vector_load %arg15[%get3A_247] {strides = array<i32>} : memref<2048xf32, #tpu.memory_space<vmem>>, vector<16xf32>,
          %mul3A_249 = arith.mulf %get3A_246, %get3A_248 : vector<16xf32>
          %gather3A_250 = tpu.vector_load_idx %arg6[%get3A_244] : memref<100352xf32, #tpu.memory_space<vmem>>[vector<16xi32>], vector<16xf32>,
          %max3A_251 = arith.maximumf %gather3A_250, %mul3A_249 : vector<16xf32>
          tpu.vector_store_idx %arg6[%get3A_155], %max3A : memref<100352xf32, #tpu.memory_space<vmem>>[vector<16xi32>], vector<16xf32>,
          tpu.vector_store_idx %arg6[%get3A_166], %max3A_173 : memref<100352xf32, #tpu.memory_space<vmem>>[vector<16xi32>], vector<16xf32>,
          tpu.vector_store_idx %arg6[%get3A_179], %max3A_186 : memref<100352xf32, #tpu.memory_space<vmem>>[vector<16xi32>], vector<16xf32>,
          tpu.vector_store_idx %arg6[%get3A_192], %max3A_199 : memref<100352xf32, #tpu.memory_space<vmem>>[vector<16xi32>], vector<16xf32>,
          tpu.vector_store_idx %arg6[%get3A_205], %max3A_212 : memref<100352xf32, #tpu.memory_space<vmem>>[vector<16xi32>], vector<16xf32>,
          tpu.vector_store_idx %arg6[%get3A_218], %max3A_225 : memref<100352xf32, #tpu.memory_space<vmem>>[vector<16xi32>], vector<16xf32>,
          tpu.vector_store_idx %arg6[%get3A_231], %max3A_238 : memref<100352xf32, #tpu.memory_space<vmem>>[vector<16xi32>], vector<16xf32>,
          tpu.vector_store_idx %arg6[%get3A_244], %max3A_251 : memref<100352xf32, #tpu.memory_space<vmem>>[vector<16xi32>], vector<16xf32>,
          %gather3A_252 = tpu.vector_load_idx %arg6[%get3A_155] : memref<100352xf32, #tpu.memory_space<vmem>>[vector<16xi32>], vector<16xf32>,
          %gt3A = arith.cmpf ogt, %mul3A_160, %gather3A_252 : vector<16xf32>
          %gather3A_253 = tpu.vector_load_idx %arg6[%get3A_166] : memref<100352xf32, #tpu.memory_space<vmem>>[vector<16xi32>], vector<16xf32>,
          %gt3A_254 = arith.cmpf ogt, %mul3A_171, %gather3A_253 : vector<16xf32>
          %or3A = arith.ori %gt3A, %gt3A_254 : vector<16xi1>
          %gather3A_255 = tpu.vector_load_idx %arg6[%get3A_179] : memref<100352xf32, #tpu.memory_space<vmem>>[vector<16xi32>], vector<16xf32>,
          %gt3A_256 = arith.cmpf ogt, %mul3A_184, %gather3A_255 : vector<16xf32>
          %or3A_257 = arith.ori %or3A, %gt3A_256 : vector<16xi1>
          %gather3A_258 = tpu.vector_load_idx %arg6[%get3A_192] : memref<100352xf32, #tpu.memory_space<vmem>>[vector<16xi32>], vector<16xf32>,
          %gt3A_259 = arith.cmpf ogt, %mul3A_197, %gather3A_258 : vector<16xf32>
          %or3A_260 = arith.ori %or3A_257, %gt3A_259 : vector<16xi1>
          %gather3A_261 = tpu.vector_load_idx %arg6[%get3A_205] : memref<100352xf32, #tpu.memory_space<vmem>>[vector<16xi32>], vector<16xf32>,
          %gt3A_262 = arith.cmpf ogt, %mul3A_210, %gather3A_261 : vector<16xf32>
          %or3A_263 = arith.ori %or3A_260, %gt3A_262 : vector<16xi1>
          %gather3A_264 = tpu.vector_load_idx %arg6[%get3A_218] : memref<100352xf32, #tpu.memory_space<vmem>>[vector<16xi32>], vector<16xf32>,
          %gt3A_265 = arith.cmpf ogt, %mul3A_223, %gather3A_264 : vector<16xf32>
          %or3A_266 = arith.ori %or3A_263, %gt3A_265 : vector<16xi1>
          %gather3A_267 = tpu.vector_load_idx %arg6[%get3A_231] : memref<100352xf32, #tpu.memory_space<vmem>>[vector<16xi32>], vector<16xf32>,
          %gt3A_268 = arith.cmpf ogt, %mul3A_236, %gather3A_267 : vector<16xf32>
          %or3A_269 = arith.ori %or3A_266, %gt3A_268 : vector<16xi1>
          %gather3A_270 = tpu.vector_load_idx %arg6[%get3A_244] : memref<100352xf32, #tpu.memory_space<vmem>>[vector<16xi32>], vector<16xf32>,
          %gt3A_271 = arith.cmpf ogt, %mul3A_249, %gather3A_270 : vector<16xf32>
          %or3A_272 = arith.ori %or3A_269, %gt3A_271 : vector<16xi1>
          %reduce_or3A = arith.constant 1.000000e+00 : f32
          %reduce_or3A_273 = arith.constant 0.000000e+00 : f32
          %reduce_or3A_274 = vector.broadcast %reduce_or3A : f32 to vector<16xf32>
          %reduce_or3A_275 = vector.broadcast %reduce_or3A_273 : f32 to vector<16xf32>
          %reduce_or3A_276 = arith.select %or3A_272, %reduce_or3A_274, %reduce_or3A_275 : vector<16xi1>, vector<16xf32>
          %reduce_or3A_277 = arith.constant true
          %reduce_or3A_278 = vector.broadcast %reduce_or3A_277 : i1 to vector<16xi1>
          %reduce_or3A_279 = tpu.scan <max>, %reduce_or3A_276 masked %reduce_or3A_278 : vector<16xf32>, vector<16xi1> -> vector<16xf32>
          %reduce_or3A_280 = vector.extract %reduce_or3A_279[15] : f32 from vector<16xf32>
          %reduce_or3A_281 = arith.constant 0.000000e+00 : f32
          %reduce_or3A_282 = arith.cmpf ogt, %reduce_or3A_280, %reduce_or3A_281 : f32
          %convert_element_type3A_283 = arith.extui %reduce_or3A_282 : i1 to i32
          %cond3A_284 = arith.constant 0 : i32
          %cond3A_285 = arith.cmpi ne, %convert_element_type3A_283, %cond3A_284 : i32
          scf.if %cond3A_285 {
            %add3A_287 = arith.constant 0 : i32
            %add3A_288 = arith.addi %mul3A_150, %add3A_287 : i32
            %mul3A_289 = arith.constant 16 : i32
            %mul3A_290 = arith.muli %add3A_288, %mul3A_289 : i32
            %get3A_291 = arith.index_cast %mul3A_290 : i32 to index
            %get3A_292 = tpu.vector_load %arg12[%get3A_291] {strides = array<i32>} : memref<2048xi32, #tpu.memory_space<vmem>>, vector<16xi32>,
            %get3A_293 = arith.index_cast %mul3A_290 : i32 to index
            %get3A_294 = tpu.vector_load %arg18[%get3A_293] {strides = array<i32>} : memref<2048xf32, #tpu.memory_space<vmem>>, vector<16xf32>,
            %get3A_295 = arith.index_cast %mul3A_290 : i32 to index
            %get3A_296 = tpu.vector_load %arg15[%get3A_295] {strides = array<i32>} : memref<2048xf32, #tpu.memory_space<vmem>>, vector<16xf32>,
            %mul3A_297 = arith.mulf %get3A_294, %get3A_296 : vector<16xf32>
            %gather3A_298 = tpu.vector_load_idx %arg6[%get3A_292] : memref<100352xf32, #tpu.memory_space<vmem>>[vector<16xi32>], vector<16xf32>,
            %gt3A_299 = arith.cmpf ogt, %mul3A_297, %gather3A_298 : vector<16xf32>
            %while3A = scf.while (%while3A_398 = %gt3A_299) : (vector<16xi1>) -> vector<16xi1> {
              %reduce_or3A_399 = arith.constant 1.000000e+00 : f32
              %reduce_or3A_400 = arith.constant 0.000000e+00 : f32
              %reduce_or3A_401 = vector.broadcast %reduce_or3A_399 : f32 to vector<16xf32>
              %reduce_or3A_402 = vector.broadcast %reduce_or3A_400 : f32 to vector<16xf32>
              %reduce_or3A_403 = arith.select %while3A_398, %reduce_or3A_401, %reduce_or3A_402 : vector<16xi1>, vector<16xf32>
              %reduce_or3A_404 = arith.constant true
              %reduce_or3A_405 = vector.broadcast %reduce_or3A_404 : i1 to vector<16xi1>
              %reduce_or3A_406 = tpu.scan <max>, %reduce_or3A_403 masked %reduce_or3A_405 : vector<16xf32>, vector<16xi1> -> vector<16xf32>
              %reduce_or3A_407 = vector.extract %reduce_or3A_406[15] : f32 from vector<16xf32>
              %reduce_or3A_408 = arith.constant 0.000000e+00 : f32
              %reduce_or3A_409 = arith.cmpf ogt, %reduce_or3A_407, %reduce_or3A_408 : f32
              scf.condition(%reduce_or3A_409) %while3A_398 : vector<16xi1>
            } do {
            ^bb0(%while3A_398: vector<16xi1>):
              tpu.vector_store_idx %arg6[%get3A_292], %mul3A_297 masked %while3A_398 : memref<100352xf32, #tpu.memory_space<vmem>>[vector<16xi32>], vector<16xf32>, vector<16xi1>
              %gather3A_399 = tpu.vector_load_idx %arg6[%get3A_292] : memref<100352xf32, #tpu.memory_space<vmem>>[vector<16xi32>], vector<16xf32>,
              %gt3A_400 = arith.cmpf ogt, %mul3A_297, %gather3A_399 : vector<16xf32>
              %and3A = arith.andi %while3A_398, %gt3A_400 : vector<16xi1>
              scf.yield %and3A : vector<16xi1>
            }
            %add3A_300 = arith.constant 1 : i32
            %add3A_301 = arith.addi %mul3A_150, %add3A_300 : i32
            %mul3A_302 = arith.constant 16 : i32
            %mul3A_303 = arith.muli %add3A_301, %mul3A_302 : i32
            %get3A_304 = arith.index_cast %mul3A_303 : i32 to index
            %get3A_305 = tpu.vector_load %arg12[%get3A_304] {strides = array<i32>} : memref<2048xi32, #tpu.memory_space<vmem>>, vector<16xi32>,
            %get3A_306 = arith.index_cast %mul3A_303 : i32 to index
            %get3A_307 = tpu.vector_load %arg18[%get3A_306] {strides = array<i32>} : memref<2048xf32, #tpu.memory_space<vmem>>, vector<16xf32>,
            %get3A_308 = arith.index_cast %mul3A_303 : i32 to index
            %get3A_309 = tpu.vector_load %arg15[%get3A_308] {strides = array<i32>} : memref<2048xf32, #tpu.memory_space<vmem>>, vector<16xf32>,
            %mul3A_310 = arith.mulf %get3A_307, %get3A_309 : vector<16xf32>
            %gather3A_311 = tpu.vector_load_idx %arg6[%get3A_305] : memref<100352xf32, #tpu.memory_space<vmem>>[vector<16xi32>], vector<16xf32>,
            %gt3A_312 = arith.cmpf ogt, %mul3A_310, %gather3A_311 : vector<16xf32>
            %while3A_313 = scf.while (%while3A_398 = %gt3A_312) : (vector<16xi1>) -> vector<16xi1> {
              %reduce_or3A_399 = arith.constant 1.000000e+00 : f32
              %reduce_or3A_400 = arith.constant 0.000000e+00 : f32
              %reduce_or3A_401 = vector.broadcast %reduce_or3A_399 : f32 to vector<16xf32>
              %reduce_or3A_402 = vector.broadcast %reduce_or3A_400 : f32 to vector<16xf32>
              %reduce_or3A_403 = arith.select %while3A_398, %reduce_or3A_401, %reduce_or3A_402 : vector<16xi1>, vector<16xf32>
              %reduce_or3A_404 = arith.constant true
              %reduce_or3A_405 = vector.broadcast %reduce_or3A_404 : i1 to vector<16xi1>
              %reduce_or3A_406 = tpu.scan <max>, %reduce_or3A_403 masked %reduce_or3A_405 : vector<16xf32>, vector<16xi1> -> vector<16xf32>
              %reduce_or3A_407 = vector.extract %reduce_or3A_406[15] : f32 from vector<16xf32>
              %reduce_or3A_408 = arith.constant 0.000000e+00 : f32
              %reduce_or3A_409 = arith.cmpf ogt, %reduce_or3A_407, %reduce_or3A_408 : f32
              scf.condition(%reduce_or3A_409) %while3A_398 : vector<16xi1>
            } do {
            ^bb0(%while3A_398: vector<16xi1>):
              tpu.vector_store_idx %arg6[%get3A_305], %mul3A_310 masked %while3A_398 : memref<100352xf32, #tpu.memory_space<vmem>>[vector<16xi32>], vector<16xf32>, vector<16xi1>
              %gather3A_399 = tpu.vector_load_idx %arg6[%get3A_305] : memref<100352xf32, #tpu.memory_space<vmem>>[vector<16xi32>], vector<16xf32>,
              %gt3A_400 = arith.cmpf ogt, %mul3A_310, %gather3A_399 : vector<16xf32>
              %and3A = arith.andi %while3A_398, %gt3A_400 : vector<16xi1>
              scf.yield %and3A : vector<16xi1>
            }
            %add3A_314 = arith.constant 2 : i32
            %add3A_315 = arith.addi %mul3A_150, %add3A_314 : i32
            %mul3A_316 = arith.constant 16 : i32
            %mul3A_317 = arith.muli %add3A_315, %mul3A_316 : i32
            %get3A_318 = arith.index_cast %mul3A_317 : i32 to index
            %get3A_319 = tpu.vector_load %arg12[%get3A_318] {strides = array<i32>} : memref<2048xi32, #tpu.memory_space<vmem>>, vector<16xi32>,
            %get3A_320 = arith.index_cast %mul3A_317 : i32 to index
            %get3A_321 = tpu.vector_load %arg18[%get3A_320] {strides = array<i32>} : memref<2048xf32, #tpu.memory_space<vmem>>, vector<16xf32>,
            %get3A_322 = arith.index_cast %mul3A_317 : i32 to index
            %get3A_323 = tpu.vector_load %arg15[%get3A_322] {strides = array<i32>} : memref<2048xf32, #tpu.memory_space<vmem>>, vector<16xf32>,
            %mul3A_324 = arith.mulf %get3A_321, %get3A_323 : vector<16xf32>
            %gather3A_325 = tpu.vector_load_idx %arg6[%get3A_319] : memref<100352xf32, #tpu.memory_space<vmem>>[vector<16xi32>], vector<16xf32>,
            %gt3A_326 = arith.cmpf ogt, %mul3A_324, %gather3A_325 : vector<16xf32>
            %while3A_327 = scf.while (%while3A_398 = %gt3A_326) : (vector<16xi1>) -> vector<16xi1> {
              %reduce_or3A_399 = arith.constant 1.000000e+00 : f32
              %reduce_or3A_400 = arith.constant 0.000000e+00 : f32
              %reduce_or3A_401 = vector.broadcast %reduce_or3A_399 : f32 to vector<16xf32>
              %reduce_or3A_402 = vector.broadcast %reduce_or3A_400 : f32 to vector<16xf32>
              %reduce_or3A_403 = arith.select %while3A_398, %reduce_or3A_401, %reduce_or3A_402 : vector<16xi1>, vector<16xf32>
              %reduce_or3A_404 = arith.constant true
              %reduce_or3A_405 = vector.broadcast %reduce_or3A_404 : i1 to vector<16xi1>
              %reduce_or3A_406 = tpu.scan <max>, %reduce_or3A_403 masked %reduce_or3A_405 : vector<16xf32>, vector<16xi1> -> vector<16xf32>
              %reduce_or3A_407 = vector.extract %reduce_or3A_406[15] : f32 from vector<16xf32>
              %reduce_or3A_408 = arith.constant 0.000000e+00 : f32
              %reduce_or3A_409 = arith.cmpf ogt, %reduce_or3A_407, %reduce_or3A_408 : f32
              scf.condition(%reduce_or3A_409) %while3A_398 : vector<16xi1>
            } do {
            ^bb0(%while3A_398: vector<16xi1>):
              tpu.vector_store_idx %arg6[%get3A_319], %mul3A_324 masked %while3A_398 : memref<100352xf32, #tpu.memory_space<vmem>>[vector<16xi32>], vector<16xf32>, vector<16xi1>
              %gather3A_399 = tpu.vector_load_idx %arg6[%get3A_319] : memref<100352xf32, #tpu.memory_space<vmem>>[vector<16xi32>], vector<16xf32>,
              %gt3A_400 = arith.cmpf ogt, %mul3A_324, %gather3A_399 : vector<16xf32>
              %and3A = arith.andi %while3A_398, %gt3A_400 : vector<16xi1>
              scf.yield %and3A : vector<16xi1>
            }
            %add3A_328 = arith.constant 3 : i32
            %add3A_329 = arith.addi %mul3A_150, %add3A_328 : i32
            %mul3A_330 = arith.constant 16 : i32
            %mul3A_331 = arith.muli %add3A_329, %mul3A_330 : i32
            %get3A_332 = arith.index_cast %mul3A_331 : i32 to index
            %get3A_333 = tpu.vector_load %arg12[%get3A_332] {strides = array<i32>} : memref<2048xi32, #tpu.memory_space<vmem>>, vector<16xi32>,
            %get3A_334 = arith.index_cast %mul3A_331 : i32 to index
            %get3A_335 = tpu.vector_load %arg18[%get3A_334] {strides = array<i32>} : memref<2048xf32, #tpu.memory_space<vmem>>, vector<16xf32>,
            %get3A_336 = arith.index_cast %mul3A_331 : i32 to index
            %get3A_337 = tpu.vector_load %arg15[%get3A_336] {strides = array<i32>} : memref<2048xf32, #tpu.memory_space<vmem>>, vector<16xf32>,
            %mul3A_338 = arith.mulf %get3A_335, %get3A_337 : vector<16xf32>
            %gather3A_339 = tpu.vector_load_idx %arg6[%get3A_333] : memref<100352xf32, #tpu.memory_space<vmem>>[vector<16xi32>], vector<16xf32>,
            %gt3A_340 = arith.cmpf ogt, %mul3A_338, %gather3A_339 : vector<16xf32>
            %while3A_341 = scf.while (%while3A_398 = %gt3A_340) : (vector<16xi1>) -> vector<16xi1> {
              %reduce_or3A_399 = arith.constant 1.000000e+00 : f32
              %reduce_or3A_400 = arith.constant 0.000000e+00 : f32
              %reduce_or3A_401 = vector.broadcast %reduce_or3A_399 : f32 to vector<16xf32>
              %reduce_or3A_402 = vector.broadcast %reduce_or3A_400 : f32 to vector<16xf32>
              %reduce_or3A_403 = arith.select %while3A_398, %reduce_or3A_401, %reduce_or3A_402 : vector<16xi1>, vector<16xf32>
              %reduce_or3A_404 = arith.constant true
              %reduce_or3A_405 = vector.broadcast %reduce_or3A_404 : i1 to vector<16xi1>
              %reduce_or3A_406 = tpu.scan <max>, %reduce_or3A_403 masked %reduce_or3A_405 : vector<16xf32>, vector<16xi1> -> vector<16xf32>
              %reduce_or3A_407 = vector.extract %reduce_or3A_406[15] : f32 from vector<16xf32>
              %reduce_or3A_408 = arith.constant 0.000000e+00 : f32
              %reduce_or3A_409 = arith.cmpf ogt, %reduce_or3A_407, %reduce_or3A_408 : f32
              scf.condition(%reduce_or3A_409) %while3A_398 : vector<16xi1>
            } do {
            ^bb0(%while3A_398: vector<16xi1>):
              tpu.vector_store_idx %arg6[%get3A_333], %mul3A_338 masked %while3A_398 : memref<100352xf32, #tpu.memory_space<vmem>>[vector<16xi32>], vector<16xf32>, vector<16xi1>
              %gather3A_399 = tpu.vector_load_idx %arg6[%get3A_333] : memref<100352xf32, #tpu.memory_space<vmem>>[vector<16xi32>], vector<16xf32>,
              %gt3A_400 = arith.cmpf ogt, %mul3A_338, %gather3A_399 : vector<16xf32>
              %and3A = arith.andi %while3A_398, %gt3A_400 : vector<16xi1>
              scf.yield %and3A : vector<16xi1>
            }
            %add3A_342 = arith.constant 4 : i32
            %add3A_343 = arith.addi %mul3A_150, %add3A_342 : i32
            %mul3A_344 = arith.constant 16 : i32
            %mul3A_345 = arith.muli %add3A_343, %mul3A_344 : i32
            %get3A_346 = arith.index_cast %mul3A_345 : i32 to index
            %get3A_347 = tpu.vector_load %arg12[%get3A_346] {strides = array<i32>} : memref<2048xi32, #tpu.memory_space<vmem>>, vector<16xi32>,
            %get3A_348 = arith.index_cast %mul3A_345 : i32 to index
            %get3A_349 = tpu.vector_load %arg18[%get3A_348] {strides = array<i32>} : memref<2048xf32, #tpu.memory_space<vmem>>, vector<16xf32>,
            %get3A_350 = arith.index_cast %mul3A_345 : i32 to index
            %get3A_351 = tpu.vector_load %arg15[%get3A_350] {strides = array<i32>} : memref<2048xf32, #tpu.memory_space<vmem>>, vector<16xf32>,
            %mul3A_352 = arith.mulf %get3A_349, %get3A_351 : vector<16xf32>
            %gather3A_353 = tpu.vector_load_idx %arg6[%get3A_347] : memref<100352xf32, #tpu.memory_space<vmem>>[vector<16xi32>], vector<16xf32>,
            %gt3A_354 = arith.cmpf ogt, %mul3A_352, %gather3A_353 : vector<16xf32>
            %while3A_355 = scf.while (%while3A_398 = %gt3A_354) : (vector<16xi1>) -> vector<16xi1> {
              %reduce_or3A_399 = arith.constant 1.000000e+00 : f32
              %reduce_or3A_400 = arith.constant 0.000000e+00 : f32
              %reduce_or3A_401 = vector.broadcast %reduce_or3A_399 : f32 to vector<16xf32>
              %reduce_or3A_402 = vector.broadcast %reduce_or3A_400 : f32 to vector<16xf32>
              %reduce_or3A_403 = arith.select %while3A_398, %reduce_or3A_401, %reduce_or3A_402 : vector<16xi1>, vector<16xf32>
              %reduce_or3A_404 = arith.constant true
              %reduce_or3A_405 = vector.broadcast %reduce_or3A_404 : i1 to vector<16xi1>
              %reduce_or3A_406 = tpu.scan <max>, %reduce_or3A_403 masked %reduce_or3A_405 : vector<16xf32>, vector<16xi1> -> vector<16xf32>
              %reduce_or3A_407 = vector.extract %reduce_or3A_406[15] : f32 from vector<16xf32>
              %reduce_or3A_408 = arith.constant 0.000000e+00 : f32
              %reduce_or3A_409 = arith.cmpf ogt, %reduce_or3A_407, %reduce_or3A_408 : f32
              scf.condition(%reduce_or3A_409) %while3A_398 : vector<16xi1>
            } do {
            ^bb0(%while3A_398: vector<16xi1>):
              tpu.vector_store_idx %arg6[%get3A_347], %mul3A_352 masked %while3A_398 : memref<100352xf32, #tpu.memory_space<vmem>>[vector<16xi32>], vector<16xf32>, vector<16xi1>
              %gather3A_399 = tpu.vector_load_idx %arg6[%get3A_347] : memref<100352xf32, #tpu.memory_space<vmem>>[vector<16xi32>], vector<16xf32>,
              %gt3A_400 = arith.cmpf ogt, %mul3A_352, %gather3A_399 : vector<16xf32>
              %and3A = arith.andi %while3A_398, %gt3A_400 : vector<16xi1>
              scf.yield %and3A : vector<16xi1>
            }
            %add3A_356 = arith.constant 5 : i32
            %add3A_357 = arith.addi %mul3A_150, %add3A_356 : i32
            %mul3A_358 = arith.constant 16 : i32
            %mul3A_359 = arith.muli %add3A_357, %mul3A_358 : i32
            %get3A_360 = arith.index_cast %mul3A_359 : i32 to index
            %get3A_361 = tpu.vector_load %arg12[%get3A_360] {strides = array<i32>} : memref<2048xi32, #tpu.memory_space<vmem>>, vector<16xi32>,
            %get3A_362 = arith.index_cast %mul3A_359 : i32 to index
            %get3A_363 = tpu.vector_load %arg18[%get3A_362] {strides = array<i32>} : memref<2048xf32, #tpu.memory_space<vmem>>, vector<16xf32>,
            %get3A_364 = arith.index_cast %mul3A_359 : i32 to index
            %get3A_365 = tpu.vector_load %arg15[%get3A_364] {strides = array<i32>} : memref<2048xf32, #tpu.memory_space<vmem>>, vector<16xf32>,
            %mul3A_366 = arith.mulf %get3A_363, %get3A_365 : vector<16xf32>
            %gather3A_367 = tpu.vector_load_idx %arg6[%get3A_361] : memref<100352xf32, #tpu.memory_space<vmem>>[vector<16xi32>], vector<16xf32>,
            %gt3A_368 = arith.cmpf ogt, %mul3A_366, %gather3A_367 : vector<16xf32>
            %while3A_369 = scf.while (%while3A_398 = %gt3A_368) : (vector<16xi1>) -> vector<16xi1> {
              %reduce_or3A_399 = arith.constant 1.000000e+00 : f32
              %reduce_or3A_400 = arith.constant 0.000000e+00 : f32
              %reduce_or3A_401 = vector.broadcast %reduce_or3A_399 : f32 to vector<16xf32>
              %reduce_or3A_402 = vector.broadcast %reduce_or3A_400 : f32 to vector<16xf32>
              %reduce_or3A_403 = arith.select %while3A_398, %reduce_or3A_401, %reduce_or3A_402 : vector<16xi1>, vector<16xf32>
              %reduce_or3A_404 = arith.constant true
              %reduce_or3A_405 = vector.broadcast %reduce_or3A_404 : i1 to vector<16xi1>
              %reduce_or3A_406 = tpu.scan <max>, %reduce_or3A_403 masked %reduce_or3A_405 : vector<16xf32>, vector<16xi1> -> vector<16xf32>
              %reduce_or3A_407 = vector.extract %reduce_or3A_406[15] : f32 from vector<16xf32>
              %reduce_or3A_408 = arith.constant 0.000000e+00 : f32
              %reduce_or3A_409 = arith.cmpf ogt, %reduce_or3A_407, %reduce_or3A_408 : f32
              scf.condition(%reduce_or3A_409) %while3A_398 : vector<16xi1>
            } do {
            ^bb0(%while3A_398: vector<16xi1>):
              tpu.vector_store_idx %arg6[%get3A_361], %mul3A_366 masked %while3A_398 : memref<100352xf32, #tpu.memory_space<vmem>>[vector<16xi32>], vector<16xf32>, vector<16xi1>
              %gather3A_399 = tpu.vector_load_idx %arg6[%get3A_361] : memref<100352xf32, #tpu.memory_space<vmem>>[vector<16xi32>], vector<16xf32>,
              %gt3A_400 = arith.cmpf ogt, %mul3A_366, %gather3A_399 : vector<16xf32>
              %and3A = arith.andi %while3A_398, %gt3A_400 : vector<16xi1>
              scf.yield %and3A : vector<16xi1>
            }
            %add3A_370 = arith.constant 6 : i32
            %add3A_371 = arith.addi %mul3A_150, %add3A_370 : i32
            %mul3A_372 = arith.constant 16 : i32
            %mul3A_373 = arith.muli %add3A_371, %mul3A_372 : i32
            %get3A_374 = arith.index_cast %mul3A_373 : i32 to index
            %get3A_375 = tpu.vector_load %arg12[%get3A_374] {strides = array<i32>} : memref<2048xi32, #tpu.memory_space<vmem>>, vector<16xi32>,
            %get3A_376 = arith.index_cast %mul3A_373 : i32 to index
            %get3A_377 = tpu.vector_load %arg18[%get3A_376] {strides = array<i32>} : memref<2048xf32, #tpu.memory_space<vmem>>, vector<16xf32>,
            %get3A_378 = arith.index_cast %mul3A_373 : i32 to index
            %get3A_379 = tpu.vector_load %arg15[%get3A_378] {strides = array<i32>} : memref<2048xf32, #tpu.memory_space<vmem>>, vector<16xf32>,
            %mul3A_380 = arith.mulf %get3A_377, %get3A_379 : vector<16xf32>
            %gather3A_381 = tpu.vector_load_idx %arg6[%get3A_375] : memref<100352xf32, #tpu.memory_space<vmem>>[vector<16xi32>], vector<16xf32>,
            %gt3A_382 = arith.cmpf ogt, %mul3A_380, %gather3A_381 : vector<16xf32>
            %while3A_383 = scf.while (%while3A_398 = %gt3A_382) : (vector<16xi1>) -> vector<16xi1> {
              %reduce_or3A_399 = arith.constant 1.000000e+00 : f32
              %reduce_or3A_400 = arith.constant 0.000000e+00 : f32
              %reduce_or3A_401 = vector.broadcast %reduce_or3A_399 : f32 to vector<16xf32>
              %reduce_or3A_402 = vector.broadcast %reduce_or3A_400 : f32 to vector<16xf32>
              %reduce_or3A_403 = arith.select %while3A_398, %reduce_or3A_401, %reduce_or3A_402 : vector<16xi1>, vector<16xf32>
              %reduce_or3A_404 = arith.constant true
              %reduce_or3A_405 = vector.broadcast %reduce_or3A_404 : i1 to vector<16xi1>
              %reduce_or3A_406 = tpu.scan <max>, %reduce_or3A_403 masked %reduce_or3A_405 : vector<16xf32>, vector<16xi1> -> vector<16xf32>
              %reduce_or3A_407 = vector.extract %reduce_or3A_406[15] : f32 from vector<16xf32>
              %reduce_or3A_408 = arith.constant 0.000000e+00 : f32
              %reduce_or3A_409 = arith.cmpf ogt, %reduce_or3A_407, %reduce_or3A_408 : f32
              scf.condition(%reduce_or3A_409) %while3A_398 : vector<16xi1>
            } do {
            ^bb0(%while3A_398: vector<16xi1>):
              tpu.vector_store_idx %arg6[%get3A_375], %mul3A_380 masked %while3A_398 : memref<100352xf32, #tpu.memory_space<vmem>>[vector<16xi32>], vector<16xf32>, vector<16xi1>
              %gather3A_399 = tpu.vector_load_idx %arg6[%get3A_375] : memref<100352xf32, #tpu.memory_space<vmem>>[vector<16xi32>], vector<16xf32>,
              %gt3A_400 = arith.cmpf ogt, %mul3A_380, %gather3A_399 : vector<16xf32>
              %and3A = arith.andi %while3A_398, %gt3A_400 : vector<16xi1>
              scf.yield %and3A : vector<16xi1>
            }
            %add3A_384 = arith.constant 7 : i32
            %add3A_385 = arith.addi %mul3A_150, %add3A_384 : i32
            %mul3A_386 = arith.constant 16 : i32
            %mul3A_387 = arith.muli %add3A_385, %mul3A_386 : i32
            %get3A_388 = arith.index_cast %mul3A_387 : i32 to index
            %get3A_389 = tpu.vector_load %arg12[%get3A_388] {strides = array<i32>} : memref<2048xi32, #tpu.memory_space<vmem>>, vector<16xi32>,
            %get3A_390 = arith.index_cast %mul3A_387 : i32 to index
            %get3A_391 = tpu.vector_load %arg18[%get3A_390] {strides = array<i32>} : memref<2048xf32, #tpu.memory_space<vmem>>, vector<16xf32>,
            %get3A_392 = arith.index_cast %mul3A_387 : i32 to index
            %get3A_393 = tpu.vector_load %arg15[%get3A_392] {strides = array<i32>} : memref<2048xf32, #tpu.memory_space<vmem>>, vector<16xf32>,
            %mul3A_394 = arith.mulf %get3A_391, %get3A_393 : vector<16xf32>
            %gather3A_395 = tpu.vector_load_idx %arg6[%get3A_389] : memref<100352xf32, #tpu.memory_space<vmem>>[vector<16xi32>], vector<16xf32>,
            %gt3A_396 = arith.cmpf ogt, %mul3A_394, %gather3A_395 : vector<16xf32>
            %while3A_397 = scf.while (%while3A_398 = %gt3A_396) : (vector<16xi1>) -> vector<16xi1> {
              %reduce_or3A_399 = arith.constant 1.000000e+00 : f32
              %reduce_or3A_400 = arith.constant 0.000000e+00 : f32
              %reduce_or3A_401 = vector.broadcast %reduce_or3A_399 : f32 to vector<16xf32>
              %reduce_or3A_402 = vector.broadcast %reduce_or3A_400 : f32 to vector<16xf32>
              %reduce_or3A_403 = arith.select %while3A_398, %reduce_or3A_401, %reduce_or3A_402 : vector<16xi1>, vector<16xf32>
              %reduce_or3A_404 = arith.constant true
              %reduce_or3A_405 = vector.broadcast %reduce_or3A_404 : i1 to vector<16xi1>
              %reduce_or3A_406 = tpu.scan <max>, %reduce_or3A_403 masked %reduce_or3A_405 : vector<16xf32>, vector<16xi1> -> vector<16xf32>
              %reduce_or3A_407 = vector.extract %reduce_or3A_406[15] : f32 from vector<16xf32>
              %reduce_or3A_408 = arith.constant 0.000000e+00 : f32
              %reduce_or3A_409 = arith.cmpf ogt, %reduce_or3A_407, %reduce_or3A_408 : f32
              scf.condition(%reduce_or3A_409) %while3A_398 : vector<16xi1>
            } do {
            ^bb0(%while3A_398: vector<16xi1>):
              tpu.vector_store_idx %arg6[%get3A_389], %mul3A_394 masked %while3A_398 : memref<100352xf32, #tpu.memory_space<vmem>>[vector<16xi32>], vector<16xf32>, vector<16xi1>
              %gather3A_399 = tpu.vector_load_idx %arg6[%get3A_389] : memref<100352xf32, #tpu.memory_space<vmem>>[vector<16xi32>], vector<16xf32>,
              %gt3A_400 = arith.cmpf ogt, %mul3A_394, %gather3A_399 : vector<16xf32>
              %and3A = arith.andi %while3A_398, %gt3A_400 : vector<16xi1>
              scf.yield %and3A : vector<16xi1>
            }
          } else {
          }
          %scan3A_286 = arith.constant 0 : i32
          scf.yield %scan3A_286 : i32
        }
        %scan3A_146 = arith.constant 16 : i32
      } else {
      }
      %scan3A_139 = arith.constant 0 : i32
      scf.yield %scan3A_139 : i32
    }
    %scan3A_66 = arith.constant 33 : i32
    "tpu.region"() ({
      %run_scoped3A = tpu.sem_alloc : memref<!tpu.dma_semaphore, #tpu.memory_space<semaphore_mem>>
      %dma_start3A_67 = arith.constant 0 : i32
      %dma_start3A_68 = tpu.memref_slice %arg5[%add3A, %dma_start3A_67] : memref<32x100352xf32, #tpu.memory_space<hbm>> -> memref<1x100352xf32, #tpu.memory_space<hbm>>
      %dma_start3A_69 = tpu.memref_squeeze %dma_start3A_68 : memref<1x100352xf32, #tpu.memory_space<hbm>> -> memref<100352xf32, #tpu.memory_space<hbm>>
      %dma_start3A_70 = arith.constant 0 : i32
      %dma_start3A_71 = tpu.memref_slice %arg5[%add3A, %dma_start3A_70] : memref<32x100352xf32, #tpu.memory_space<hbm>> -> memref<1x100352xf32, #tpu.memory_space<hbm>>
      %dma_start3A_72 = tpu.memref_squeeze %dma_start3A_71 : memref<1x100352xf32, #tpu.memory_space<hbm>> -> memref<100352xf32, #tpu.memory_space<hbm>>
      tpu.enqueue_dma source(%arg6 : memref<100352xf32, #tpu.memory_space<vmem>>) target(%dma_start3A_72 : memref<100352xf32, #tpu.memory_space<hbm>>) target_semaphore(%run_scoped3A : memref<!tpu.dma_semaphore, #tpu.memory_space<semaphore_mem>>)
      %dma_wait3A_73 = arith.constant 0 : i32
      %dma_wait3A_74 = tpu.memref_slice %arg5[%add3A, %dma_wait3A_73] : memref<32x100352xf32, #tpu.memory_space<hbm>> -> memref<1x100352xf32, #tpu.memory_space<hbm>>
      %dma_wait3A_75 = tpu.memref_squeeze %dma_wait3A_74 : memref<1x100352xf32, #tpu.memory_space<hbm>> -> memref<100352xf32, #tpu.memory_space<hbm>>
      %dma_wait3A_76 = arith.constant 0 : i32
      %dma_wait3A_77 = tpu.memref_slice %arg5[%add3A, %dma_wait3A_76] : memref<32x100352xf32, #tpu.memory_space<hbm>> -> memref<1x100352xf32, #tpu.memory_space<hbm>>
      %dma_wait3A_78 = tpu.memref_squeeze %dma_wait3A_77 : memref<1x100352xf32, #tpu.memory_space<hbm>> -> memref<100352xf32, #tpu.memory_space<hbm>>
      tpu.wait_dma2 semaphore(%run_scoped3A : memref<!tpu.dma_semaphore, #tpu.memory_space<semaphore_mem>>) src(%arg6 : memref<100352xf32, #tpu.memory_space<vmem>>) dst(%dma_wait3A_78 : memref<100352xf32, #tpu.memory_space<hbm>>)
      tpu.yield
    }) : () -> ()
    return
  }
}

module attributes {stable_mosaic.version = 14 : i64} {
  func.func @_tc_merge(%arg0: i32, %arg1: memref<32x112x128xf32, #tpu.memory_space<vmem>>, %arg2: memref<112x128xf32, #tpu.memory_space<vmem>>) attributes {dimension_semantics = [#tpu.dimension_semantics<arbitrary>], iteration_bounds = array<i64: 7>, scalar_prefetch = 0 : i64, scratch_operands = 0 : i64, tpu.core_type = #tpu.core_type<tc>, window_params = [{transform_indices = @transform_0, window_bounds = array<i64: 32, 112, 128>}, {transform_indices = @transform_1, window_bounds = array<i64: 112, 128>}]} {
    %get3A = arith.constant 0 : index
    %get3A_0 = arith.constant 0 : index
    %get3A_1 = arith.constant 0 : index
    %get3A_2 = vector.load %arg1[%get3A, %get3A_0, %get3A_1] : memref<32x112x128xf32, #tpu.memory_space<vmem>>, vector<32x112x128xf32>
    %reduce_max3A = arith.constant dense<0xFF800000> : vector<112x128xf32>
    %reduce_max3A_3 = vector.multi_reduction <maximumf>, %get3A_2, %reduce_max3A [0] : vector<32x112x128xf32> to vector<112x128xf32>
    %swap3A = arith.constant 0 : index
    %swap3A_4 = arith.constant 0 : index
    %swap3A_5 = vector.load %arg2[%swap3A, %swap3A_4] : memref<112x128xf32, #tpu.memory_space<vmem>>, vector<112x128xf32>
    tpu.vector_store %arg2[%swap3A, %swap3A_4], %reduce_max3A_3 {strides = array<i32>} : memref<112x128xf32, #tpu.memory_space<vmem>>, vector<112x128xf32>,
    return
  }
  func.func @transform_0(%arg0: i32) -> (i32, i32, i32) {
    %c0_i32 = arith.constant 0 : i32
    %c0_i32_0 = arith.constant 0 : i32
    %c0_i32_1 = arith.constant 0 : i32
    return %c0_i32, %arg0, %c0_i32_0 : i32, i32, i32
  }
  func.func @transform_1(%arg0: i32) -> (i32, i32) {
    %c0_i32 = arith.constant 0 : i32
    %c0_i32_0 = arith.constant 0 : i32
    return %arg0, %c0_i32 : i32, i32
  }
}

</mosaic_0001>

<sc_bundles>
// kernel: kernel.4.cloned.1.call-start
scs
__scs_entry_jumppad:
0x0: {  	(pc) =	sbr.rel $0x88, $3  }
0x1: {  	(tag) =	ssettag $0x0;
	lr =	simm.s32 $0x1  }
0x2: {  	[smem:$0x3F9E] =	sst lr;
	_ =	strace $0xD0000000  }
0x3: {  	_ = 	snop  }
0x4: {  	_ = 	snop  }
0x5: {  	_ = 	snop  }
0x6: {  	_ = 	snop  }
0x7: {  	_ = 	snop  }
__scs_overlays_trampoline_lowered:
0x8: {  	[smem:$0x3FAD] =	sst s0  }
0x9: {  	[smem:$0x3FAE] =	sst s1  }
0xa: {  	[smem:$0x3FAF] =	sst s2  }
0xb: {  	[smem:$0x3FB0] =	sst s3  }
0xc: {  	[smem:$0x3FB1] =	sst s4  }
0xd: {  	[smem:$0x3FB2] =	sst s5  }
0xe: {  	[smem:$0x3FB3] =	sst s6  }
0xf: {  	[smem:$0x3FB4] =	sst s7  }
0x10: {  	[smem:$0x3FB5] =	sst s8  }
0x11: {  	[smem:$0x3FB6] =	sst s9;
	s0 =	simm.s32 @!p0 $0x0  }
0x12: {  	s1 =	sld [smem:$0x3F9C];
	s0 =	simm.s32 @p0 $0x1  }
0x13: {  	[smem:$0x3FB7] =	sst s0;
	s0 =	simm.s32 @!p1 $0x0  }
0x14: {  	s2 =	sld [smem:$0x3F9B];
	s0 =	simm.s32 @p1 $0x1  }
0x15: {  	[smem:$0x3FB8] =	sst s0;
	s0 =	simm.s32 @!p2 $0x0  }
0x16: {  	s3 =	sld [smem:$0x3FDB];
	s0 =	simm.s32 @p2 $0x1  }
0x17: {  	s4 =	simm.s32 $0x1BF5;
	[smem:$0x3FBA] =	sst s0  }
0x18: {  	s0 =	sld [smem:$0x3F9D];
	_ =	swait.ge [sflag:s4], $0x0  }
0x19: {  	s7 =	sld [smem:$0x3F9E]  }
0x1a: {  	s8 =	sadd.s32 $0xFFFFE003, lr  }
0x1b: {  	s9 =	sadd.s32 $0xFFFFFEF7, lr;
	s5 =	simm.s32 $0xFFFFFFFF;
	p2 =	slt.u32 s8, $0xFFFFF086  }
0x1c: {  	p1 =	slt.u32 s9, $0xF7A;
	s5 =	simm.s32 @!p2 $0x0  }
0x1d: {  	s5 =	simm.s32 @p1 $0x1;
	p0 =	seq.s32 s7, s2  }
0x1e: {  	s7 =	smul.u32 @!p0 $0xF7A, s2;
	p2 =	seq.s32 @!p0 s5, $0x0  }
0x1f: {  	s9 =	smul.u32 $0xF7A, s1;
	s8 =	simm.s32 @!p0 $0x1BF5;
	p2 =	por !p2, p0  }
0x20: {  	[sflag:s8] =	ssyncset.s32 @!p0 $0xFFFFF086;
	s6 =	sadd.s32 @!p0 s3, s7;
	s7 =	simm.s32 @!p0 $0x108  }
0x21: {  	s3 =	sadd.s32 s3, s9;
	s6 =	sadd.s32 @!p0 $0x88, s6;
	s7 =	simm.s32 @p2 $0x1082  }
0x22: {  	[simem:s7], [sflag:s8] =	dma.local @!p0 [hbm:s6], $0xF7A  }
0x23: {  	s9 =	sor.u32 $0xD0000000, s2;
	s6 =	simm.s32 $0x108;
	_ =	swait.ge @!p0 [sflag:s8], $0x0  }
0x24: {  	s3 =	sadd.s32 $0x88, s3;
	s6 =	simm.s32 @!p1 $0x1082;
	[sflag:s4] =	ssyncset.s32 $0xFFFFF086  }
0x25: {  	[simem:s6], [sflag:s4] =	dma.local [hbm:s3], $0xF7A  }
0x26: {  	[smem:$0x3F9E] =	sst s1;
	(tag) =	ssettag s2;
	_ =	strace s9  }
0x27: {  	s1 =	sld [smem:$0x3FAE]  }
0x28: {  	s2 =	sld [smem:$0x3FAF]  }
0x29: {  	s4 =	sld [smem:$0x3FB1]  }
0x2a: {  	p0 =	seq.s32 s5, $0x0;
	s5 =	sld [smem:$0x3FB2]  }
0x2b: {  	s6 =	sld [smem:$0x3FB3]  }
0x2c: {  	s7 =	sld [smem:$0x3FB4]  }
0x2d: {  	s3 =	simm.s32 $0x108;
	s8 =	sld [smem:$0x3FB5]  }
0x2e: {  	s3 =	simm.s32 @!p0 $0x1082;
	s9 =	sld [smem:$0x3FB6]  }
0x2f: {  	lr =	sadd.s32 s0, s3;
	s0 =	sld [smem:$0x3FAD]  }
0x30: {  	s3 =	sld [smem:$0x3FB0]  }
0x31: {  	[smem:$0x3FB9] =	sst s10  }
0x32: {  	s10 =	sld [smem:$0x3FB7];
	_ =	sdelay $0x3  }
0x33: {  	p0 =	seq.s32 s10, $0x1;
	s10 =	sld [smem:$0x3FB9];
	_ =	sdelay $0x3  }
0x34: {  	[smem:$0x3FB9] =	sst s10  }
0x35: {  	s10 =	sld [smem:$0x3FB8];
	_ =	sdelay $0x3  }
0x36: {  	p1 =	seq.s32 s10, $0x1;
	s10 =	sld [smem:$0x3FB9];
	_ =	sdelay $0x3  }
0x37: {  	[smem:$0x3FB9] =	sst s10  }
0x38: {  	s10 =	sld [smem:$0x3FBA]  }
0x39: {  	_ = 	snop;
	(pc) =	sbr.ind lr, $3  }
0x3a: {  	_ = 	snop  }
0x3b: {  	_ = 	snop  }
0x3c: {  	p2 =	seq.s32 s10, $0x1;
	s10 =	sld [smem:$0x3FB9]  }
0x3d: {  	_ =	shalt  }
0x3e: {  	_ =	shalt  }
0x3f: {  	_ =	shalt  }
0x40: {  	_ =	shalt  }
0x41: {  	_ =	shalt  }
0x42: {  	_ =	shalt  }
0x43: {  	_ =	shalt  }
0x44: {  	_ =	shalt  }
0x45: {  	_ =	shalt  }
0x46: {  	_ =	shalt  }
0x47: {  	_ =	shalt  }
0x48: {  	_ =	shalt  }
0x49: {  	_ =	shalt  }
0x4a: {  	_ =	shalt  }
0x4b: {  	_ =	shalt  }
0x4c: {  	_ =	shalt  }
0x4d: {  	_ =	shalt  }
0x4e: {  	_ =	shalt  }
0x4f: {  	_ =	shalt  }
0x50: {  	_ =	shalt  }
0x51: {  	_ =	shalt  }
0x52: {  	_ =	shalt  }
0x53: {  	_ =	shalt  }
0x54: {  	_ =	shalt  }
0x55: {  	_ =	shalt  }
0x56: {  	_ =	shalt  }
0x57: {  	_ =	shalt  }
0x58: {  	_ =	shalt  }
0x59: {  	_ =	shalt  }
0x5a: {  	_ =	shalt  }
0x5b: {  	_ =	shalt  }
0x5c: {  	_ =	shalt  }
0x5d: {  	_ =	shalt  }
0x5e: {  	_ =	shalt  }
0x5f: {  	_ =	shalt  }
0x60: {  	_ =	shalt  }
0x61: {  	_ =	shalt  }
0x62: {  	_ =	shalt  }
0x63: {  	_ =	shalt  }
0x64: {  	_ =	shalt  }
0x65: {  	_ =	shalt  }
0x66: {  	_ =	shalt  }
0x67: {  	_ =	shalt  }
0x68: {  	_ =	shalt  }
0x69: {  	_ =	shalt  }
0x6a: {  	_ =	shalt  }
0x6b: {  	_ =	shalt  }
0x6c: {  	_ =	shalt  }
0x6d: {  	_ =	shalt  }
0x6e: {  	_ =	shalt  }
0x6f: {  	_ =	shalt  }
0x70: {  	_ =	shalt  }
0x71: {  	_ =	shalt  }
0x72: {  	_ =	shalt  }
0x73: {  	_ =	shalt  }
0x74: {  	_ =	shalt  }
0x75: {  	_ =	shalt  }
0x76: {  	_ =	shalt  }
0x77: {  	_ =	shalt  }
0x78: {  	_ =	shalt  }
0x79: {  	_ =	shalt  }
0x7a: {  	_ =	shalt  }
0x7b: {  	_ =	shalt  }
0x7c: {  	_ =	shalt  }
0x7d: {  	_ =	shalt  }
0x7e: {  	_ =	shalt  }
0x7f: {  	_ =	shalt  }
0x80: {  	_ =	shalt  }
0x81: {  	_ =	shalt  }
0x82: {  	_ =	shalt  }
0x83: {  	_ =	shalt  }
0x84: {  	_ =	shalt  }
0x85: {  	_ =	shalt  }
0x86: {  	_ =	shalt  }
0x87: {  	_ =	shalt  }
.Lfunc_end0:
.L_simem_size_0:
called_computation_lowered:
.L_overlay_start_0:
0x88: {  	s2 =	sld [smem:$0x3FD9]  }
0x89: {  	s3 =	sld [smem:$0x3FFE];
	_ =	sdelay $0x1  }
0x8a: {  	s1 =	srdreg.scid  }
0x8b: {  	s0 =	sand.u32 $0x1, s1  }
0x8c: {  	s17 =	sshll.u32 s0, $0xA;
	s2 =	sadd.s32 s3, s2  }
0x8d: {  	s2 =	sadd.s32 s2, s17  }
0x8e: {  	[smem:$0x3FC5] =	sst s2  }
0x8f: {  	_ = 	snop  }
0x90: {  	s2 =	sld [smem:$0x3FC9]  }
0x91: {  	s18 =	sld [smem:$0x3FC8]  }
0x92: {  	s4 =	sld [smem:$0x3FC7];
	(tm) =	ssettm $0x1  }
0x93: {  	s5 =	sld [smem:$0x3FFB];
	_ =	sdelay $0x3  }
0x94: {  	_ =	strace s5  }
0x95: {  	s5 =	sld [smem:$0x3FFC];
	_ =	sdelay $0x3  }
0x96: {  	_ =	strace s5  }
0x97: {  	s5 =	sld [smem:$0x3FFD];
	_ =	sdelay $0x3  }
0x98: {  	_ =	strace s5  }
0x99: {  	_ =	strace $0x8FFFFFFF  }
0x9a: {  	s19 =	sld [smem:$0x3FDB];
	_ =	sdelay $0x1  }
0x9b: {  	s6 =	simm.s32 $_scs_section_size  }
0x9c: {  	s7 =	simm.s32 $_size__tile_overlayer_lowered;
	s8 =	simm.s32 $_tile_overlayer_lowered  }
0x9d: {  	s22 =	simm.s32 $0x1BFF;
	s21 =	sshll.u32 s8, $0x1;
	s5 =	sadd.s32 s6, s19  }
0x9e: {  	s9 =	simm.s32 $0x0;
	s20 =	sshll.u32 s7, $0x1;
	s7 =	sadd.s32 s21, s5  }
0x9f: {  	[timem:s9], [sflag:s22] =	dma.local [hbm:s7], s20  }
0xa0: {  	_ =	swait.ge [sflag:s22], s20  }
0xa1: {  	s6 =	ssub.s32 $0x0, s20;
	[sflag:s22] =	ssyncset.done $0x0  }
0xa2: {  	[sflag:s22] =	ssyncadd.s32 s6;
	_ =	sdelay $0x1  }
0xa3: {  	s23 =	simm.s32 $0x1B8B  }
0xa4: {  	_ =	swait.ge [sflag:s23], $0x1  }
0xa5: {  	[sflag:s23] =	ssyncset.done $0x0  }
0xa6: {  	s25 =	simm.s32 $0x1B8E;
	s24 =	sld [smem:$0x3FFE];
	[sflag:s23] =	ssyncadd.s32 $0xFFFFFFFF  }
0xa7: {  	s26 =	simm.s32 $execute0_lowered;
	[smem:$0x3FD2] =	sst s25  }
0xa8: {  	s7 =	sshll.u32 s26, $0x1;
	_ =	strace $0x80000046;
	[dreg:$0x1] =	wrdreg $0xFFFFFFFF  }
0xa9: {  	s28 =	simm.s32 $_size_execute0_lowered;
	s5 =	sadd.s32 s5, s7;
	[dreg:$0x0] =	wrdreg $0x0  }
0xaa: {  	s7 =	sshll.u32 s28, $0x1;
	[dreg:$0x2] =	wrdreg s5  }
0xab: {  	[dreg:$0x3] =	wrdreg s7  }
0xac: {  	[dreg:$0x4] =	wrdreg $0xC0  }
0xad: {  	_ =	task [dreg:s9], $0x5FFFF  }
0xae: {  	[dreg:$0x1] =	wrdreg $0xFFFFFFFF  }
0xaf: {  	[dreg:$0x0] =	wrdreg $0x60  }
0xb0: {  	[dreg:$0x2] =	wrdreg s2  }
0xb1: {  	[dreg:$0x3] =	wrdreg s18  }
0xb2: {  	[dreg:$0x4] =	wrdreg s4  }
0xb3: {  	[dreg:$0x5] =	wrdreg s24  }
0xb4: {  	[dreg:$0x6] =	wrdreg $0x9  }
0xb5: {  	_ =	task.clear_ibuf [dreg:s9], $0x7FFFF;
	_ =	strace $0x90000046  }
0xb6: {  	s29 =	simm.s32 $0x9;
	_ =	strace $0x80000048  }
0xb7: {  	_ =	swait.ge [sflag:s29], $0x1  }
0xb8: {  	[sflag:s29] =	ssyncadd.s32 $0xFFFFFFFF  }
0xb9: {  	_ =	strace $0x90000048  }
0xba: {  	_ =	sfence  }
0xbb: {  	s30 =	sld [smem:$0x0];
	_ =	sdelay $0x2  }
0xbc: {  	s31 =	sshll.u32 s1, $0xD;
	s1 =	sshrl.u32 s1, $0x2  }
0xbd: {  	s3 =	sand.u32 $0x4000, s31;
	s1 =	sadd.s32 s1, s30  }
0xbe: {  	s0 =	sor.u32 s3, s0;
	s1 =	sshll.u32 s1, $0x11  }
0xbf: {  	s0 =	sor.u32 s1, s0  }
0xc0: {  	s0 =	sadd.s32 $0x8F2B, s0  }
0xc1: {  	[sflag:s0] =	ssyncadd.remote.s32 $0x1  }
0xc2: {  	_ =	sfence.sel $0xFFFF  }
0xc3: {  	[dreg:$0x0] =	wrdreg $0xFFFFFFFF;
	(pc) =	sbr.abs _section_cstart, $3  }
0xc4: {  	[dreg:$0x1] =	wrdreg $0xFFFFFFFF  }
0xc5: {  	_ =	task.clear_ibuf [dreg:s9], $0x2FFFF;
	_ =	strace $0x9FFFFFFF  }
0xc6: {  	(tm) =	ssettm $0x7FFFFFFF  }
0xc7: {  	_ =	shalt  }
tec
execute0_lowered:
.L_overlay_start_1:
0x0: {  	(tag) =	ssettag $0x1  }
0x1: {  	s1 =	rddreg [dreg:$0x0]  }
0x2: {  	s2 =	rddreg [dreg:$0x1]  }
0x3: {  	s0 =	srdreg.scid;
	s4 =	rddreg [dreg:$0x2]  }
0x4: {  	s8 =	stileid.u32;
	s6 =	rddreg [dreg:$0x3]  }
0x5: {  	s18 =	simm.s32 $0x80;
	s19 =	simm.s32 $0x100;
	s20 =	simm.s32 $0x18800  }
0x6: {  	s31 =	simm.s32 $0x7;
	s0 =	sand.u32 $0x1, s0;
	s26 =	sshll.u32 s8, $0x7  }
0x7: {  	s9 =	sadd.s32 $0x10, s4;
	s3 =	sshll.u32 s0, $0x4;
	s0 =	ssub.s32 $0x2, s0  }
0x8: {  	s3 =	sor.u32 s8, s3;
	s8 =	sand.u32 $0x380, s26;
	s28 =	sshrl.u32 s0, $0x1  }
0x9: {  	s26 =	simm.s32 $0x1;
	s5 =	sshrl.u32 s3, $0x3;
	s0 =	ssub.s32 s0, s28  }
0xa: {  	p0 =	slt.u32 s3, $0x15;
	s7 =	smul.u32 $0xC4000, s5;
	s5 =	simm.s32 $0x0  }
0xb: {  	s10 =	sshll.u32 s3, $0x9;
	s17 =	smax.u32 s0, $0x1;
	[smem:$0x7FF] =	sst s5  }
0xc: {  	s7 =	sor.u32 s8, s7;
	_ =	strace $0x80000047;
	s8 =	sshll.u32 s3, $0xB  }
0xd: {  	s3 =	sshll.u32 s3, $0x8;
	s7 =	sshrl.u32 s7, $0x3;
	s14 =	sor.u32 $0x10000, s8  }
.Ltmp0:
0xe: {  	s11 =	sadd.s32 s2, s3;
	s3 =	simm.s32 $0x0;
	(pc) =	sbr.rel .LBB2_1-.Ltmp0, $4  }
0xf: {  	s16 =	sadd.s32 s7, s6;
	s6 =	simm.s32 $0x62;
	s7 =	sadd.s32 s4, s10  }
0x10: {  	s10 =	sadd.s32 s10, s9;
	s29 =	sshrl.u32 s14, $0x2;
	s30 =	sshrl.u32 s14, $0x3  }
0x11: {  	s6 =	simm.s32 @!p0 $0x61;
	s12 =	sadd.s32 s4, s29;
	s13 =	sadd.s32 s29, s9  }
0x12: {  	v0 =	vimm.f32 $0.0e+00;
	s14 =	sadd.s32 s2, s30;
	s16 =	sadd.s32 $0x400, s16;
	s15 =	sadd.s32 $0xFFFFFFFF, s6  }
.LBB2_62:
0x13: {  	s3 =	sadd.s32 $0x1, s3  }
0x14: {  	p0 =	sne.s32 s3, s17  }
.Ltmp1:
0x15: {  	s0 =	simm.s32 $0x400;
	(pc) =	sbr.rel @!p0 .LBB2_63-.Ltmp1, $4  }
0x16: {  	[hbm4b:s16+s18] =	stream.strided.scatter [tilespmem:s5], [sflag:$0x7], $0x18800, s0, s18, $0x38;
	[tilespmem:$0x1E800] =	vst v63  }
0x17: {  	_ =	swait.ge [sflag:s31], $0x18800  }
0x18: {  	[sflag:s31] =	ssyncset.done $0x0  }
0x19: {  	[sflag:s31] =	ssyncadd.s32 $0xFFFE7800  }
.LBB2_1:
0x1a: {  	s0 =	simm.s32 $0x40;
	s21 =	simm.s32 $0x0  }
.LBB2_2:
0x1b: {  	p0 =	sne.s32 s0, $0x61FC0;
	[tilespmem:s21+$0x0] =	vst v0;
	s21 =	smov.u32 s0;
	s0 =	sadd.s32 $0x40, s0  }
.Ltmp2:
0x1c: {  	(pc) =	sbr.rel @p0 .LBB2_2-.Ltmp2, $2  }
0x1d: {  	_ =	sdelay $0x2  }
0x1e: {  	s21 =	sshra.s32 s21, $0x2  }
0x1f: {  	[tilespmem:s21+$0x0] =	vst v0  }
0x20: {  	[tilespmem:s20], [sflag:$0x1] =	stream.strided.gather [hbm4b:s7+s18], $0x800, s19, s18, $0x38;
	[tilespmem:$0x1E800] =	vst v63  }
0x21: {  	s0 =	simm.s32 $0x1A000  }
0x22: {  	[tilespmem:s0], [sflag:$0x1] =	stream.strided.gather [hbm4b:s10+s18], $0x800, s19, s18, $0x38;
	[tilespmem:$0x1E800] =	vst v63  }
0x23: {  	s24 =	simm.s32 $0x1B800;
	s0 =	simm.s32 $0x0  }
0x24: {  	[tilespmem:s24], [sflag:$0x1] =	stream.linear.gather [hbm4b:s11+s0], $0x800, $0x38;
	[tilespmem:$0x1E800] =	vst v63  }
0x25: {  	s25 =	simm.s32 $0x19000  }
0x26: {  	[tilespmem:s25], [sflag:$0x2] =	stream.strided.gather [hbm4b:s12+s18], $0x800, s19, s18, $0x38;
	[tilespmem:$0x1E800] =	vst v63  }
0x27: {  	s28 =	simm.s32 $0x1A800  }
0x28: {  	[tilespmem:s28], [sflag:$0x2] =	stream.strided.gather [hbm4b:s13+s18], $0x800, s19, s18, $0x38;
	[tilespmem:$0x1E800] =	vst v63  }
0x29: {  	s29 =	simm.s32 $0x1C000  }
0x2a: {  	[tilespmem:s29], [sflag:$0x2] =	stream.linear.gather [hbm4b:s14+s0], $0x800, $0x38;
	[tilespmem:$0x1E800] =	vst v63  }
0x2b: {  	_ =	swait.ge [sflag:s26], $0x800  }
0x2c: {  	[sflag:s26] =	ssyncset.done $0x0  }
0x2d: {  	[sflag:s26] =	ssyncadd.s32 $0xFFFFF800  }
0x2e: {  	_ =	swait.ge [sflag:s26], $0x800  }
0x2f: {  	[sflag:s26] =	ssyncset.done $0x0  }
.Ltmp3:
0x30: {  	[sflag:s26] =	ssyncadd.s32 $0xFFFFF800;
	(pc) =	sbr.rel .LBB2_4-.Ltmp3, $4  }
0x31: {  	_ =	swait.ge [sflag:s26], $0x800  }
0x32: {  	[sflag:s26] =	ssyncset.done $0x0  }
0x33: {  	s30 =	simm.s32 $0x800;
	s22 =	simm.s32 $0x1D000;
	[sflag:s26] =	ssyncadd.s32 $0xFFFFF800  }
0x34: {  	[tilespmem:s22], [sflag:$0x4] =	stream.indirect.gather [hbm4b:s1+s30], $0x1, s20, s30, $0xb8;
	[tilespmem:$0x1E800] =	vst v63  }
.LBB2_61:
0x35: {  	s0 =	sadd.s32 $0x1, s0  }
0x36: {  	p0 =	sne.s32 s0, $0x21  }
.Ltmp4:
0x37: {  	_ = 	snop;
	(pc) =	sbr.rel @!p0 .LBB2_62-.Ltmp4, $1  }
0x38: {  	_ =	sdelay $0x3  }
.LBB2_4:
0x39: {  	s21 =	smul.u32 $0x3, s0;
	_ =	sdelay $0x1  }
0x3a: {  	s22 =	sadd.s32 $0x2, s21  }
0x3b: {  	p1 =	sge.u32 s21, s6;
	p0 =	sge.u32 s22, s6  }
0x3c: {  	s23 =	simm.s32 @!p1 $0x4;
	s22 =	sshll.u32 @!p0 s22, $0x10  }
0x3d: {  	_ =	swait.ge @!p1 [sflag:s23], $0x800;
	s28 =	simm.s32 @!p0 $0x80;
	s24 =	sor.u32 @!p0 s8, s22  }
0x3e: {  	s29 =	simm.s32 @!p0 $0x100;
	[sflag:s23] =	ssyncset.done @!p1 $0x0;
	s25 =	sshrl.u32 @!p0 s24, $0x2  }
0x3f: {  	s22 =	simm.s32 @!p0 $0x19800;
	[sflag:s23] =	ssyncadd.s32 @!p1 $0xFFFFF800;
	s23 =	sadd.s32 @!p0 s4, s25  }
0x40: {  	[tilespmem:s22], [sflag:$0x3] =	stream.strided.gather @!p0 [hbm4b:s23+s28], $0x800, s29, s28, $0x38;
	[tilespmem:$0x1E800] =	vst v63  }
0x41: {  	s23 =	sadd.s32 @!p0 s25, s9;
	s25 =	simm.s32 @!p0 $0x1B000  }
0x42: {  	[tilespmem:s25], [sflag:$0x3] =	stream.strided.gather @!p0 [hbm4b:s23+s28], $0x800, s29, s28, $0x38;
	[tilespmem:$0x1E800] =	vst v63  }
0x43: {  	p2 =	sge.u32 s21, s15;
	s23 =	sshrl.u32 @!p0 s24, $0x3  }
0x44: {  	s24 =	simm.s32 @!p0 $0x0;
	s25 =	simm.s32 @!p0 $0x1C800;
	s23 =	sadd.s32 @!p0 s2, s23  }
0x45: {  	[tilespmem:s25], [sflag:$0x3] =	stream.linear.gather @!p0 [hbm4b:s23+s24], $0x800, $0x38;
	[tilespmem:$0x1E800] =	vst v63  }
0x46: {  	s23 =	simm.s32 @!p2 $0x2  }
0x47: {  	_ =	swait.ge @!p2 [sflag:s23], $0x800  }
0x48: {  	[sflag:s23] =	ssyncset.done @!p2 $0x0  }
0x49: {  	[sflag:s23] =	ssyncadd.s32 @!p2 $0xFFFFF800  }
0x4a: {  	_ =	swait.ge @!p2 [sflag:s23], $0x800  }
0x4b: {  	[sflag:s23] =	ssyncset.done @!p2 $0x0  }
0x4c: {  	[sflag:s23] =	ssyncadd.s32 @!p2 $0xFFFFF800  }
.Ltmp5:
0x4d: {  	_ =	swait.ge @!p2 [sflag:s23], $0x800;
	(pc) =	sbr.rel @!p1 .LBB2_5-.Ltmp5, $4  }
0x4e: {  	s24 =	simm.s32 @!p2 $0x19000;
	[sflag:s23] =	ssyncset.done @!p2 $0x0  }
0x4f: {  	s25 =	simm.s32 @!p2 $0x1D800;
	[sflag:s23] =	ssyncadd.s32 @!p2 $0xFFFFF800;
	s23 =	simm.s32 @!p2 $0x800  }
0x50: {  	[tilespmem:s25], [sflag:$0x5] =	stream.indirect.gather @!p2 [hbm4b:s1+s23], $0x1, s24, s23, $0xb8;
	[tilespmem:$0x1E800] =	vst v63  }
0x51: {  	s23 =	simm.s32 $0x0  }
.LBB2_23:
0x52: {  	s23 =	sadd.s32 $0x3, s21  }
0x53: {  	s24 =	simm.s32 @!p2 $0x5;
	p1 =	sge.u32 s23, s6  }
0x54: {  	_ =	swait.ge @!p2 [sflag:s24], $0x800;
	s23 =	sshll.u32 @!p1 s23, $0x10  }
0x55: {  	[sflag:s24] =	ssyncset.done @!p2 $0x0;
	s25 =	sor.u32 @!p1 s8, s23  }
0x56: {  	s29 =	simm.s32 @!p1 $0x80;
	s30 =	simm.s32 @!p1 $0x100;
	s28 =	sshrl.u32 @!p1 s25, $0x2  }
0x57: {  	[sflag:s24] =	ssyncadd.s32 @!p2 $0xFFFFF800;
	s23 =	simm.s32 @!p1 $0x18800;
	s24 =	sadd.s32 @!p1 s4, s28  }
0x58: {  	[tilespmem:s23], [sflag:$0x1] =	stream.strided.gather @!p1 [hbm4b:s24+s29], $0x800, s30, s29, $0x38;
	[tilespmem:$0x1E800] =	vst v63  }
0x59: {  	s24 =	sadd.s32 @!p1 s28, s9;
	s28 =	simm.s32 @!p1 $0x1A000  }
0x5a: {  	[tilespmem:s28], [sflag:$0x1] =	stream.strided.gather @!p1 [hbm4b:s24+s29], $0x800, s30, s29, $0x38;
	[tilespmem:$0x1E800] =	vst v63  }
0x5b: {  	s24 =	sshrl.u32 @!p1 s25, $0x3  }
0x5c: {  	s25 =	simm.s32 @!p1 $0x0;
	s28 =	simm.s32 @!p1 $0x1B800;
	s24 =	sadd.s32 @!p1 s2, s24  }
0x5d: {  	[tilespmem:s28], [sflag:$0x1] =	stream.linear.gather @!p1 [hbm4b:s24+s25], $0x800, $0x38;
	[tilespmem:$0x1E800] =	vst v63  }
0x5e: {  	s24 =	simm.s32 @!p0 $0x3  }
0x5f: {  	_ =	swait.ge @!p0 [sflag:s24], $0x800  }
0x60: {  	[sflag:s24] =	ssyncset.done @!p0 $0x0  }
0x61: {  	[sflag:s24] =	ssyncadd.s32 @!p0 $0xFFFFF800  }
0x62: {  	_ =	swait.ge @!p0 [sflag:s24], $0x800  }
0x63: {  	[sflag:s24] =	ssyncset.done @!p0 $0x0  }
0x64: {  	[sflag:s24] =	ssyncadd.s32 @!p0 $0xFFFFF800  }
.Ltmp6:
0x65: {  	_ =	swait.ge @!p0 [sflag:s24], $0x800;
	(pc) =	sbr.rel @!p2 .LBB2_24-.Ltmp6, $4  }
0x66: {  	[sflag:s24] =	ssyncset.done @!p0 $0x0  }
0x67: {  	s25 =	simm.s32 @!p0 $0x1E000;
	[sflag:s24] =	ssyncadd.s32 @!p0 $0xFFFFF800;
	s24 =	simm.s32 @!p0 $0x800  }
0x68: {  	[tilespmem:s25], [sflag:$0x6] =	stream.indirect.gather @!p0 [hbm4b:s1+s24], $0x1, s22, s24, $0xb8;
	[tilespmem:$0x1E800] =	vst v63  }
0x69: {  	s22 =	simm.s32 $0x0  }
.LBB2_42:
0x6a: {  	s21 =	sadd.s32 $0x4, s21  }
0x6b: {  	s22 =	simm.s32 @!p0 $0x6;
	p2 =	sge.u32 s21, s6  }
0x6c: {  	_ =	swait.ge @!p0 [sflag:s22], $0x800;
	s21 =	sshll.u32 @!p2 s21, $0x10  }
0x6d: {  	[sflag:s22] =	ssyncset.done @!p0 $0x0;
	s21 =	sor.u32 @!p2 s8, s21  }
0x6e: {  	s25 =	simm.s32 @!p2 $0x80;
	s28 =	simm.s32 @!p2 $0x100;
	s24 =	sshrl.u32 @!p2 s21, $0x2  }
0x6f: {  	s29 =	simm.s32 @!p2 $0x19000;
	[sflag:s22] =	ssyncadd.s32 @!p0 $0xFFFFF800;
	s22 =	sadd.s32 @!p2 s4, s24  }
0x70: {  	[tilespmem:s29], [sflag:$0x2] =	stream.strided.gather @!p2 [hbm4b:s22+s25], $0x800, s28, s25, $0x38;
	[tilespmem:$0x1E800] =	vst v63  }
0x71: {  	s21 =	sshrl.u32 @!p2 s21, $0x3;
	s22 =	sadd.s32 @!p2 s24, s9;
	s24 =	simm.s32 @!p2 $0x1A800  }
0x72: {  	[tilespmem:s24], [sflag:$0x2] =	stream.strided.gather @!p2 [hbm4b:s22+s25], $0x800, s28, s25, $0x38;
	[tilespmem:$0x1E800] =	vst v63  }
0x73: {  	s21 =	sadd.s32 @!p2 s2, s21;
	s22 =	simm.s32 @!p2 $0x0;
	s24 =	simm.s32 @!p2 $0x1C000  }
0x74: {  	[tilespmem:s24], [sflag:$0x2] =	stream.linear.gather @!p2 [hbm4b:s21+s22], $0x800, $0x38;
	[tilespmem:$0x1E800] =	vst v63  }
0x75: {  	s21 =	simm.s32 @!p1 $0x1  }
0x76: {  	_ =	swait.ge @!p1 [sflag:s21], $0x800  }
0x77: {  	[sflag:s21] =	ssyncset.done @!p1 $0x0  }
0x78: {  	[sflag:s21] =	ssyncadd.s32 @!p1 $0xFFFFF800  }
0x79: {  	_ =	swait.ge @!p1 [sflag:s21], $0x800  }
0x7a: {  	[sflag:s21] =	ssyncset.done @!p1 $0x0  }
0x7b: {  	[sflag:s21] =	ssyncadd.s32 @!p1 $0xFFFFF800  }
.Ltmp7:
0x7c: {  	_ =	swait.ge @!p1 [sflag:s21], $0x800;
	(pc) =	sbr.rel @p0 .LBB2_61-.Ltmp7, $4  }
.Ltmp8:
0x7d: {  	[sflag:s21] =	ssyncset.done @!p1 $0x0;
	(pc) =	sbr.rel @!p0 .LBB2_43-.Ltmp8, $4  }
0x7e: {  	s22 =	simm.s32 @!p1 $0x1D000;
	[sflag:s21] =	ssyncadd.s32 @!p1 $0xFFFFF800;
	s21 =	simm.s32 @!p1 $0x800  }
0x7f: {  	[tilespmem:s22], [sflag:$0x4] =	stream.indirect.gather @!p1 [hbm4b:s1+s21], $0x1, s23, s21, $0xb8;
	[tilespmem:$0x1E800] =	vst v63  }
0x80: {  	s21 =	simm.s32 $0x0  }
0x81: {  	_ = 	snop  }
.LBB2_22:
0x82: {  	s23 =	sadd.s32 $0x1, s23  }
0x83: {  	p1 =	sne.s32 s23, $0x10  }
.Ltmp9:
0x84: {  	_ = 	snop;
	(pc) =	sbr.rel @!p1 .LBB2_23-.Ltmp9, $1  }
0x85: {  	_ =	sdelay $0x3  }
.LBB2_5:
0x86: {  	s24 =	sshll.u32 s23, $0x7  }
0x87: {  	v1 =	vld [tilespmem:s24+$0x1A000]  }
0x88: {  	v2 =	vld [tilespmem:s24+$0x1A010]  }
0x89: {  	v3 =	vld [tilespmem:s24+$0x1D000]  }
0x8a: {  	v4 =	vld [tilespmem:s24+$0x1B800]  }
0x8b: {  	v5 =	vld [tilespmem:s24+$0x1A020]  }
0x8c: {  	v7 =	vld [tilespmem:s24+$0x1D010]  }
0x8d: {  	v8 =	vld [tilespmem:s24+$0x1B810]  }
0x8e: {  	v9 =	vld [tilespmem:s24+$0x1A030]  }
0x8f: {  	v11 =	vld [tilespmem:s24+$0x1D020]  }
0x90: {  	v12 =	vld [tilespmem:s24+$0x1B820]  }
0x91: {  	v14 =	vld [tilespmem:s24+$0x1A040]  }
0x92: {  	v15 =	vld [tilespmem:s24+$0x1D030]  }
0x93: {  	v16 =	vld [tilespmem:s24+$0x1B830]  }
0x94: {  	v18 =	vld [tilespmem:s24+$0x1A050]  }
0x95: {  	v19 =	vld [tilespmem:s24+$0x1D040]  }
0x96: {  	v20 =	vld [tilespmem:s24+$0x1B840]  }
0x97: {  	v21 =	vld [tilespmem:s24+$0x1A060]  }
0x98: {  	v23 =	vld [tilespmem:s24+$0x1D050]  }
0x99: {  	v24 =	vld [tilespmem:s24+$0x1A070]  }
0x9a: {  	v25 =	vld [tilespmem:s24+$0x1B850]  }
0x9b: {  	v27 =	vld [tilespmem:s24+$0x1D060]  }
0x9c: {  	v28 =	vld [tilespmem:s24+$0x1B860]  }
0x9d: {  	v52 =	vld [tilespmem:s24+$0x1D070]  }
0x9e: {  	v53 =	vld [tilespmem:s24+$0x1B870]  }
0x9f: {  	v6 =	vld.idx.msk [tilespmem:v1+s5+$0x0], $0xffff  }
0xa0: {  	v10 =	vld.idx.msk [tilespmem:v2+s5+$0x0], $0xffff  }
0xa1: {  	v13 =	vld.idx.msk [tilespmem:v5+s5+$0x0], $0xffff  }
0xa2: {  	v17 =	vld.idx.msk [tilespmem:v9+s5+$0x0], $0xffff  }
0xa3: {  	v3 =	vmul.f32 v4, v3;
	v22 =	vld.idx.msk [tilespmem:v14+s5+$0x0], $0xffff  }
0xa4: {  	v7 =	vmul.f32 v8, v7;
	v26 =	vld.idx.msk [tilespmem:v18+s5+$0x0], $0xffff  }
0xa5: {  	v11 =	vmul.f32 v12, v11;
	v29 =	vld.idx.msk [tilespmem:v21+s5+$0x0], $0xffff;
	v6 =	vmax.f32 v6, v3  }
0xa6: {  	v15 =	vmul.f32 v16, v15;
	v54 =	vld.idx.msk [tilespmem:v24+s5+$0x0], $0xffff;
	v55 =	vmax.f32 v10, v7;
	[tilespmem:v1+s5+$0x0] =	vst.idx.msk $0xffff, v6  }
0xa7: {  	v56 =	vmul.f32 v20, v19;
	v57 =	vmax.f32 v13, v11;
	[tilespmem:v2+s5+$0x0] =	vst.idx.msk $0xffff, v55  }
0xa8: {  	v58 =	vmul.f32 v25, v23;
	v16 =	vmax.f32 v17, v15;
	[tilespmem:v5+s5+$0x0] =	vst.idx.msk $0xffff, v57  }
0xa9: {  	v60 =	vmul.f32 v28, v27;
	v59 =	vmax.f32 v22, v56;
	[tilespmem:v9+s5+$0x0] =	vst.idx.msk $0xffff, v16  }
0xaa: {  	v4 =	vmul.f32 v53, v52;
	v61 =	vmax.f32 v26, v58;
	[tilespmem:v14+s5+$0x0] =	vst.idx.msk $0xffff, v59  }
0xab: {  	v62 =	vmax.f32 v29, v60;
	[tilespmem:v18+s5+$0x0] =	vst.idx.msk $0xffff, v61  }
0xac: {  	v8 =	vmax.f32 v54, v4;
	[tilespmem:v21+s5+$0x0] =	vst.idx.msk $0xffff, v62  }
0xad: {  	[tilespmem:v24+s5+$0x0] =	vst.idx.msk $0xffff, v8  }
0xae: {  	v1 =	vld.idx.msk [tilespmem:v1+s5+$0x0], $0xffff  }
0xaf: {  	v2 =	vld.idx.msk [tilespmem:v2+s5+$0x0], $0xffff  }
0xb0: {  	v5 =	vld.idx.msk [tilespmem:v5+s5+$0x0], $0xffff  }
0xb1: {  	v6 =	vld.idx.msk [tilespmem:v9+s5+$0x0], $0xffff  }
0xb2: {  	v8 =	vld.idx.msk [tilespmem:v14+s5+$0x0], $0xffff  }
0xb3: {  	v63 =	vld.idx.msk [tilespmem:v18+s5+$0x0], $0xffff  }
0xb4: {  	vm0 =	vgt.f32 v3, v1;
	vm1 =	vgt.f32 v7, v2;
	v1 =	vld.idx.msk [tilespmem:v21+s5+$0x0], $0xffff  }
0xb5: {  	vm10 =	vgt.f32 v11, v5;
	v2 =	vld.idx.msk [tilespmem:v24+s5+$0x0], $0xffff;
	vm0 =	vmor vm0, vm1  }
0xb6: {  	vm11 =	vgt.f32 v15, v6;
	vm0 =	vmor vm0, vm10  }
0xb7: {  	vm12 =	vgt.f32 v56, v8;
	vm0 =	vmor vm0, vm11  }
0xb8: {  	vm13 =	vgt.f32 v58, v63;
	vm0 =	vmor vm0, vm12  }
0xb9: {  	vm0 =	vmor vm0, vm13;
	vm14 =	vgt.f32 v60, v1  }
0xba: {  	vm15 =	vgt.f32 v4, v2;
	vm0 =	vmor vm0, vm14  }
0xbb: {  	vm0 =	vmor vm0, vm15  }
0xbc: {  	v1 =	vsel vm0, $0x3F800000, v0  }
0xbd: {  	(xrf0) =	vmax.scan.msk.f32 $0xffff, v1;
	_ =	sdelay $0x5  }
0xbe: {  	v1, _, _ =	vpop (xrf0)  }
0xbf: {  	(v2sf) =	vpush v1, $0xF;
	_ =	sdelay $0xe  }
0xc0: {  	s25 =	spop (v2sf)  }
0xc1: {  	p1 =	sgt.f32 s25, $0.0e+00  }
.Ltmp10:
0xc2: {  	_ = 	snop;
	(pc) =	sbr.rel @!p1 .LBB2_22-.Ltmp10, $1  }
0xc3: {  	_ =	sdelay $0x3  }
0xc4: {  	v1 =	vld [tilespmem:s24+$0x1A000];
	_ =	sdelay $0x4  }
0xc5: {  	v2 =	vld [tilespmem:s24+$0x1D000]  }
0xc6: {  	v3 =	vld [tilespmem:s24+$0x1B800];
	_ =	sdelay $0x1  }
0xc7: {  	v4 =	vld.idx.msk [tilespmem:v1+s5+$0x0], $0xffff;
	_ =	sdelay $0x2  }
0xc8: {  	v2 =	vmul.f32 v3, v2;
	_ =	sdelay $0x1  }
0xc9: {  	vm0 =	vgt.f32 v2, v4  }
0xca: {  	v3 =	vsel vm0, $0x3F800000, v0  }
0xcb: {  	(xrf0) =	vmax.scan.msk.f32 $0xffff, v3;
	_ =	sdelay $0x5  }
0xcc: {  	v3, _, _ =	vpop (xrf0)  }
0xcd: {  	(v2sf) =	vpush v3, $0xF;
	_ =	sdelay $0xe  }
0xce: {  	s25 =	spop (v2sf)  }
0xcf: {  	p1 =	sgt.f32 s25, $0.0e+00  }
.Ltmp11:
0xd0: {  	_ = 	snop;
	(pc) =	sbr.rel @!p1 .LBB2_8-.Ltmp11, $1  }
0xd1: {  	_ =	sdelay $0x3  }
.LBB2_7:
0xd2: {  	[tilespmem:v1+s5+$0x0] =	vst.idx.msk vm0, v2  }
0xd3: {  	v3 =	vld.idx.msk [tilespmem:v1+s5+$0x0], $0xffff;
	_ =	sdelay $0x4  }
0xd4: {  	vm1 =	vgt.f32 v2, v3  }
0xd5: {  	vm0 =	vmand vm0, vm1  }
0xd6: {  	v3 =	vsel vm0, $0x3F800000, v0  }
0xd7: {  	(xrf0) =	vmax.scan.msk.f32 $0xffff, v3;
	_ =	sdelay $0x5  }
0xd8: {  	v3, _, _ =	vpop (xrf0)  }
0xd9: {  	(v2sf) =	vpush v3, $0xF;
	_ =	sdelay $0xe  }
0xda: {  	s25 =	spop (v2sf)  }
0xdb: {  	p1 =	sgt.f32 s25, $0.0e+00  }
.Ltmp12:
0xdc: {  	_ = 	snop;
	(pc) =	sbr.rel @p1 .LBB2_7-.Ltmp12, $1  }
0xdd: {  	_ =	sdelay $0x3  }
.LBB2_8:
0xde: {  	s25 =	sor.u32 $0x10, s24  }
0xdf: {  	v1 =	vld [tilespmem:s25+$0x1A000];
	_ =	sdelay $0x4  }
0xe0: {  	v2 =	vld [tilespmem:s25+$0x1D000]  }
0xe1: {  	v3 =	vld [tilespmem:s25+$0x1B800];
	_ =	sdelay $0x1  }
0xe2: {  	v4 =	vld.idx.msk [tilespmem:v1+s5+$0x0], $0xffff;
	_ =	sdelay $0x2  }
0xe3: {  	v2 =	vmul.f32 v3, v2;
	_ =	sdelay $0x1  }
0xe4: {  	vm0 =	vgt.f32 v2, v4  }
0xe5: {  	v3 =	vsel vm0, $0x3F800000, v0  }
0xe6: {  	(xrf0) =	vmax.scan.msk.f32 $0xffff, v3;
	_ =	sdelay $0x5  }
0xe7: {  	v3, _, _ =	vpop (xrf0)  }
0xe8: {  	(v2sf) =	vpush v3, $0xF;
	_ =	sdelay $0xe  }
0xe9: {  	s30 =	spop (v2sf)  }
0xea: {  	p1 =	sgt.f32 s30, $0.0e+00  }
.Ltmp13:
0xeb: {  	_ = 	snop;
	(pc) =	sbr.rel @!p1 .LBB2_10-.Ltmp13, $1  }
0xec: {  	_ =	sdelay $0x3  }
.LBB2_9:
0xed: {  	[tilespmem:v1+s5+$0x0] =	vst.idx.msk vm0, v2  }
0xee: {  	v3 =	vld.idx.msk [tilespmem:v1+s5+$0x0], $0xffff;
	_ =	sdelay $0x4  }
0xef: {  	vm1 =	vgt.f32 v2, v3  }
0xf0: {  	vm0 =	vmand vm0, vm1  }
0xf1: {  	v3 =	vsel vm0, $0x3F800000, v0  }
0xf2: {  	(xrf0) =	vmax.scan.msk.f32 $0xffff, v3;
	_ =	sdelay $0x5  }
0xf3: {  	v3, _, _ =	vpop (xrf0)  }
0xf4: {  	(v2sf) =	vpush v3, $0xF;
	_ =	sdelay $0xe  }
0xf5: {  	s25 =	spop (v2sf)  }
0xf6: {  	p1 =	sgt.f32 s25, $0.0e+00  }
.Ltmp14:
0xf7: {  	_ = 	snop;
	(pc) =	sbr.rel @p1 .LBB2_9-.Ltmp14, $1  }
0xf8: {  	_ =	sdelay $0x3  }
.LBB2_10:
0xf9: {  	s25 =	sor.u32 $0x20, s24  }
0xfa: {  	v1 =	vld [tilespmem:s25+$0x1A000];
	_ =	sdelay $0x4  }
0xfb: {  	v2 =	vld [tilespmem:s25+$0x1D000]  }
0xfc: {  	v3 =	vld [tilespmem:s25+$0x1B800];
	_ =	sdelay $0x1  }
0xfd: {  	v4 =	vld.idx.msk [tilespmem:v1+s5+$0x0], $0xffff;
	_ =	sdelay $0x2  }
0xfe: {  	v2 =	vmul.f32 v3, v2;
	_ =	sdelay $0x1  }
0xff: {  	vm0 =	vgt.f32 v2, v4  }
0x100: {  	v3 =	vsel vm0, $0x3F800000, v0  }
0x101: {  	(xrf0) =	vmax.scan.msk.f32 $0xffff, v3;
	_ =	sdelay $0x5  }
0x102: {  	v3, _, _ =	vpop (xrf0)  }
0x103: {  	(v2sf) =	vpush v3, $0xF;
	_ =	sdelay $0xe  }
0x104: {  	s30 =	spop (v2sf)  }
0x105: {  	p1 =	sgt.f32 s30, $0.0e+00  }
.Ltmp15:
0x106: {  	_ = 	snop;
	(pc) =	sbr.rel @!p1 .LBB2_12-.Ltmp15, $1  }
0x107: {  	_ =	sdelay $0x3  }
.LBB2_11:
0x108: {  	[tilespmem:v1+s5+$0x0] =	vst.idx.msk vm0, v2  }
0x109: {  	v3 =	vld.idx.msk [tilespmem:v1+s5+$0x0], $0xffff;
	_ =	sdelay $0x4  }
0x10a: {  	vm1 =	vgt.f32 v2, v3  }
0x10b: {  	vm0 =	vmand vm0, vm1  }
0x10c: {  	v3 =	vsel vm0, $0x3F800000, v0  }
0x10d: {  	(xrf0) =	vmax.scan.msk.f32 $0xffff, v3;
	_ =	sdelay $0x5  }
0x10e: {  	v3, _, _ =	vpop (xrf0)  }
0x10f: {  	(v2sf) =	vpush v3, $0xF;
	_ =	sdelay $0xe  }
0x110: {  	s25 =	spop (v2sf)  }
0x111: {  	p1 =	sgt.f32 s25, $0.0e+00  }
.Ltmp16:
0x112: {  	_ = 	snop;
	(pc) =	sbr.rel @p1 .LBB2_11-.Ltmp16, $1  }
0x113: {  	_ =	sdelay $0x3  }
.LBB2_12:
0x114: {  	s25 =	sor.u32 $0x30, s24  }
0x115: {  	v1 =	vld [tilespmem:s25+$0x1A000];
	_ =	sdelay $0x4  }
0x116: {  	v2 =	vld [tilespmem:s25+$0x1D000]  }
0x117: {  	v3 =	vld [tilespmem:s25+$0x1B800];
	_ =	sdelay $0x1  }
0x118: {  	v4 =	vld.idx.msk [tilespmem:v1+s5+$0x0], $0xffff;
	_ =	sdelay $0x2  }
0x119: {  	v2 =	vmul.f32 v3, v2;
	_ =	sdelay $0x1  }
0x11a: {  	vm0 =	vgt.f32 v2, v4  }
0x11b: {  	v3 =	vsel vm0, $0x3F800000, v0  }
0x11c: {  	(xrf0) =	vmax.scan.msk.f32 $0xffff, v3;
	_ =	sdelay $0x5  }
0x11d: {  	v3, _, _ =	vpop (xrf0)  }
0x11e: {  	(v2sf) =	vpush v3, $0xF;
	_ =	sdelay $0xe  }
0x11f: {  	s30 =	spop (v2sf)  }
0x120: {  	p1 =	sgt.f32 s30, $0.0e+00  }
.Ltmp17:
0x121: {  	_ = 	snop;
	(pc) =	sbr.rel @!p1 .LBB2_14-.Ltmp17, $1  }
0x122: {  	_ =	sdelay $0x3  }
.LBB2_13:
0x123: {  	[tilespmem:v1+s5+$0x0] =	vst.idx.msk vm0, v2  }
0x124: {  	v3 =	vld.idx.msk [tilespmem:v1+s5+$0x0], $0xffff;
	_ =	sdelay $0x4  }
0x125: {  	vm1 =	vgt.f32 v2, v3  }
0x126: {  	vm0 =	vmand vm0, vm1  }
0x127: {  	v3 =	vsel vm0, $0x3F800000, v0  }
0x128: {  	(xrf0) =	vmax.scan.msk.f32 $0xffff, v3;
	_ =	sdelay $0x5  }
0x129: {  	v3, _, _ =	vpop (xrf0)  }
0x12a: {  	(v2sf) =	vpush v3, $0xF;
	_ =	sdelay $0xe  }
0x12b: {  	s25 =	spop (v2sf)  }
0x12c: {  	p1 =	sgt.f32 s25, $0.0e+00  }
.Ltmp18:
0x12d: {  	_ = 	snop;
	(pc) =	sbr.rel @p1 .LBB2_13-.Ltmp18, $1  }
0x12e: {  	_ =	sdelay $0x3  }
.LBB2_14:
0x12f: {  	s25 =	sor.u32 $0x40, s24  }
0x130: {  	v1 =	vld [tilespmem:s25+$0x1A000];
	_ =	sdelay $0x4  }
0x131: {  	v2 =	vld [tilespmem:s25+$0x1D000]  }
0x132: {  	v3 =	vld [tilespmem:s25+$0x1B800];
	_ =	sdelay $0x1  }
0x133: {  	v4 =	vld.idx.msk [tilespmem:v1+s5+$0x0], $0xffff;
	_ =	sdelay $0x2  }
0x134: {  	v2 =	vmul.f32 v3, v2;
	_ =	sdelay $0x1  }
0x135: {  	vm0 =	vgt.f32 v2, v4  }
0x136: {  	v3 =	vsel vm0, $0x3F800000, v0  }
0x137: {  	(xrf0) =	vmax.scan.msk.f32 $0xffff, v3;
	_ =	sdelay $0x5  }
0x138: {  	v3, _, _ =	vpop (xrf0)  }
0x139: {  	(v2sf) =	vpush v3, $0xF;
	_ =	sdelay $0xe  }
0x13a: {  	s30 =	spop (v2sf)  }
0x13b: {  	p1 =	sgt.f32 s30, $0.0e+00  }
.Ltmp19:
0x13c: {  	_ = 	snop;
	(pc) =	sbr.rel @!p1 .LBB2_16-.Ltmp19, $1  }
0x13d: {  	_ =	sdelay $0x3  }
.LBB2_15:
0x13e: {  	[tilespmem:v1+s5+$0x0] =	vst.idx.msk vm0, v2  }
0x13f: {  	v3 =	vld.idx.msk [tilespmem:v1+s5+$0x0], $0xffff;
	_ =	sdelay $0x4  }
0x140: {  	vm1 =	vgt.f32 v2, v3  }
0x141: {  	vm0 =	vmand vm0, vm1  }
0x142: {  	v3 =	vsel vm0, $0x3F800000, v0  }
0x143: {  	(xrf0) =	vmax.scan.msk.f32 $0xffff, v3;
	_ =	sdelay $0x5  }
0x144: {  	v3, _, _ =	vpop (xrf0)  }
0x145: {  	(v2sf) =	vpush v3, $0xF;
	_ =	sdelay $0xe  }
0x146: {  	s25 =	spop (v2sf)  }
0x147: {  	p1 =	sgt.f32 s25, $0.0e+00  }
.Ltmp20:
0x148: {  	_ = 	snop;
	(pc) =	sbr.rel @p1 .LBB2_15-.Ltmp20, $1  }
0x149: {  	_ =	sdelay $0x3  }
.LBB2_16:
0x14a: {  	s25 =	sor.u32 $0x50, s24  }
0x14b: {  	v1 =	vld [tilespmem:s25+$0x1A000];
	_ =	sdelay $0x4  }
0x14c: {  	v2 =	vld [tilespmem:s25+$0x1D000]  }
0x14d: {  	v3 =	vld [tilespmem:s25+$0x1B800];
	_ =	sdelay $0x1  }
0x14e: {  	v4 =	vld.idx.msk [tilespmem:v1+s5+$0x0], $0xffff;
	_ =	sdelay $0x2  }
0x14f: {  	v2 =	vmul.f32 v3, v2;
	_ =	sdelay $0x1  }
0x150: {  	vm0 =	vgt.f32 v2, v4  }
0x151: {  	v3 =	vsel vm0, $0x3F800000, v0  }
0x152: {  	(xrf0) =	vmax.scan.msk.f32 $0xffff, v3;
	_ =	sdelay $0x5  }
0x153: {  	v3, _, _ =	vpop (xrf0)  }
0x154: {  	(v2sf) =	vpush v3, $0xF;
	_ =	sdelay $0xe  }
0x155: {  	s30 =	spop (v2sf)  }
0x156: {  	p1 =	sgt.f32 s30, $0.0e+00  }
.Ltmp21:
0x157: {  	_ = 	snop;
	(pc) =	sbr.rel @!p1 .LBB2_18-.Ltmp21, $1  }
0x158: {  	_ =	sdelay $0x3  }
.LBB2_17:
0x159: {  	[tilespmem:v1+s5+$0x0] =	vst.idx.msk vm0, v2  }
0x15a: {  	v3 =	vld.idx.msk [tilespmem:v1+s5+$0x0], $0xffff;
	_ =	sdelay $0x4  }
0x15b: {  	vm1 =	vgt.f32 v2, v3  }
0x15c: {  	vm0 =	vmand vm0, vm1  }
0x15d: {  	v3 =	vsel vm0, $0x3F800000, v0  }
0x15e: {  	(xrf0) =	vmax.scan.msk.f32 $0xffff, v3;
	_ =	sdelay $0x5  }
0x15f: {  	v3, _, _ =	vpop (xrf0)  }
0x160: {  	(v2sf) =	vpush v3, $0xF;
	_ =	sdelay $0xe  }
0x161: {  	s25 =	spop (v2sf)  }
0x162: {  	p1 =	sgt.f32 s25, $0.0e+00  }
.Ltmp22:
0x163: {  	_ = 	snop;
	(pc) =	sbr.rel @p1 .LBB2_17-.Ltmp22, $1  }
0x164: {  	_ =	sdelay $0x3  }
.LBB2_18:
0x165: {  	s25 =	sor.u32 $0x60, s24  }
0x166: {  	v1 =	vld [tilespmem:s25+$0x1A000];
	_ =	sdelay $0x4  }
0x167: {  	v2 =	vld [tilespmem:s25+$0x1D000]  }
0x168: {  	v3 =	vld [tilespmem:s25+$0x1B800];
	_ =	sdelay $0x1  }
0x169: {  	v4 =	vld.idx.msk [tilespmem:v1+s5+$0x0], $0xffff;
	_ =	sdelay $0x2  }
0x16a: {  	v2 =	vmul.f32 v3, v2;
	_ =	sdelay $0x1  }
0x16b: {  	vm0 =	vgt.f32 v2, v4  }
0x16c: {  	v3 =	vsel vm0, $0x3F800000, v0  }
0x16d: {  	(xrf0) =	vmax.scan.msk.f32 $0xffff, v3;
	_ =	sdelay $0x5  }
0x16e: {  	v3, _, _ =	vpop (xrf0)  }
0x16f: {  	(v2sf) =	vpush v3, $0xF;
	_ =	sdelay $0xe  }
0x170: {  	s30 =	spop (v2sf)  }
0x171: {  	p1 =	sgt.f32 s30, $0.0e+00  }
.Ltmp23:
0x172: {  	_ = 	snop;
	(pc) =	sbr.rel @!p1 .LBB2_20-.Ltmp23, $1  }
0x173: {  	_ =	sdelay $0x3  }
.LBB2_19:
0x174: {  	[tilespmem:v1+s5+$0x0] =	vst.idx.msk vm0, v2  }
0x175: {  	v3 =	vld.idx.msk [tilespmem:v1+s5+$0x0], $0xffff;
	_ =	sdelay $0x4  }
0x176: {  	vm1 =	vgt.f32 v2, v3  }
0x177: {  	vm0 =	vmand vm0, vm1  }
0x178: {  	v3 =	vsel vm0, $0x3F800000, v0  }
0x179: {  	(xrf0) =	vmax.scan.msk.f32 $0xffff, v3;
	_ =	sdelay $0x5  }
0x17a: {  	v3, _, _ =	vpop (xrf0)  }
0x17b: {  	(v2sf) =	vpush v3, $0xF;
	_ =	sdelay $0xe  }
0x17c: {  	s25 =	spop (v2sf)  }
0x17d: {  	p1 =	sgt.f32 s25, $0.0e+00  }
.Ltmp24:
0x17e: {  	_ = 	snop;
	(pc) =	sbr.rel @p1 .LBB2_19-.Ltmp24, $1  }
0x17f: {  	_ =	sdelay $0x3  }
.LBB2_20:
0x180: {  	s24 =	sor.u32 $0x70, s24  }
0x181: {  	v1 =	vld [tilespmem:s24+$0x1A000];
	_ =	sdelay $0x4  }
0x182: {  	v2 =	vld [tilespmem:s24+$0x1D000]  }
0x183: {  	v3 =	vld [tilespmem:s24+$0x1B800];
	_ =	sdelay $0x1  }
0x184: {  	v4 =	vld.idx.msk [tilespmem:v1+s5+$0x0], $0xffff;
	_ =	sdelay $0x2  }
0x185: {  	v2 =	vmul.f32 v3, v2;
	_ =	sdelay $0x1  }
0x186: {  	vm0 =	vgt.f32 v2, v4  }
0x187: {  	v3 =	vsel vm0, $0x3F800000, v0  }
0x188: {  	(xrf0) =	vmax.scan.msk.f32 $0xffff, v3;
	_ =	sdelay $0x5  }
0x189: {  	v3, _, _ =	vpop (xrf0)  }
0x18a: {  	(v2sf) =	vpush v3, $0xF;
	_ =	sdelay $0xe  }
0x18b: {  	s30 =	spop (v2sf)  }
0x18c: {  	p1 =	sgt.f32 s30, $0.0e+00  }
.Ltmp25:
0x18d: {  	_ = 	snop;
	(pc) =	sbr.rel @!p1 .LBB2_22-.Ltmp25, $1  }
0x18e: {  	_ =	sdelay $0x3  }
.LBB2_21:
0x18f: {  	[tilespmem:v1+s5+$0x0] =	vst.idx.msk vm0, v2  }
0x190: {  	v3 =	vld.idx.msk [tilespmem:v1+s5+$0x0], $0xffff;
	_ =	sdelay $0x4  }
0x191: {  	vm1 =	vgt.f32 v2, v3  }
0x192: {  	vm0 =	vmand vm0, vm1  }
0x193: {  	v3 =	vsel vm0, $0x3F800000, v0  }
0x194: {  	(xrf0) =	vmax.scan.msk.f32 $0xffff, v3;
	_ =	sdelay $0x5  }
0x195: {  	v3, _, _ =	vpop (xrf0)  }
0x196: {  	(v2sf) =	vpush v3, $0xF;
	_ =	sdelay $0xe  }
0x197: {  	s24 =	spop (v2sf)  }
0x198: {  	p1 =	sgt.f32 s24, $0.0e+00  }
.Ltmp26:
0x199: {  	_ = 	snop;
	(pc) =	sbr.rel @p1 .LBB2_21-.Ltmp26, $1  }
0x19a: {  	_ =	sdelay $0x3  }
.Ltmp27:
0x19b: {  	_ = 	snop;
	(pc) =	sbr.rel .LBB2_22-.Ltmp27, $1  }
0x19c: {  	_ =	sdelay $0x3  }
.LBB2_41:
0x19d: {  	s22 =	sadd.s32 $0x1, s22  }
0x19e: {  	p2 =	sne.s32 s22, $0x10  }
.Ltmp28:
0x19f: {  	_ = 	snop;
	(pc) =	sbr.rel @!p2 .LBB2_42-.Ltmp28, $1  }
0x1a0: {  	_ =	sdelay $0x3  }
.LBB2_24:
0x1a1: {  	s24 =	sshll.u32 s22, $0x7  }
0x1a2: {  	v1 =	vld [tilespmem:s24+$0x1A800]  }
0x1a3: {  	v2 =	vld [tilespmem:s24+$0x1A810]  }
0x1a4: {  	v3 =	vld [tilespmem:s24+$0x1D800]  }
0x1a5: {  	v4 =	vld [tilespmem:s24+$0x1C000]  }
0x1a6: {  	v5 =	vld [tilespmem:s24+$0x1A820]  }
0x1a7: {  	v7 =	vld [tilespmem:s24+$0x1D810]  }
0x1a8: {  	v8 =	vld [tilespmem:s24+$0x1C010]  }
0x1a9: {  	v9 =	vld [tilespmem:s24+$0x1A830]  }
0x1aa: {  	v11 =	vld [tilespmem:s24+$0x1D820]  }
0x1ab: {  	v12 =	vld [tilespmem:s24+$0x1C020]  }
0x1ac: {  	v14 =	vld [tilespmem:s24+$0x1A840]  }
0x1ad: {  	v15 =	vld [tilespmem:s24+$0x1D830]  }
0x1ae: {  	v16 =	vld [tilespmem:s24+$0x1C030]  }
0x1af: {  	v18 =	vld [tilespmem:s24+$0x1A850]  }
0x1b0: {  	v19 =	vld [tilespmem:s24+$0x1D840]  }
0x1b1: {  	v20 =	vld [tilespmem:s24+$0x1C040]  }
0x1b2: {  	v21 =	vld [tilespmem:s24+$0x1A860]  }
0x1b3: {  	v23 =	vld [tilespmem:s24+$0x1D850]  }
0x1b4: {  	v24 =	vld [tilespmem:s24+$0x1A870]  }
0x1b5: {  	v25 =	vld [tilespmem:s24+$0x1C050]  }
0x1b6: {  	v27 =	vld [tilespmem:s24+$0x1D860]  }
0x1b7: {  	v28 =	vld [tilespmem:s24+$0x1C060]  }
0x1b8: {  	v52 =	vld [tilespmem:s24+$0x1D870]  }
0x1b9: {  	v53 =	vld [tilespmem:s24+$0x1C070]  }
0x1ba: {  	v6 =	vld.idx.msk [tilespmem:v1+s5+$0x0], $0xffff  }
0x1bb: {  	v10 =	vld.idx.msk [tilespmem:v2+s5+$0x0], $0xffff  }
0x1bc: {  	v13 =	vld.idx.msk [tilespmem:v5+s5+$0x0], $0xffff  }
0x1bd: {  	v17 =	vld.idx.msk [tilespmem:v9+s5+$0x0], $0xffff  }
0x1be: {  	v3 =	vmul.f32 v4, v3;
	v22 =	vld.idx.msk [tilespmem:v14+s5+$0x0], $0xffff  }
0x1bf: {  	v7 =	vmul.f32 v8, v7;
	v26 =	vld.idx.msk [tilespmem:v18+s5+$0x0], $0xffff  }
0x1c0: {  	v11 =	vmul.f32 v12, v11;
	v29 =	vld.idx.msk [tilespmem:v21+s5+$0x0], $0xffff;
	v6 =	vmax.f32 v6, v3  }
0x1c1: {  	v15 =	vmul.f32 v16, v15;
	v54 =	vld.idx.msk [tilespmem:v24+s5+$0x0], $0xffff;
	v55 =	vmax.f32 v10, v7;
	[tilespmem:v1+s5+$0x0] =	vst.idx.msk $0xffff, v6  }
0x1c2: {  	v56 =	vmul.f32 v20, v19;
	v57 =	vmax.f32 v13, v11;
	[tilespmem:v2+s5+$0x0] =	vst.idx.msk $0xffff, v55  }
0x1c3: {  	v58 =	vmul.f32 v25, v23;
	v16 =	vmax.f32 v17, v15;
	[tilespmem:v5+s5+$0x0] =	vst.idx.msk $0xffff, v57  }
0x1c4: {  	v60 =	vmul.f32 v28, v27;
	v59 =	vmax.f32 v22, v56;
	[tilespmem:v9+s5+$0x0] =	vst.idx.msk $0xffff, v16  }
0x1c5: {  	v4 =	vmul.f32 v53, v52;
	v61 =	vmax.f32 v26, v58;
	[tilespmem:v14+s5+$0x0] =	vst.idx.msk $0xffff, v59  }
0x1c6: {  	v62 =	vmax.f32 v29, v60;
	[tilespmem:v18+s5+$0x0] =	vst.idx.msk $0xffff, v61  }
0x1c7: {  	v8 =	vmax.f32 v54, v4;
	[tilespmem:v21+s5+$0x0] =	vst.idx.msk $0xffff, v62  }
0x1c8: {  	[tilespmem:v24+s5+$0x0] =	vst.idx.msk $0xffff, v8  }
0x1c9: {  	v1 =	vld.idx.msk [tilespmem:v1+s5+$0x0], $0xffff  }
0x1ca: {  	v2 =	vld.idx.msk [tilespmem:v2+s5+$0x0], $0xffff  }
0x1cb: {  	v5 =	vld.idx.msk [tilespmem:v5+s5+$0x0], $0xffff  }
0x1cc: {  	v6 =	vld.idx.msk [tilespmem:v9+s5+$0x0], $0xffff  }
0x1cd: {  	v8 =	vld.idx.msk [tilespmem:v14+s5+$0x0], $0xffff  }
0x1ce: {  	v63 =	vld.idx.msk [tilespmem:v18+s5+$0x0], $0xffff  }
0x1cf: {  	vm0 =	vgt.f32 v3, v1;
	vm1 =	vgt.f32 v7, v2;
	v1 =	vld.idx.msk [tilespmem:v21+s5+$0x0], $0xffff  }
0x1d0: {  	vm10 =	vgt.f32 v11, v5;
	v2 =	vld.idx.msk [tilespmem:v24+s5+$0x0], $0xffff;
	vm0 =	vmor vm0, vm1  }
0x1d1: {  	vm11 =	vgt.f32 v15, v6;
	vm0 =	vmor vm0, vm10  }
0x1d2: {  	vm12 =	vgt.f32 v56, v8;
	vm0 =	vmor vm0, vm11  }
0x1d3: {  	vm13 =	vgt.f32 v58, v63;
	vm0 =	vmor vm0, vm12  }
0x1d4: {  	vm0 =	vmor vm0, vm13;
	vm14 =	vgt.f32 v60, v1  }
0x1d5: {  	vm15 =	vgt.f32 v4, v2;
	vm0 =	vmor vm0, vm14  }
0x1d6: {  	vm0 =	vmor vm0, vm15  }
0x1d7: {  	v1 =	vsel vm0, $0x3F800000, v0  }
0x1d8: {  	(xrf0) =	vmax.scan.msk.f32 $0xffff, v1;
	_ =	sdelay $0x5  }
0x1d9: {  	v1, _, _ =	vpop (xrf0)  }
0x1da: {  	(v2sf) =	vpush v1, $0xF;
	_ =	sdelay $0xe  }
0x1db: {  	s25 =	spop (v2sf)  }
0x1dc: {  	p2 =	sgt.f32 s25, $0.0e+00  }
.Ltmp29:
0x1dd: {  	_ = 	snop;
	(pc) =	sbr.rel @!p2 .LBB2_41-.Ltmp29, $1  }
0x1de: {  	_ =	sdelay $0x3  }
0x1df: {  	v1 =	vld [tilespmem:s24+$0x1A800];
	_ =	sdelay $0x4  }
0x1e0: {  	v2 =	vld [tilespmem:s24+$0x1D800]  }
0x1e1: {  	v3 =	vld [tilespmem:s24+$0x1C000];
	_ =	sdelay $0x1  }
0x1e2: {  	v4 =	vld.idx.msk [tilespmem:v1+s5+$0x0], $0xffff;
	_ =	sdelay $0x2  }
0x1e3: {  	v2 =	vmul.f32 v3, v2;
	_ =	sdelay $0x1  }
0x1e4: {  	vm0 =	vgt.f32 v2, v4  }
0x1e5: {  	v3 =	vsel vm0, $0x3F800000, v0  }
0x1e6: {  	(xrf0) =	vmax.scan.msk.f32 $0xffff, v3;
	_ =	sdelay $0x5  }
0x1e7: {  	v3, _, _ =	vpop (xrf0)  }
0x1e8: {  	(v2sf) =	vpush v3, $0xF;
	_ =	sdelay $0xe  }
0x1e9: {  	s25 =	spop (v2sf)  }
0x1ea: {  	p2 =	sgt.f32 s25, $0.0e+00  }
.Ltmp30:
0x1eb: {  	_ = 	snop;
	(pc) =	sbr.rel @!p2 .LBB2_27-.Ltmp30, $1  }
0x1ec: {  	_ =	sdelay $0x3  }
.LBB2_26:
0x1ed: {  	[tilespmem:v1+s5+$0x0] =	vst.idx.msk vm0, v2  }
0x1ee: {  	v3 =	vld.idx.msk [tilespmem:v1+s5+$0x0], $0xffff;
	_ =	sdelay $0x4  }
0x1ef: {  	vm1 =	vgt.f32 v2, v3  }
0x1f0: {  	vm0 =	vmand vm0, vm1  }
0x1f1: {  	v3 =	vsel vm0, $0x3F800000, v0  }
0x1f2: {  	(xrf0) =	vmax.scan.msk.f32 $0xffff, v3;
	_ =	sdelay $0x5  }
0x1f3: {  	v3, _, _ =	vpop (xrf0)  }
0x1f4: {  	(v2sf) =	vpush v3, $0xF;
	_ =	sdelay $0xe  }
0x1f5: {  	s25 =	spop (v2sf)  }
0x1f6: {  	p2 =	sgt.f32 s25, $0.0e+00  }
.Ltmp31:
0x1f7: {  	_ = 	snop;
	(pc) =	sbr.rel @p2 .LBB2_26-.Ltmp31, $1  }
0x1f8: {  	_ =	sdelay $0x3  }
.LBB2_27:
0x1f9: {  	s25 =	sor.u32 $0x10, s24  }
0x1fa: {  	v1 =	vld [tilespmem:s25+$0x1A800];
	_ =	sdelay $0x4  }
0x1fb: {  	v2 =	vld [tilespmem:s25+$0x1D800]  }
0x1fc: {  	v3 =	vld [tilespmem:s25+$0x1C000];
	_ =	sdelay $0x1  }
0x1fd: {  	v4 =	vld.idx.msk [tilespmem:v1+s5+$0x0], $0xffff;
	_ =	sdelay $0x2  }
0x1fe: {  	v2 =	vmul.f32 v3, v2;
	_ =	sdelay $0x1  }
0x1ff: {  	vm0 =	vgt.f32 v2, v4  }
0x200: {  	v3 =	vsel vm0, $0x3F800000, v0  }
0x201: {  	(xrf0) =	vmax.scan.msk.f32 $0xffff, v3;
	_ =	sdelay $0x5  }
0x202: {  	v3, _, _ =	vpop (xrf0)  }
0x203: {  	(v2sf) =	vpush v3, $0xF;
	_ =	sdelay $0xe  }
0x204: {  	s30 =	spop (v2sf)  }
0x205: {  	p2 =	sgt.f32 s30, $0.0e+00  }
.Ltmp32:
0x206: {  	_ = 	snop;
	(pc) =	sbr.rel @!p2 .LBB2_29-.Ltmp32, $1  }
0x207: {  	_ =	sdelay $0x3  }
.LBB2_28:
0x208: {  	[tilespmem:v1+s5+$0x0] =	vst.idx.msk vm0, v2  }
0x209: {  	v3 =	vld.idx.msk [tilespmem:v1+s5+$0x0], $0xffff;
	_ =	sdelay $0x4  }
0x20a: {  	vm1 =	vgt.f32 v2, v3  }
0x20b: {  	vm0 =	vmand vm0, vm1  }
0x20c: {  	v3 =	vsel vm0, $0x3F800000, v0  }
0x20d: {  	(xrf0) =	vmax.scan.msk.f32 $0xffff, v3;
	_ =	sdelay $0x5  }
0x20e: {  	v3, _, _ =	vpop (xrf0)  }
0x20f: {  	(v2sf) =	vpush v3, $0xF;
	_ =	sdelay $0xe  }
0x210: {  	s25 =	spop (v2sf)  }
0x211: {  	p2 =	sgt.f32 s25, $0.0e+00  }
.Ltmp33:
0x212: {  	_ = 	snop;
	(pc) =	sbr.rel @p2 .LBB2_28-.Ltmp33, $1  }
0x213: {  	_ =	sdelay $0x3  }
.LBB2_29:
0x214: {  	s25 =	sor.u32 $0x20, s24  }
0x215: {  	v1 =	vld [tilespmem:s25+$0x1A800];
	_ =	sdelay $0x4  }
0x216: {  	v2 =	vld [tilespmem:s25+$0x1D800]  }
0x217: {  	v3 =	vld [tilespmem:s25+$0x1C000];
	_ =	sdelay $0x1  }
0x218: {  	v4 =	vld.idx.msk [tilespmem:v1+s5+$0x0], $0xffff;
	_ =	sdelay $0x2  }
0x219: {  	v2 =	vmul.f32 v3, v2;
	_ =	sdelay $0x1  }
0x21a: {  	vm0 =	vgt.f32 v2, v4  }
0x21b: {  	v3 =	vsel vm0, $0x3F800000, v0  }
0x21c: {  	(xrf0) =	vmax.scan.msk.f32 $0xffff, v3;
	_ =	sdelay $0x5  }
0x21d: {  	v3, _, _ =	vpop (xrf0)  }
0x21e: {  	(v2sf) =	vpush v3, $0xF;
	_ =	sdelay $0xe  }
0x21f: {  	s30 =	spop (v2sf)  }
0x220: {  	p2 =	sgt.f32 s30, $0.0e+00  }
.Ltmp34:
0x221: {  	_ = 	snop;
	(pc) =	sbr.rel @!p2 .LBB2_31-.Ltmp34, $1  }
0x222: {  	_ =	sdelay $0x3  }
.LBB2_30:
0x223: {  	[tilespmem:v1+s5+$0x0] =	vst.idx.msk vm0, v2  }
0x224: {  	v3 =	vld.idx.msk [tilespmem:v1+s5+$0x0], $0xffff;
	_ =	sdelay $0x4  }
0x225: {  	vm1 =	vgt.f32 v2, v3  }
0x226: {  	vm0 =	vmand vm0, vm1  }
0x227: {  	v3 =	vsel vm0, $0x3F800000, v0  }
0x228: {  	(xrf0) =	vmax.scan.msk.f32 $0xffff, v3;
	_ =	sdelay $0x5  }
0x229: {  	v3, _, _ =	vpop (xrf0)  }
0x22a: {  	(v2sf) =	vpush v3, $0xF;
	_ =	sdelay $0xe  }
0x22b: {  	s25 =	spop (v2sf)  }
0x22c: {  	p2 =	sgt.f32 s25, $0.0e+00  }
.Ltmp35:
0x22d: {  	_ = 	snop;
	(pc) =	sbr.rel @p2 .LBB2_30-.Ltmp35, $1  }
0x22e: {  	_ =	sdelay $0x3  }
.LBB2_31:
0x22f: {  	s25 =	sor.u32 $0x30, s24  }
0x230: {  	v1 =	vld [tilespmem:s25+$0x1A800];
	_ =	sdelay $0x4  }
0x231: {  	v2 =	vld [tilespmem:s25+$0x1D800]  }
0x232: {  	v3 =	vld [tilespmem:s25+$0x1C000];
	_ =	sdelay $0x1  }
0x233: {  	v4 =	vld.idx.msk [tilespmem:v1+s5+$0x0], $0xffff;
	_ =	sdelay $0x2  }
0x234: {  	v2 =	vmul.f32 v3, v2;
	_ =	sdelay $0x1  }
0x235: {  	vm0 =	vgt.f32 v2, v4  }
0x236: {  	v3 =	vsel vm0, $0x3F800000, v0  }
0x237: {  	(xrf0) =	vmax.scan.msk.f32 $0xffff, v3;
	_ =	sdelay $0x5  }
0x238: {  	v3, _, _ =	vpop (xrf0)  }
0x239: {  	(v2sf) =	vpush v3, $0xF;
	_ =	sdelay $0xe  }
0x23a: {  	s30 =	spop (v2sf)  }
0x23b: {  	p2 =	sgt.f32 s30, $0.0e+00  }
.Ltmp36:
0x23c: {  	_ = 	snop;
	(pc) =	sbr.rel @!p2 .LBB2_33-.Ltmp36, $1  }
0x23d: {  	_ =	sdelay $0x3  }
.LBB2_32:
0x23e: {  	[tilespmem:v1+s5+$0x0] =	vst.idx.msk vm0, v2  }
0x23f: {  	v3 =	vld.idx.msk [tilespmem:v1+s5+$0x0], $0xffff;
	_ =	sdelay $0x4  }
0x240: {  	vm1 =	vgt.f32 v2, v3  }
0x241: {  	vm0 =	vmand vm0, vm1  }
0x242: {  	v3 =	vsel vm0, $0x3F800000, v0  }
0x243: {  	(xrf0) =	vmax.scan.msk.f32 $0xffff, v3;
	_ =	sdelay $0x5  }
0x244: {  	v3, _, _ =	vpop (xrf0)  }
0x245: {  	(v2sf) =	vpush v3, $0xF;
	_ =	sdelay $0xe  }
0x246: {  	s25 =	spop (v2sf)  }
0x247: {  	p2 =	sgt.f32 s25, $0.0e+00  }
.Ltmp37:
0x248: {  	_ = 	snop;
	(pc) =	sbr.rel @p2 .LBB2_32-.Ltmp37, $1  }
0x249: {  	_ =	sdelay $0x3  }
.LBB2_33:
0x24a: {  	s25 =	sor.u32 $0x40, s24  }
0x24b: {  	v1 =	vld [tilespmem:s25+$0x1A800];
	_ =	sdelay $0x4  }
0x24c: {  	v2 =	vld [tilespmem:s25+$0x1D800]  }
0x24d: {  	v3 =	vld [tilespmem:s25+$0x1C000];
	_ =	sdelay $0x1  }
0x24e: {  	v4 =	vld.idx.msk [tilespmem:v1+s5+$0x0], $0xffff;
	_ =	sdelay $0x2  }
0x24f: {  	v2 =	vmul.f32 v3, v2;
	_ =	sdelay $0x1  }
0x250: {  	vm0 =	vgt.f32 v2, v4  }
0x251: {  	v3 =	vsel vm0, $0x3F800000, v0  }
0x252: {  	(xrf0) =	vmax.scan.msk.f32 $0xffff, v3;
	_ =	sdelay $0x5  }
0x253: {  	v3, _, _ =	vpop (xrf0)  }
0x254: {  	(v2sf) =	vpush v3, $0xF;
	_ =	sdelay $0xe  }
0x255: {  	s30 =	spop (v2sf)  }
0x256: {  	p2 =	sgt.f32 s30, $0.0e+00  }
.Ltmp38:
0x257: {  	_ = 	snop;
	(pc) =	sbr.rel @!p2 .LBB2_35-.Ltmp38, $1  }
0x258: {  	_ =	sdelay $0x3  }
.LBB2_34:
0x259: {  	[tilespmem:v1+s5+$0x0] =	vst.idx.msk vm0, v2  }
0x25a: {  	v3 =	vld.idx.msk [tilespmem:v1+s5+$0x0], $0xffff;
	_ =	sdelay $0x4  }
0x25b: {  	vm1 =	vgt.f32 v2, v3  }
0x25c: {  	vm0 =	vmand vm0, vm1  }
0x25d: {  	v3 =	vsel vm0, $0x3F800000, v0  }
0x25e: {  	(xrf0) =	vmax.scan.msk.f32 $0xffff, v3;
	_ =	sdelay $0x5  }
0x25f: {  	v3, _, _ =	vpop (xrf0)  }
0x260: {  	(v2sf) =	vpush v3, $0xF;
	_ =	sdelay $0xe  }
0x261: {  	s25 =	spop (v2sf)  }
0x262: {  	p2 =	sgt.f32 s25, $0.0e+00  }
.Ltmp39:
0x263: {  	_ = 	snop;
	(pc) =	sbr.rel @p2 .LBB2_34-.Ltmp39, $1  }
0x264: {  	_ =	sdelay $0x3  }
.LBB2_35:
0x265: {  	s25 =	sor.u32 $0x50, s24  }
0x266: {  	v1 =	vld [tilespmem:s25+$0x1A800];
	_ =	sdelay $0x4  }
0x267: {  	v2 =	vld [tilespmem:s25+$0x1D800]  }
0x268: {  	v3 =	vld [tilespmem:s25+$0x1C000];
	_ =	sdelay $0x1  }
0x269: {  	v4 =	vld.idx.msk [tilespmem:v1+s5+$0x0], $0xffff;
	_ =	sdelay $0x2  }
0x26a: {  	v2 =	vmul.f32 v3, v2;
	_ =	sdelay $0x1  }
0x26b: {  	vm0 =	vgt.f32 v2, v4  }
0x26c: {  	v3 =	vsel vm0, $0x3F800000, v0  }
0x26d: {  	(xrf0) =	vmax.scan.msk.f32 $0xffff, v3;
	_ =	sdelay $0x5  }
0x26e: {  	v3, _, _ =	vpop (xrf0)  }
0x26f: {  	(v2sf) =	vpush v3, $0xF;
	_ =	sdelay $0xe  }
0x270: {  	s30 =	spop (v2sf)  }
0x271: {  	p2 =	sgt.f32 s30, $0.0e+00  }
.Ltmp40:
0x272: {  	_ = 	snop;
	(pc) =	sbr.rel @!p2 .LBB2_37-.Ltmp40, $1  }
0x273: {  	_ =	sdelay $0x3  }
.LBB2_36:
0x274: {  	[tilespmem:v1+s5+$0x0] =	vst.idx.msk vm0, v2  }
0x275: {  	v3 =	vld.idx.msk [tilespmem:v1+s5+$0x0], $0xffff;
	_ =	sdelay $0x4  }
0x276: {  	vm1 =	vgt.f32 v2, v3  }
0x277: {  	vm0 =	vmand vm0, vm1  }
0x278: {  	v3 =	vsel vm0, $0x3F800000, v0  }
0x279: {  	(xrf0) =	vmax.scan.msk.f32 $0xffff, v3;
	_ =	sdelay $0x5  }
0x27a: {  	v3, _, _ =	vpop (xrf0)  }
0x27b: {  	(v2sf) =	vpush v3, $0xF;
	_ =	sdelay $0xe  }
0x27c: {  	s25 =	spop (v2sf)  }
0x27d: {  	p2 =	sgt.f32 s25, $0.0e+00  }
.Ltmp41:
0x27e: {  	_ = 	snop;
	(pc) =	sbr.rel @p2 .LBB2_36-.Ltmp41, $1  }
0x27f: {  	_ =	sdelay $0x3  }
.LBB2_37:
0x280: {  	s25 =	sor.u32 $0x60, s24  }
0x281: {  	v1 =	vld [tilespmem:s25+$0x1A800];
	_ =	sdelay $0x4  }
0x282: {  	v2 =	vld [tilespmem:s25+$0x1D800]  }
0x283: {  	v3 =	vld [tilespmem:s25+$0x1C000];
	_ =	sdelay $0x1  }
0x284: {  	v4 =	vld.idx.msk [tilespmem:v1+s5+$0x0], $0xffff;
	_ =	sdelay $0x2  }
0x285: {  	v2 =	vmul.f32 v3, v2;
	_ =	sdelay $0x1  }
0x286: {  	vm0 =	vgt.f32 v2, v4  }
0x287: {  	v3 =	vsel vm0, $0x3F800000, v0  }
0x288: {  	(xrf0) =	vmax.scan.msk.f32 $0xffff, v3;
	_ =	sdelay $0x5  }
0x289: {  	v3, _, _ =	vpop (xrf0)  }
0x28a: {  	(v2sf) =	vpush v3, $0xF;
	_ =	sdelay $0xe  }
0x28b: {  	s30 =	spop (v2sf)  }
0x28c: {  	p2 =	sgt.f32 s30, $0.0e+00  }
.Ltmp42:
0x28d: {  	_ = 	snop;
	(pc) =	sbr.rel @!p2 .LBB2_39-.Ltmp42, $1  }
0x28e: {  	_ =	sdelay $0x3  }
.LBB2_38:
0x28f: {  	[tilespmem:v1+s5+$0x0] =	vst.idx.msk vm0, v2  }
0x290: {  	v3 =	vld.idx.msk [tilespmem:v1+s5+$0x0], $0xffff;
	_ =	sdelay $0x4  }
0x291: {  	vm1 =	vgt.f32 v2, v3  }
0x292: {  	vm0 =	vmand vm0, vm1  }
0x293: {  	v3 =	vsel vm0, $0x3F800000, v0  }
0x294: {  	(xrf0) =	vmax.scan.msk.f32 $0xffff, v3;
	_ =	sdelay $0x5  }
0x295: {  	v3, _, _ =	vpop (xrf0)  }
0x296: {  	(v2sf) =	vpush v3, $0xF;
	_ =	sdelay $0xe  }
0x297: {  	s25 =	spop (v2sf)  }
0x298: {  	p2 =	sgt.f32 s25, $0.0e+00  }
.Ltmp43:
0x299: {  	_ = 	snop;
	(pc) =	sbr.rel @p2 .LBB2_38-.Ltmp43, $1  }
0x29a: {  	_ =	sdelay $0x3  }
.LBB2_39:
0x29b: {  	s24 =	sor.u32 $0x70, s24  }
0x29c: {  	v1 =	vld [tilespmem:s24+$0x1A800];
	_ =	sdelay $0x4  }
0x29d: {  	v2 =	vld [tilespmem:s24+$0x1D800]  }
0x29e: {  	v3 =	vld [tilespmem:s24+$0x1C000];
	_ =	sdelay $0x1  }
0x29f: {  	v4 =	vld.idx.msk [tilespmem:v1+s5+$0x0], $0xffff;
	_ =	sdelay $0x2  }
0x2a0: {  	v2 =	vmul.f32 v3, v2;
	_ =	sdelay $0x1  }
0x2a1: {  	vm0 =	vgt.f32 v2, v4  }
0x2a2: {  	v3 =	vsel vm0, $0x3F800000, v0  }
0x2a3: {  	(xrf0) =	vmax.scan.msk.f32 $0xffff, v3;
	_ =	sdelay $0x5  }
0x2a4: {  	v3, _, _ =	vpop (xrf0)  }
0x2a5: {  	(v2sf) =	vpush v3, $0xF;
	_ =	sdelay $0xe  }
0x2a6: {  	s30 =	spop (v2sf)  }
0x2a7: {  	p2 =	sgt.f32 s30, $0.0e+00  }
.Ltmp44:
0x2a8: {  	_ = 	snop;
	(pc) =	sbr.rel @!p2 .LBB2_41-.Ltmp44, $1  }
0x2a9: {  	_ =	sdelay $0x3  }
.LBB2_40:
0x2aa: {  	[tilespmem:v1+s5+$0x0] =	vst.idx.msk vm0, v2  }
0x2ab: {  	v3 =	vld.idx.msk [tilespmem:v1+s5+$0x0], $0xffff;
	_ =	sdelay $0x4  }
0x2ac: {  	vm1 =	vgt.f32 v2, v3  }
0x2ad: {  	vm0 =	vmand vm0, vm1  }
0x2ae: {  	v3 =	vsel vm0, $0x3F800000, v0  }
0x2af: {  	(xrf0) =	vmax.scan.msk.f32 $0xffff, v3;
	_ =	sdelay $0x5  }
0x2b0: {  	v3, _, _ =	vpop (xrf0)  }
0x2b1: {  	(v2sf) =	vpush v3, $0xF;
	_ =	sdelay $0xe  }
0x2b2: {  	s24 =	spop (v2sf)  }
0x2b3: {  	p2 =	sgt.f32 s24, $0.0e+00  }
.Ltmp45:
0x2b4: {  	_ = 	snop;
	(pc) =	sbr.rel @p2 .LBB2_40-.Ltmp45, $1  }
0x2b5: {  	_ =	sdelay $0x3  }
.Ltmp46:
0x2b6: {  	_ = 	snop;
	(pc) =	sbr.rel .LBB2_41-.Ltmp46, $1  }
0x2b7: {  	_ =	sdelay $0x3  }
.LBB2_60:
0x2b8: {  	s21 =	sadd.s32 $0x1, s21  }
0x2b9: {  	p0 =	sne.s32 s21, $0x10  }
.Ltmp47:
0x2ba: {  	_ = 	snop;
	(pc) =	sbr.rel @!p0 .LBB2_61-.Ltmp47, $1  }
0x2bb: {  	_ =	sdelay $0x3  }
.LBB2_43:
0x2bc: {  	s22 =	sshll.u32 s21, $0x7  }
0x2bd: {  	v1 =	vld [tilespmem:s22+$0x1B000]  }
0x2be: {  	v2 =	vld [tilespmem:s22+$0x1B010]  }
0x2bf: {  	v3 =	vld [tilespmem:s22+$0x1E000]  }
0x2c0: {  	v4 =	vld [tilespmem:s22+$0x1C800]  }
0x2c1: {  	v5 =	vld [tilespmem:s22+$0x1B020]  }
0x2c2: {  	v7 =	vld [tilespmem:s22+$0x1E010]  }
0x2c3: {  	v8 =	vld [tilespmem:s22+$0x1C810]  }
0x2c4: {  	v9 =	vld [tilespmem:s22+$0x1B030]  }
0x2c5: {  	v11 =	vld [tilespmem:s22+$0x1E020]  }
0x2c6: {  	v12 =	vld [tilespmem:s22+$0x1C820]  }
0x2c7: {  	v14 =	vld [tilespmem:s22+$0x1B040]  }
0x2c8: {  	v15 =	vld [tilespmem:s22+$0x1E030]  }
0x2c9: {  	v16 =	vld [tilespmem:s22+$0x1C830]  }
0x2ca: {  	v18 =	vld [tilespmem:s22+$0x1B050]  }
0x2cb: {  	v19 =	vld [tilespmem:s22+$0x1E040]  }
0x2cc: {  	v20 =	vld [tilespmem:s22+$0x1C840]  }
0x2cd: {  	v21 =	vld [tilespmem:s22+$0x1B060]  }
0x2ce: {  	v23 =	vld [tilespmem:s22+$0x1E050]  }
0x2cf: {  	v24 =	vld [tilespmem:s22+$0x1B070]  }
0x2d0: {  	v25 =	vld [tilespmem:s22+$0x1C850]  }
0x2d1: {  	v27 =	vld [tilespmem:s22+$0x1E060]  }
0x2d2: {  	v28 =	vld [tilespmem:s22+$0x1C860]  }
0x2d3: {  	v52 =	vld [tilespmem:s22+$0x1E070]  }
0x2d4: {  	v53 =	vld [tilespmem:s22+$0x1C870]  }
0x2d5: {  	v6 =	vld.idx.msk [tilespmem:v1+s5+$0x0], $0xffff  }
0x2d6: {  	v10 =	vld.idx.msk [tilespmem:v2+s5+$0x0], $0xffff  }
0x2d7: {  	v13 =	vld.idx.msk [tilespmem:v5+s5+$0x0], $0xffff  }
0x2d8: {  	v17 =	vld.idx.msk [tilespmem:v9+s5+$0x0], $0xffff  }
0x2d9: {  	v3 =	vmul.f32 v4, v3;
	v22 =	vld.idx.msk [tilespmem:v14+s5+$0x0], $0xffff  }
0x2da: {  	v7 =	vmul.f32 v8, v7;
	v26 =	vld.idx.msk [tilespmem:v18+s5+$0x0], $0xffff  }
0x2db: {  	v11 =	vmul.f32 v12, v11;
	v29 =	vld.idx.msk [tilespmem:v21+s5+$0x0], $0xffff;
	v6 =	vmax.f32 v6, v3  }
0x2dc: {  	v15 =	vmul.f32 v16, v15;
	v54 =	vld.idx.msk [tilespmem:v24+s5+$0x0], $0xffff;
	v55 =	vmax.f32 v10, v7;
	[tilespmem:v1+s5+$0x0] =	vst.idx.msk $0xffff, v6  }
0x2dd: {  	v56 =	vmul.f32 v20, v19;
	v57 =	vmax.f32 v13, v11;
	[tilespmem:v2+s5+$0x0] =	vst.idx.msk $0xffff, v55  }
0x2de: {  	v58 =	vmul.f32 v25, v23;
	v16 =	vmax.f32 v17, v15;
	[tilespmem:v5+s5+$0x0] =	vst.idx.msk $0xffff, v57  }
0x2df: {  	v60 =	vmul.f32 v28, v27;
	v59 =	vmax.f32 v22, v56;
	[tilespmem:v9+s5+$0x0] =	vst.idx.msk $0xffff, v16  }
0x2e0: {  	v4 =	vmul.f32 v53, v52;
	v61 =	vmax.f32 v26, v58;
	[tilespmem:v14+s5+$0x0] =	vst.idx.msk $0xffff, v59  }
0x2e1: {  	v62 =	vmax.f32 v29, v60;
	[tilespmem:v18+s5+$0x0] =	vst.idx.msk $0xffff, v61  }
0x2e2: {  	v8 =	vmax.f32 v54, v4;
	[tilespmem:v21+s5+$0x0] =	vst.idx.msk $0xffff, v62  }
0x2e3: {  	[tilespmem:v24+s5+$0x0] =	vst.idx.msk $0xffff, v8  }
0x2e4: {  	v1 =	vld.idx.msk [tilespmem:v1+s5+$0x0], $0xffff  }
0x2e5: {  	v2 =	vld.idx.msk [tilespmem:v2+s5+$0x0], $0xffff  }
0x2e6: {  	v5 =	vld.idx.msk [tilespmem:v5+s5+$0x0], $0xffff  }
0x2e7: {  	v6 =	vld.idx.msk [tilespmem:v9+s5+$0x0], $0xffff  }
0x2e8: {  	v8 =	vld.idx.msk [tilespmem:v14+s5+$0x0], $0xffff  }
0x2e9: {  	v63 =	vld.idx.msk [tilespmem:v18+s5+$0x0], $0xffff  }
0x2ea: {  	vm0 =	vgt.f32 v3, v1;
	vm1 =	vgt.f32 v7, v2;
	v1 =	vld.idx.msk [tilespmem:v21+s5+$0x0], $0xffff  }
0x2eb: {  	vm10 =	vgt.f32 v11, v5;
	v2 =	vld.idx.msk [tilespmem:v24+s5+$0x0], $0xffff;
	vm0 =	vmor vm0, vm1  }
0x2ec: {  	vm11 =	vgt.f32 v15, v6;
	vm0 =	vmor vm0, vm10  }
0x2ed: {  	vm12 =	vgt.f32 v56, v8;
	vm0 =	vmor vm0, vm11  }
0x2ee: {  	vm13 =	vgt.f32 v58, v63;
	vm0 =	vmor vm0, vm12  }
0x2ef: {  	vm0 =	vmor vm0, vm13;
	vm14 =	vgt.f32 v60, v1  }
0x2f0: {  	vm15 =	vgt.f32 v4, v2;
	vm0 =	vmor vm0, vm14  }
0x2f1: {  	vm0 =	vmor vm0, vm15  }
0x2f2: {  	v1 =	vsel vm0, $0x3F800000, v0  }
0x2f3: {  	(xrf0) =	vmax.scan.msk.f32 $0xffff, v1;
	_ =	sdelay $0x5  }
0x2f4: {  	v1, _, _ =	vpop (xrf0)  }
0x2f5: {  	(v2sf) =	vpush v1, $0xF;
	_ =	sdelay $0xe  }
0x2f6: {  	s23 =	spop (v2sf)  }
0x2f7: {  	p0 =	sgt.f32 s23, $0.0e+00  }
.Ltmp48:
0x2f8: {  	_ = 	snop;
	(pc) =	sbr.rel @!p0 .LBB2_60-.Ltmp48, $1  }
0x2f9: {  	_ =	sdelay $0x3  }
0x2fa: {  	v1 =	vld [tilespmem:s22+$0x1B000];
	_ =	sdelay $0x4  }
0x2fb: {  	v2 =	vld [tilespmem:s22+$0x1E000]  }
0x2fc: {  	v3 =	vld [tilespmem:s22+$0x1C800];
	_ =	sdelay $0x1  }
0x2fd: {  	v4 =	vld.idx.msk [tilespmem:v1+s5+$0x0], $0xffff;
	_ =	sdelay $0x2  }
0x2fe: {  	v2 =	vmul.f32 v3, v2;
	_ =	sdelay $0x1  }
0x2ff: {  	vm0 =	vgt.f32 v2, v4  }
0x300: {  	v3 =	vsel vm0, $0x3F800000, v0  }
0x301: {  	(xrf0) =	vmax.scan.msk.f32 $0xffff, v3;
	_ =	sdelay $0x5  }
0x302: {  	v3, _, _ =	vpop (xrf0)  }
0x303: {  	(v2sf) =	vpush v3, $0xF;
	_ =	sdelay $0xe  }
0x304: {  	s23 =	spop (v2sf)  }
0x305: {  	p0 =	sgt.f32 s23, $0.0e+00  }
.Ltmp49:
0x306: {  	_ = 	snop;
	(pc) =	sbr.rel @!p0 .LBB2_46-.Ltmp49, $1  }
0x307: {  	_ =	sdelay $0x3  }
.LBB2_45:
0x308: {  	[tilespmem:v1+s5+$0x0] =	vst.idx.msk vm0, v2  }
0x309: {  	v3 =	vld.idx.msk [tilespmem:v1+s5+$0x0], $0xffff;
	_ =	sdelay $0x4  }
0x30a: {  	vm1 =	vgt.f32 v2, v3  }
0x30b: {  	vm0 =	vmand vm0, vm1  }
0x30c: {  	v3 =	vsel vm0, $0x3F800000, v0  }
0x30d: {  	(xrf0) =	vmax.scan.msk.f32 $0xffff, v3;
	_ =	sdelay $0x5  }
0x30e: {  	v3, _, _ =	vpop (xrf0)  }
0x30f: {  	(v2sf) =	vpush v3, $0xF;
	_ =	sdelay $0xe  }
0x310: {  	s23 =	spop (v2sf)  }
0x311: {  	p0 =	sgt.f32 s23, $0.0e+00  }
.Ltmp50:
0x312: {  	_ = 	snop;
	(pc) =	sbr.rel @p0 .LBB2_45-.Ltmp50, $1  }
0x313: {  	_ =	sdelay $0x3  }
.LBB2_46:
0x314: {  	s23 =	sor.u32 $0x10, s22  }
0x315: {  	v1 =	vld [tilespmem:s23+$0x1B000];
	_ =	sdelay $0x4  }
0x316: {  	v2 =	vld [tilespmem:s23+$0x1E000]  }
0x317: {  	v3 =	vld [tilespmem:s23+$0x1C800];
	_ =	sdelay $0x1  }
0x318: {  	v4 =	vld.idx.msk [tilespmem:v1+s5+$0x0], $0xffff;
	_ =	sdelay $0x2  }
0x319: {  	v2 =	vmul.f32 v3, v2;
	_ =	sdelay $0x1  }
0x31a: {  	vm0 =	vgt.f32 v2, v4  }
0x31b: {  	v3 =	vsel vm0, $0x3F800000, v0  }
0x31c: {  	(xrf0) =	vmax.scan.msk.f32 $0xffff, v3;
	_ =	sdelay $0x5  }
0x31d: {  	v3, _, _ =	vpop (xrf0)  }
0x31e: {  	(v2sf) =	vpush v3, $0xF;
	_ =	sdelay $0xe  }
0x31f: {  	s30 =	spop (v2sf)  }
0x320: {  	p0 =	sgt.f32 s30, $0.0e+00  }
.Ltmp51:
0x321: {  	_ = 	snop;
	(pc) =	sbr.rel @!p0 .LBB2_48-.Ltmp51, $1  }
0x322: {  	_ =	sdelay $0x3  }
.LBB2_47:
0x323: {  	[tilespmem:v1+s5+$0x0] =	vst.idx.msk vm0, v2  }
0x324: {  	v3 =	vld.idx.msk [tilespmem:v1+s5+$0x0], $0xffff;
	_ =	sdelay $0x4  }
0x325: {  	vm1 =	vgt.f32 v2, v3  }
0x326: {  	vm0 =	vmand vm0, vm1  }
0x327: {  	v3 =	vsel vm0, $0x3F800000, v0  }
0x328: {  	(xrf0) =	vmax.scan.msk.f32 $0xffff, v3;
	_ =	sdelay $0x5  }
0x329: {  	v3, _, _ =	vpop (xrf0)  }
0x32a: {  	(v2sf) =	vpush v3, $0xF;
	_ =	sdelay $0xe  }
0x32b: {  	s23 =	spop (v2sf)  }
0x32c: {  	p0 =	sgt.f32 s23, $0.0e+00  }
.Ltmp52:
0x32d: {  	_ = 	snop;
	(pc) =	sbr.rel @p0 .LBB2_47-.Ltmp52, $1  }
0x32e: {  	_ =	sdelay $0x3  }
.LBB2_48:
0x32f: {  	s23 =	sor.u32 $0x20, s22  }
0x330: {  	v1 =	vld [tilespmem:s23+$0x1B000];
	_ =	sdelay $0x4  }
0x331: {  	v2 =	vld [tilespmem:s23+$0x1E000]  }
0x332: {  	v3 =	vld [tilespmem:s23+$0x1C800];
	_ =	sdelay $0x1  }
0x333: {  	v4 =	vld.idx.msk [tilespmem:v1+s5+$0x0], $0xffff;
	_ =	sdelay $0x2  }
0x334: {  	v2 =	vmul.f32 v3, v2;
	_ =	sdelay $0x1  }
0x335: {  	vm0 =	vgt.f32 v2, v4  }
0x336: {  	v3 =	vsel vm0, $0x3F800000, v0  }
0x337: {  	(xrf0) =	vmax.scan.msk.f32 $0xffff, v3;
	_ =	sdelay $0x5  }
0x338: {  	v3, _, _ =	vpop (xrf0)  }
0x339: {  	(v2sf) =	vpush v3, $0xF;
	_ =	sdelay $0xe  }
0x33a: {  	s30 =	spop (v2sf)  }
0x33b: {  	p0 =	sgt.f32 s30, $0.0e+00  }
.Ltmp53:
0x33c: {  	_ = 	snop;
	(pc) =	sbr.rel @!p0 .LBB2_50-.Ltmp53, $1  }
0x33d: {  	_ =	sdelay $0x3  }
.LBB2_49:
0x33e: {  	[tilespmem:v1+s5+$0x0] =	vst.idx.msk vm0, v2  }
0x33f: {  	v3 =	vld.idx.msk [tilespmem:v1+s5+$0x0], $0xffff;
	_ =	sdelay $0x4  }
0x340: {  	vm1 =	vgt.f32 v2, v3  }
0x341: {  	vm0 =	vmand vm0, vm1  }
0x342: {  	v3 =	vsel vm0, $0x3F800000, v0  }
0x343: {  	(xrf0) =	vmax.scan.msk.f32 $0xffff, v3;
	_ =	sdelay $0x5  }
0x344: {  	v3, _, _ =	vpop (xrf0)  }
0x345: {  	(v2sf) =	vpush v3, $0xF;
	_ =	sdelay $0xe  }
0x346: {  	s23 =	spop (v2sf)  }
0x347: {  	p0 =	sgt.f32 s23, $0.0e+00  }
.Ltmp54:
0x348: {  	_ = 	snop;
	(pc) =	sbr.rel @p0 .LBB2_49-.Ltmp54, $1  }
0x349: {  	_ =	sdelay $0x3  }
.LBB2_50:
0x34a: {  	s23 =	sor.u32 $0x30, s22  }
0x34b: {  	v1 =	vld [tilespmem:s23+$0x1B000];
	_ =	sdelay $0x4  }
0x34c: {  	v2 =	vld [tilespmem:s23+$0x1E000]  }
0x34d: {  	v3 =	vld [tilespmem:s23+$0x1C800];
	_ =	sdelay $0x1  }
0x34e: {  	v4 =	vld.idx.msk [tilespmem:v1+s5+$0x0], $0xffff;
	_ =	sdelay $0x2  }
0x34f: {  	v2 =	vmul.f32 v3, v2;
	_ =	sdelay $0x1  }
0x350: {  	vm0 =	vgt.f32 v2, v4  }
0x351: {  	v3 =	vsel vm0, $0x3F800000, v0  }
0x352: {  	(xrf0) =	vmax.scan.msk.f32 $0xffff, v3;
	_ =	sdelay $0x5  }
0x353: {  	v3, _, _ =	vpop (xrf0)  }
0x354: {  	(v2sf) =	vpush v3, $0xF;
	_ =	sdelay $0xe  }
0x355: {  	s30 =	spop (v2sf)  }
0x356: {  	p0 =	sgt.f32 s30, $0.0e+00  }
.Ltmp55:
0x357: {  	_ = 	snop;
	(pc) =	sbr.rel @!p0 .LBB2_52-.Ltmp55, $1  }
0x358: {  	_ =	sdelay $0x3  }
.LBB2_51:
0x359: {  	[tilespmem:v1+s5+$0x0] =	vst.idx.msk vm0, v2  }
0x35a: {  	v3 =	vld.idx.msk [tilespmem:v1+s5+$0x0], $0xffff;
	_ =	sdelay $0x4  }
0x35b: {  	vm1 =	vgt.f32 v2, v3  }
0x35c: {  	vm0 =	vmand vm0, vm1  }
0x35d: {  	v3 =	vsel vm0, $0x3F800000, v0  }
0x35e: {  	(xrf0) =	vmax.scan.msk.f32 $0xffff, v3;
	_ =	sdelay $0x5  }
0x35f: {  	v3, _, _ =	vpop (xrf0)  }
0x360: {  	(v2sf) =	vpush v3, $0xF;
	_ =	sdelay $0xe  }
0x361: {  	s23 =	spop (v2sf)  }
0x362: {  	p0 =	sgt.f32 s23, $0.0e+00  }
.Ltmp56:
0x363: {  	_ = 	snop;
	(pc) =	sbr.rel @p0 .LBB2_51-.Ltmp56, $1  }
0x364: {  	_ =	sdelay $0x3  }
.LBB2_52:
0x365: {  	s23 =	sor.u32 $0x40, s22  }
0x366: {  	v1 =	vld [tilespmem:s23+$0x1B000];
	_ =	sdelay $0x4  }
0x367: {  	v2 =	vld [tilespmem:s23+$0x1E000]  }
0x368: {  	v3 =	vld [tilespmem:s23+$0x1C800];
	_ =	sdelay $0x1  }
0x369: {  	v4 =	vld.idx.msk [tilespmem:v1+s5+$0x0], $0xffff;
	_ =	sdelay $0x2  }
0x36a: {  	v2 =	vmul.f32 v3, v2;
	_ =	sdelay $0x1  }
0x36b: {  	vm0 =	vgt.f32 v2, v4  }
0x36c: {  	v3 =	vsel vm0, $0x3F800000, v0  }
0x36d: {  	(xrf0) =	vmax.scan.msk.f32 $0xffff, v3;
	_ =	sdelay $0x5  }
0x36e: {  	v3, _, _ =	vpop (xrf0)  }
0x36f: {  	(v2sf) =	vpush v3, $0xF;
	_ =	sdelay $0xe  }
0x370: {  	s30 =	spop (v2sf)  }
0x371: {  	p0 =	sgt.f32 s30, $0.0e+00  }
.Ltmp57:
0x372: {  	_ = 	snop;
	(pc) =	sbr.rel @!p0 .LBB2_54-.Ltmp57, $1  }
0x373: {  	_ =	sdelay $0x3  }
.LBB2_53:
0x374: {  	[tilespmem:v1+s5+$0x0] =	vst.idx.msk vm0, v2  }
0x375: {  	v3 =	vld.idx.msk [tilespmem:v1+s5+$0x0], $0xffff;
	_ =	sdelay $0x4  }
0x376: {  	vm1 =	vgt.f32 v2, v3  }
0x377: {  	vm0 =	vmand vm0, vm1  }
0x378: {  	v3 =	vsel vm0, $0x3F800000, v0  }
0x379: {  	(xrf0) =	vmax.scan.msk.f32 $0xffff, v3;
	_ =	sdelay $0x5  }
0x37a: {  	v3, _, _ =	vpop (xrf0)  }
0x37b: {  	(v2sf) =	vpush v3, $0xF;
	_ =	sdelay $0xe  }
0x37c: {  	s23 =	spop (v2sf)  }
0x37d: {  	p0 =	sgt.f32 s23, $0.0e+00  }
.Ltmp58:
0x37e: {  	_ = 	snop;
	(pc) =	sbr.rel @p0 .LBB2_53-.Ltmp58, $1  }
0x37f: {  	_ =	sdelay $0x3  }
.LBB2_54:
0x380: {  	s23 =	sor.u32 $0x50, s22  }
0x381: {  	v1 =	vld [tilespmem:s23+$0x1B000];
	_ =	sdelay $0x4  }
0x382: {  	v2 =	vld [tilespmem:s23+$0x1E000]  }
0x383: {  	v3 =	vld [tilespmem:s23+$0x1C800];
	_ =	sdelay $0x1  }
0x384: {  	v4 =	vld.idx.msk [tilespmem:v1+s5+$0x0], $0xffff;
	_ =	sdelay $0x2  }
0x385: {  	v2 =	vmul.f32 v3, v2;
	_ =	sdelay $0x1  }
0x386: {  	vm0 =	vgt.f32 v2, v4  }
0x387: {  	v3 =	vsel vm0, $0x3F800000, v0  }
0x388: {  	(xrf0) =	vmax.scan.msk.f32 $0xffff, v3;
	_ =	sdelay $0x5  }
0x389: {  	v3, _, _ =	vpop (xrf0)  }
0x38a: {  	(v2sf) =	vpush v3, $0xF;
	_ =	sdelay $0xe  }
0x38b: {  	s30 =	spop (v2sf)  }
0x38c: {  	p0 =	sgt.f32 s30, $0.0e+00  }
.Ltmp59:
0x38d: {  	_ = 	snop;
	(pc) =	sbr.rel @!p0 .LBB2_56-.Ltmp59, $1  }
0x38e: {  	_ =	sdelay $0x3  }
.LBB2_55:
0x38f: {  	[tilespmem:v1+s5+$0x0] =	vst.idx.msk vm0, v2  }
0x390: {  	v3 =	vld.idx.msk [tilespmem:v1+s5+$0x0], $0xffff;
	_ =	sdelay $0x4  }
0x391: {  	vm1 =	vgt.f32 v2, v3  }
0x392: {  	vm0 =	vmand vm0, vm1  }
0x393: {  	v3 =	vsel vm0, $0x3F800000, v0  }
0x394: {  	(xrf0) =	vmax.scan.msk.f32 $0xffff, v3;
	_ =	sdelay $0x5  }
0x395: {  	v3, _, _ =	vpop (xrf0)  }
0x396: {  	(v2sf) =	vpush v3, $0xF;
	_ =	sdelay $0xe  }
0x397: {  	s23 =	spop (v2sf)  }
0x398: {  	p0 =	sgt.f32 s23, $0.0e+00  }
.Ltmp60:
0x399: {  	_ = 	snop;
	(pc) =	sbr.rel @p0 .LBB2_55-.Ltmp60, $1  }
0x39a: {  	_ =	sdelay $0x3  }
.LBB2_56:
0x39b: {  	s23 =	sor.u32 $0x60, s22  }
0x39c: {  	v1 =	vld [tilespmem:s23+$0x1B000];
	_ =	sdelay $0x4  }
0x39d: {  	v2 =	vld [tilespmem:s23+$0x1E000]  }
0x39e: {  	v3 =	vld [tilespmem:s23+$0x1C800];
	_ =	sdelay $0x1  }
0x39f: {  	v4 =	vld.idx.msk [tilespmem:v1+s5+$0x0], $0xffff;
	_ =	sdelay $0x2  }
0x3a0: {  	v2 =	vmul.f32 v3, v2;
	_ =	sdelay $0x1  }
0x3a1: {  	vm0 =	vgt.f32 v2, v4  }
0x3a2: {  	v3 =	vsel vm0, $0x3F800000, v0  }
0x3a3: {  	(xrf0) =	vmax.scan.msk.f32 $0xffff, v3;
	_ =	sdelay $0x5  }
0x3a4: {  	v3, _, _ =	vpop (xrf0)  }
0x3a5: {  	(v2sf) =	vpush v3, $0xF;
	_ =	sdelay $0xe  }
0x3a6: {  	s30 =	spop (v2sf)  }
0x3a7: {  	p0 =	sgt.f32 s30, $0.0e+00  }
.Ltmp61:
0x3a8: {  	_ = 	snop;
	(pc) =	sbr.rel @!p0 .LBB2_58-.Ltmp61, $1  }
0x3a9: {  	_ =	sdelay $0x3  }
.LBB2_57:
0x3aa: {  	[tilespmem:v1+s5+$0x0] =	vst.idx.msk vm0, v2  }
0x3ab: {  	v3 =	vld.idx.msk [tilespmem:v1+s5+$0x0], $0xffff;
	_ =	sdelay $0x4  }
0x3ac: {  	vm1 =	vgt.f32 v2, v3  }
0x3ad: {  	vm0 =	vmand vm0, vm1  }
0x3ae: {  	v3 =	vsel vm0, $0x3F800000, v0  }
0x3af: {  	(xrf0) =	vmax.scan.msk.f32 $0xffff, v3;
	_ =	sdelay $0x5  }
0x3b0: {  	v3, _, _ =	vpop (xrf0)  }
0x3b1: {  	(v2sf) =	vpush v3, $0xF;
	_ =	sdelay $0xe  }
0x3b2: {  	s23 =	spop (v2sf)  }
0x3b3: {  	p0 =	sgt.f32 s23, $0.0e+00  }
.Ltmp62:
0x3b4: {  	_ = 	snop;
	(pc) =	sbr.rel @p0 .LBB2_57-.Ltmp62, $1  }
0x3b5: {  	_ =	sdelay $0x3  }
.LBB2_58:
0x3b6: {  	s22 =	sor.u32 $0x70, s22  }
0x3b7: {  	v1 =	vld [tilespmem:s22+$0x1B000];
	_ =	sdelay $0x4  }
0x3b8: {  	v2 =	vld [tilespmem:s22+$0x1E000]  }
0x3b9: {  	v3 =	vld [tilespmem:s22+$0x1C800];
	_ =	sdelay $0x1  }
0x3ba: {  	v4 =	vld.idx.msk [tilespmem:v1+s5+$0x0], $0xffff;
	_ =	sdelay $0x2  }
0x3bb: {  	v2 =	vmul.f32 v3, v2;
	_ =	sdelay $0x1  }
0x3bc: {  	vm0 =	vgt.f32 v2, v4  }
0x3bd: {  	v3 =	vsel vm0, $0x3F800000, v0  }
0x3be: {  	(xrf0) =	vmax.scan.msk.f32 $0xffff, v3;
	_ =	sdelay $0x5  }
0x3bf: {  	v3, _, _ =	vpop (xrf0)  }
0x3c0: {  	(v2sf) =	vpush v3, $0xF;
	_ =	sdelay $0xe  }
0x3c1: {  	s30 =	spop (v2sf)  }
0x3c2: {  	p0 =	sgt.f32 s30, $0.0e+00  }
.Ltmp63:
0x3c3: {  	_ = 	snop;
	(pc) =	sbr.rel @!p0 .LBB2_60-.Ltmp63, $1  }
0x3c4: {  	_ =	sdelay $0x3  }
.LBB2_59:
0x3c5: {  	[tilespmem:v1+s5+$0x0] =	vst.idx.msk vm0, v2  }
0x3c6: {  	v3 =	vld.idx.msk [tilespmem:v1+s5+$0x0], $0xffff;
	_ =	sdelay $0x4  }
0x3c7: {  	vm1 =	vgt.f32 v2, v3  }
0x3c8: {  	vm0 =	vmand vm0, vm1  }
0x3c9: {  	v3 =	vsel vm0, $0x3F800000, v0  }
0x3ca: {  	(xrf0) =	vmax.scan.msk.f32 $0xffff, v3;
	_ =	sdelay $0x5  }
0x3cb: {  	v3, _, _ =	vpop (xrf0)  }
0x3cc: {  	(v2sf) =	vpush v3, $0xF;
	_ =	sdelay $0xe  }
0x3cd: {  	s22 =	spop (v2sf)  }
0x3ce: {  	p0 =	sgt.f32 s22, $0.0e+00  }
.Ltmp64:
0x3cf: {  	_ = 	snop;
	(pc) =	sbr.rel @p0 .LBB2_59-.Ltmp64, $1  }
0x3d0: {  	_ =	sdelay $0x3  }
.Ltmp65:
0x3d1: {  	_ = 	snop;
	(pc) =	sbr.rel .LBB2_60-.Ltmp65, $1  }
0x3d2: {  	_ =	sdelay $0x3  }
.LBB2_63:
0x3d3: {  	_ =	sfence.sel $0x180000  }
0x3d4: {  	[bflag:$0x0] =	sbarrier.arrive $0xFFFF  }
0x3d5: {  	_ =	strace $0x90000047  }
0x3d6: {  	s0 =	stileid.u32;
	[bflag:$0x2] =	sbarrier.arrive $0xFFFF  }
0x3d7: {  	p0 =	sne.s32 s0, $0x0;
	s0 =	rddreg [dreg:$0x4]  }
0x3d8: {  	s0 =	sadd.s32 @!p0 $0x100000, s0  }
0x3d9: {  	[sflag:s0] =	ssyncadd.tile.s32 @!p0 $0x1;
	_ =	shalt  }
.Lfunc_end2:
_tile_overlayer_lowered:
.L_overlay_start_2:
0x3da: {  	(tag) =	ssettag $0x2  }
0x3db: {  	s0 =	rddreg [dreg:$0x0];
	s2 =	stileid.u32  }
0x3dc: {  	s1 =	rddreg [dreg:$0x1];
	p0 =	sne.s32 s2, $0x0  }
0x3dd: {  	s3 =	rddreg [dreg:$0x2];
	[bflag:$0x3] =	sbarrier.arrive $0xFFFF;
	s2 =	simm.s32 @!p0 $0x1C07  }
0x3de: {  	[timem:s3], [sflag:s2] =	dma.local @!p0 [hbm:s0], s1  }
0x3df: {  	s0 =	simm.s32 @!p0 $0x7  }
0x3e0: {  	_ =	swait.ge @!p0 [sflag:s0], s1  }
0x3e1: {  	s1 =	ssub.s32 @!p0 $0x0, s1;
	[sflag:s0] =	ssyncset.done @!p0 $0x0  }
0x3e2: {  	[sflag:s0] =	ssyncadd.s32 @!p0 s1  }
0x3e3: {  	[bflag:$0x3] =	sbarrier.arrive $0xFFFF  }
0x3e4: {  	_ =	shalt  }

</sc_bundles>
